<compile_context>
chip_gen: v7x
topology: tpu7x:2x2x1
jax: 0.10.2.dev20260603
libtpu: 0.0.44.dev20260713+nightly
codegen_flags: <defaults>
</compile_context>

<pallas_src>
import functools

import jax
import jax.numpy as jnp
from jax import lax
from jax.experimental import pallas as pl
from jax.experimental.pallas import tpu as pltpu
from jax.experimental.pallas import tpu_sc as plsc

_LANES = 16
_NW = 32


def _tree_prod(vals):
    vals = list(vals)
    while len(vals) > 1:
        nxt = [a * b for a, b in zip(vals[0::2], vals[1::2])]
        if len(vals) % 2:
            nxt.append(vals[-1])
        vals = nxt
    return vals[0]


def _make_sc_call(n, K, Mc):
    per_w = n // _NW
    ch = per_w // _LANES
    mesh = plsc.VectorSubcoreMesh(core_axis_name="c", subcore_axis_name="s")

    def _const(v, dtype=jnp.int32):
        return jnp.full((_LANES,), v, dtype)

    @functools.partial(
        pl.kernel,
        mesh=mesh,
        out_type=jax.ShapeDtypeStruct((_NW * _LANES,), jnp.float32),
        compiler_params=pltpu.CompilerParams(needs_layout_passes=False),
        scratch_types=[
            pltpu.VMEM((per_w,), jnp.float32),
            pltpu.VMEM((per_w,), jnp.int32),
            pltpu.VMEM((Mc + 2, _LANES), jnp.float32),
            pltpu.VMEM((K + 1, _LANES), jnp.float32),
            pltpu.VMEM((2 * _LANES,), jnp.float32),
            pltpu.VMEM((_LANES,), jnp.float32),
            pltpu.VMEM((2 * _LANES,), jnp.float32),
            pltpu.VMEM((_LANES,), jnp.float32),
            pltpu.SemaphoreType.DMA,
            pltpu.SemaphoreType.DMA,
        ],
    )
    def sc_body(x_hbm, t_hbm, sm_hbm, out_hbm,
                x_v, t_v, sm_v, tab_v, r_v, scr_v, po_v, acc_v, sem1, sem2):
        wid = lax.axis_index("c") * 16 + lax.axis_index("s")
        base = wid * per_w
        cp_x = pltpu.async_copy(x_hbm.at[pl.ds(base, per_w)], x_v, sem1)
        cp_t = pltpu.async_copy(t_hbm.at[pl.ds(base, per_w)], t_v, sem2)
        pltpu.sync_copy(sm_hbm, sm_v)

        zeros = jnp.zeros((_LANES,), jnp.float32)
        lane = lax.iota(jnp.int32, _LANES)

        cut = sm_v[Mc, :]
        pi = sm_v[Mc + 1, :]
        r = jnp.where(lane < K, jnp.exp(cut), zeros)
        r_v[pl.ds(_LANES, _LANES)] = r
        rb = [plsc.load_gather(r_v, [_const(_LANES + k)])
              for k in range(K)]

        crows = [sm_v[j, :] for j in range(Mc)]
        wvec = [(crows[j] - crows[j + 1]) * pi * rb[j] for j in range(K)]
        bvec = pi * crows[Mc - 1]

        lanem1 = jnp.maximum(lane - 1, 0)
        lane_ge1 = lane >= 1

        def shift_down(v):
            scr_v[...] = v
            g = plsc.load_gather(scr_v, [lanem1])
            return jnp.where(lane_ge1, g, zeros)

        one0 = jnp.where(lane == 0, jnp.float32(1.0), zeros)
        q = one0
        for k in range(K):
            q = shift_down(q) + rb[k] * q
        po_v[pl.ds(_LANES, _LANES)] = q
        qb = [plsc.load_gather(po_v, [_const(_LANES + i)])
              for i in range(K + 1)]
        qjb = []
        for j in range(K):
            v = one0
            for k in range(K):
                if k != j:
                    v = shift_down(v) + rb[k] * v
            po_v[pl.ds(_LANES, _LANES)] = v
            qjb.append([plsc.load_gather(po_v, [_const(_LANES + i)])
                        for i in range(K)])
        for k in range(K + 1):
            i = K - k
            row = bvec * qb[i]
            if i < K:
                for j in range(K):
                    row = row + wvec[j] * qjb[j][i]
            tab_v[k, :] = row

        cp_x.wait()
        cp_t.wait()

        r_vecs = rb

        def body(i, acc):
            off = i * _LANES
            x = x_v[pl.ds(off, _LANES)]
            t = t_v[pl.ds(off, _LANES)]
            E = jnp.minimum(jnp.exp(x), jnp.float32(1e4))
            qq = _tree_prod([E + rv for rv in r_vecs])
            c = [plsc.load_gather(tab_v.at[k], [t]) for k in range(K + 1)]
            E2 = E * E
            pe = c[1]
            po = c[0]
            for k in range(3, K + 1, 2):
                pe = pe * E2 + c[k]
                po = po * E2 + c[k - 1]
            p = pe + po * E
            return acc + p / qq

        acc = lax.fori_loop(0, ch, body, zeros, unroll=2)
        acc_v[...] = acc
        pltpu.sync_copy(acc_v, out_hbm.at[pl.ds(wid * _LANES, _LANES)])

    return sc_body


def kernel(inputs, targets, cutpoints, Pi, C):
    Mc = C.shape[0]
    K = Mc - 1
    n = inputs.shape[0]

    f32 = jnp.float32
    smC = jnp.pad(C.astype(f32), ((0, 2), (0, _LANES - Mc)))
    smcut = jnp.pad(cutpoints.astype(f32)[None, :],
                    ((Mc, 1), (0, _LANES - K)))
    smpi = jnp.pad(Pi.astype(f32)[None, :], ((Mc + 1, 0), (0, _LANES - Mc)))
    sm = smC + smcut + smpi

    sc_call = _make_sc_call(n, K, Mc)
    partials = sc_call(inputs.astype(jnp.float32), targets.astype(jnp.int32),
                       sm)
    return jnp.sum(partials)

# --- scband reference (transcript-rebuilt; emitter-appended) ---
"""Pipeline reference for scband-bayesian-loss-4252017623364 (READ-ONLY COPY).

The authoritative reference and input builder live on the scoring server;
editing this copy changes nothing except your own understanding.
"""

import jax, jax.numpy as jnp
import numpy as np

N = 1048576
M = 10


def setup_inputs(seed: int = 0):
    key = jax.random.key(seed)
    k1, k2 = jax.random.split(key)
    inputs = jax.random.normal(k1, (N,), dtype=jnp.float32)
    targets = jax.random.randint(k2, (N,), 0, M)
    cutpoints = jnp.arange(M - 1, dtype=jnp.float32)
    Pi = jnp.full((M,), 1.0 / M, dtype=jnp.float32)
    idx = jnp.arange(M, dtype=jnp.float32)
    C = jnp.abs(idx[:, None] - idx[None, :])
    return {"inputs": inputs, "targets": targets, "cutpoints": cutpoints, "Pi": Pi, "C": C}


def reference(inputs, targets, cutpoints, Pi, C):
    # Faithful translation of BayesianLoss.forward with K = sigmoid kernel.
    M_ = C.shape[0]
    total = jnp.float32(0.0)
    for t in range(M_):
        mask = targets == t
        C_t = C[:, t]
        cost_diff = C_t[:-1] - C_t[1:]
        cutpoint_diff = cutpoints[None, :] - inputs[:, None]
        class_loss = jnp.sum(cost_diff * jax.nn.sigmoid(cutpoint_diff), axis=1) + C_t[-1]
        masked_loss = jnp.where(mask, class_loss, jnp.float32(0.0))
        total = total + jnp.sum(masked_loss) * Pi[t]
    return total

if __name__ == "__main__":
    import jax
    _d = setup_inputs()
    print(jax.jit(kernel)(*tuple(_d.values())))

</pallas_src>

<mosaic_0001>
#map = affine_map<(d0, d1) -> (0)>
#map1 = affine_map<(d0, d1) -> (0, 0)>
module attributes {stable_mosaic.version = 14 : i64} {
  func.func @sc_body(%arg0: i32, %arg1: i32, %arg2: memref<1048576xf32, #tpu.memory_space<hbm>>, %arg3: memref<1048576xi32, #tpu.memory_space<hbm>>, %arg4: memref<12x16xf32, #tpu.memory_space<hbm>>, %arg5: memref<512xf32, #tpu.memory_space<hbm>>, %arg6: memref<32768xf32, #tpu.memory_space<vmem>>, %arg7: memref<32768xi32, #tpu.memory_space<vmem>>, %arg8: memref<12x16xf32, #tpu.memory_space<vmem>>, %arg9: memref<10x16xf32, #tpu.memory_space<vmem>>, %arg10: memref<32xf32, #tpu.memory_space<vmem>>, %arg11: memref<16xf32, #tpu.memory_space<vmem>>, %arg12: memref<32xf32, #tpu.memory_space<vmem>>, %arg13: memref<16xf32, #tpu.memory_space<vmem>>, %arg14: memref<!tpu.dma_semaphore, #tpu.memory_space<semaphore_mem>>, %arg15: memref<!tpu.dma_semaphore, #tpu.memory_space<semaphore_mem>>) attributes {dimension_semantics = [#tpu.dimension_semantics<core_parallel>, #tpu.dimension_semantics<subcore_parallel>], iteration_bounds = array<i64: 2, 16>, scalar_prefetch = 0 : i64, scratch_operands = 10 : i64, tpu.core_type = #tpu.core_type<sc_vector_subcore>, window_params = [{transform_indices = #map}, {transform_indices = #map}, {transform_indices = #map1}, {transform_indices = #map}]} {
    %mul3A = arith.constant 16 : i32
    %mul3A_0 = arith.muli %arg0, %mul3A : i32
    %add3A = arith.addi %mul3A_0, %arg1 : i32
    %mul3A_1 = arith.constant 32768 : i32
    %mul3A_2 = arith.muli %add3A, %mul3A_1 : i32
    %dma_start3A = tpu.memref_slice %arg2[%mul3A_2] : memref<1048576xf32, #tpu.memory_space<hbm>> -> memref<32768xf32, #tpu.memory_space<hbm>>
    %dma_start3A_3 = tpu.memref_slice %arg2[%mul3A_2] : memref<1048576xf32, #tpu.memory_space<hbm>> -> memref<32768xf32, #tpu.memory_space<hbm>>
    tpu.enqueue_dma source(%dma_start3A_3 : memref<32768xf32, #tpu.memory_space<hbm>>) target(%arg6 : memref<32768xf32, #tpu.memory_space<vmem>>) target_semaphore(%arg14 : memref<!tpu.dma_semaphore, #tpu.memory_space<semaphore_mem>>)
    %dma_start3A_4 = tpu.memref_slice %arg3[%mul3A_2] : memref<1048576xi32, #tpu.memory_space<hbm>> -> memref<32768xi32, #tpu.memory_space<hbm>>
    %dma_start3A_5 = tpu.memref_slice %arg3[%mul3A_2] : memref<1048576xi32, #tpu.memory_space<hbm>> -> memref<32768xi32, #tpu.memory_space<hbm>>
    tpu.enqueue_dma source(%dma_start3A_5 : memref<32768xi32, #tpu.memory_space<hbm>>) target(%arg7 : memref<32768xi32, #tpu.memory_space<vmem>>) target_semaphore(%arg15 : memref<!tpu.dma_semaphore, #tpu.memory_space<semaphore_mem>>)
    "tpu.region"() ({
      %run_scoped3A = tpu.sem_alloc : memref<!tpu.dma_semaphore, #tpu.memory_space<semaphore_mem>>
      tpu.enqueue_dma source(%arg4 : memref<12x16xf32, #tpu.memory_space<hbm>>) target(%arg8 : memref<12x16xf32, #tpu.memory_space<vmem>>) target_semaphore(%run_scoped3A : memref<!tpu.dma_semaphore, #tpu.memory_space<semaphore_mem>>)
      tpu.wait_dma2 semaphore(%run_scoped3A : memref<!tpu.dma_semaphore, #tpu.memory_space<semaphore_mem>>) src(%arg4 : memref<12x16xf32, #tpu.memory_space<hbm>>) dst(%arg8 : memref<12x16xf32, #tpu.memory_space<vmem>>)
      tpu.yield
    }) : () -> ()
    %broadcast_in_dim3A = arith.constant 0.000000e+00 : f32
    %broadcast_in_dim3A_6 = vector.broadcast %broadcast_in_dim3A : f32 to vector<16xf32>
    %iota3A = tpu.iota {dimensions = array<i32: 0>} : vector<16xi32>
    %get3A = arith.constant 10 : i32
    %get3A_7 = arith.index_cast %get3A : i32 to index
    %get3A_8 = arith.constant 0 : index
    %get3A_9 = tpu.vector_load %arg8[%get3A_7, %get3A_8] {strides = array<i32>} : memref<12x16xf32, #tpu.memory_space<vmem>>, vector<16xf32>,
    %get3A_10 = arith.constant 11 : i32
    %get3A_11 = arith.index_cast %get3A_10 : i32 to index
    %get3A_12 = arith.constant 0 : index
    %get3A_13 = tpu.vector_load %arg8[%get3A_11, %get3A_12] {strides = array<i32>} : memref<12x16xf32, #tpu.memory_space<vmem>>, vector<16xf32>,
    %lt3A = arith.constant 9 : i32
    %lt3A_14 = vector.broadcast %lt3A : i32 to vector<16xi32>
    %lt3A_15 = arith.cmpi slt, %iota3A, %lt3A_14 : vector<16xi32>
    %exp3A = math.exp %get3A_9 : vector<16xf32>
    %select_n3A = arith.select %lt3A_15, %exp3A, %broadcast_in_dim3A_6 : vector<16xi1>, vector<16xf32>
    %swap3A = arith.constant 16 : index
    %swap3A_16 = tpu.vector_load %arg10[%swap3A] {strides = array<i32>} : memref<32xf32, #tpu.memory_space<vmem>>, vector<16xf32>,
    tpu.vector_store %arg10[%swap3A], %select_n3A {strides = array<i32>} : memref<32xf32, #tpu.memory_space<vmem>>, vector<16xf32>,
    %broadcast_in_dim3A_17 = arith.constant 16 : i32
    %broadcast_in_dim3A_18 = vector.broadcast %broadcast_in_dim3A_17 : i32 to vector<16xi32>
    %gather3A = tpu.vector_load_idx %arg10[%broadcast_in_dim3A_18] : memref<32xf32, #tpu.memory_space<vmem>>[vector<16xi32>], vector<16xf32>,
    %broadcast_in_dim3A_19 = arith.constant 17 : i32
    %broadcast_in_dim3A_20 = vector.broadcast %broadcast_in_dim3A_19 : i32 to vector<16xi32>
    %gather3A_21 = tpu.vector_load_idx %arg10[%broadcast_in_dim3A_20] : memref<32xf32, #tpu.memory_space<vmem>>[vector<16xi32>], vector<16xf32>,
    %broadcast_in_dim3A_22 = arith.constant 18 : i32
    %broadcast_in_dim3A_23 = vector.broadcast %broadcast_in_dim3A_22 : i32 to vector<16xi32>
    %gather3A_24 = tpu.vector_load_idx %arg10[%broadcast_in_dim3A_23] : memref<32xf32, #tpu.memory_space<vmem>>[vector<16xi32>], vector<16xf32>,
    %broadcast_in_dim3A_25 = arith.constant 19 : i32
    %broadcast_in_dim3A_26 = vector.broadcast %broadcast_in_dim3A_25 : i32 to vector<16xi32>
    %gather3A_27 = tpu.vector_load_idx %arg10[%broadcast_in_dim3A_26] : memref<32xf32, #tpu.memory_space<vmem>>[vector<16xi32>], vector<16xf32>,
    %broadcast_in_dim3A_28 = arith.constant 20 : i32
    %broadcast_in_dim3A_29 = vector.broadcast %broadcast_in_dim3A_28 : i32 to vector<16xi32>
    %gather3A_30 = tpu.vector_load_idx %arg10[%broadcast_in_dim3A_29] : memref<32xf32, #tpu.memory_space<vmem>>[vector<16xi32>], vector<16xf32>,
    %broadcast_in_dim3A_31 = arith.constant 21 : i32
    %broadcast_in_dim3A_32 = vector.broadcast %broadcast_in_dim3A_31 : i32 to vector<16xi32>
    %gather3A_33 = tpu.vector_load_idx %arg10[%broadcast_in_dim3A_32] : memref<32xf32, #tpu.memory_space<vmem>>[vector<16xi32>], vector<16xf32>,
    %broadcast_in_dim3A_34 = arith.constant 22 : i32
    %broadcast_in_dim3A_35 = vector.broadcast %broadcast_in_dim3A_34 : i32 to vector<16xi32>
    %gather3A_36 = tpu.vector_load_idx %arg10[%broadcast_in_dim3A_35] : memref<32xf32, #tpu.memory_space<vmem>>[vector<16xi32>], vector<16xf32>,
    %broadcast_in_dim3A_37 = arith.constant 23 : i32
    %broadcast_in_dim3A_38 = vector.broadcast %broadcast_in_dim3A_37 : i32 to vector<16xi32>
    %gather3A_39 = tpu.vector_load_idx %arg10[%broadcast_in_dim3A_38] : memref<32xf32, #tpu.memory_space<vmem>>[vector<16xi32>], vector<16xf32>,
    %broadcast_in_dim3A_40 = arith.constant 24 : i32
    %broadcast_in_dim3A_41 = vector.broadcast %broadcast_in_dim3A_40 : i32 to vector<16xi32>
    %gather3A_42 = tpu.vector_load_idx %arg10[%broadcast_in_dim3A_41] : memref<32xf32, #tpu.memory_space<vmem>>[vector<16xi32>], vector<16xf32>,
    %get3A_43 = arith.constant 0 : i32
    %get3A_44 = arith.index_cast %get3A_43 : i32 to index
    %get3A_45 = arith.constant 0 : index
    %get3A_46 = tpu.vector_load %arg8[%get3A_44, %get3A_45] {strides = array<i32>} : memref<12x16xf32, #tpu.memory_space<vmem>>, vector<16xf32>,
    %get3A_47 = arith.constant 1 : i32
    %get3A_48 = arith.index_cast %get3A_47 : i32 to index
    %get3A_49 = arith.constant 0 : index
    %get3A_50 = tpu.vector_load %arg8[%get3A_48, %get3A_49] {strides = array<i32>} : memref<12x16xf32, #tpu.memory_space<vmem>>, vector<16xf32>,
    %get3A_51 = arith.constant 2 : i32
    %get3A_52 = arith.index_cast %get3A_51 : i32 to index
    %get3A_53 = arith.constant 0 : index
    %get3A_54 = tpu.vector_load %arg8[%get3A_52, %get3A_53] {strides = array<i32>} : memref<12x16xf32, #tpu.memory_space<vmem>>, vector<16xf32>,
    %get3A_55 = arith.constant 3 : i32
    %get3A_56 = arith.index_cast %get3A_55 : i32 to index
    %get3A_57 = arith.constant 0 : index
    %get3A_58 = tpu.vector_load %arg8[%get3A_56, %get3A_57] {strides = array<i32>} : memref<12x16xf32, #tpu.memory_space<vmem>>, vector<16xf32>,
    %get3A_59 = arith.constant 4 : i32
    %get3A_60 = arith.index_cast %get3A_59 : i32 to index
    %get3A_61 = arith.constant 0 : index
    %get3A_62 = tpu.vector_load %arg8[%get3A_60, %get3A_61] {strides = array<i32>} : memref<12x16xf32, #tpu.memory_space<vmem>>, vector<16xf32>,
    %get3A_63 = arith.constant 5 : i32
    %get3A_64 = arith.index_cast %get3A_63 : i32 to index
    %get3A_65 = arith.constant 0 : index
    %get3A_66 = tpu.vector_load %arg8[%get3A_64, %get3A_65] {strides = array<i32>} : memref<12x16xf32, #tpu.memory_space<vmem>>, vector<16xf32>,
    %get3A_67 = arith.constant 6 : i32
    %get3A_68 = arith.index_cast %get3A_67 : i32 to index
    %get3A_69 = arith.constant 0 : index
    %get3A_70 = tpu.vector_load %arg8[%get3A_68, %get3A_69] {strides = array<i32>} : memref<12x16xf32, #tpu.memory_space<vmem>>, vector<16xf32>,
    %get3A_71 = arith.constant 7 : i32
    %get3A_72 = arith.index_cast %get3A_71 : i32 to index
    %get3A_73 = arith.constant 0 : index
    %get3A_74 = tpu.vector_load %arg8[%get3A_72, %get3A_73] {strides = array<i32>} : memref<12x16xf32, #tpu.memory_space<vmem>>, vector<16xf32>,
    %get3A_75 = arith.constant 8 : i32
    %get3A_76 = arith.index_cast %get3A_75 : i32 to index
    %get3A_77 = arith.constant 0 : index
    %get3A_78 = tpu.vector_load %arg8[%get3A_76, %get3A_77] {strides = array<i32>} : memref<12x16xf32, #tpu.memory_space<vmem>>, vector<16xf32>,
    %get3A_79 = arith.constant 9 : i32
    %get3A_80 = arith.index_cast %get3A_79 : i32 to index
    %get3A_81 = arith.constant 0 : index
    %get3A_82 = tpu.vector_load %arg8[%get3A_80, %get3A_81] {strides = array<i32>} : memref<12x16xf32, #tpu.memory_space<vmem>>, vector<16xf32>,
    %sub3A = arith.subf %get3A_46, %get3A_50 : vector<16xf32>
    %mul3A_83 = arith.mulf %sub3A, %get3A_13 : vector<16xf32>
    %mul3A_84 = arith.mulf %mul3A_83, %gather3A : vector<16xf32>
    %sub3A_85 = arith.subf %get3A_50, %get3A_54 : vector<16xf32>
    %mul3A_86 = arith.mulf %sub3A_85, %get3A_13 : vector<16xf32>
    %mul3A_87 = arith.mulf %mul3A_86, %gather3A_21 : vector<16xf32>
    %sub3A_88 = arith.subf %get3A_54, %get3A_58 : vector<16xf32>
    %mul3A_89 = arith.mulf %sub3A_88, %get3A_13 : vector<16xf32>
    %mul3A_90 = arith.mulf %mul3A_89, %gather3A_24 : vector<16xf32>
    %sub3A_91 = arith.subf %get3A_58, %get3A_62 : vector<16xf32>
    %mul3A_92 = arith.mulf %sub3A_91, %get3A_13 : vector<16xf32>
    %mul3A_93 = arith.mulf %mul3A_92, %gather3A_27 : vector<16xf32>
    %sub3A_94 = arith.subf %get3A_62, %get3A_66 : vector<16xf32>
    %mul3A_95 = arith.mulf %sub3A_94, %get3A_13 : vector<16xf32>
    %mul3A_96 = arith.mulf %mul3A_95, %gather3A_30 : vector<16xf32>
    %sub3A_97 = arith.subf %get3A_66, %get3A_70 : vector<16xf32>
    %mul3A_98 = arith.mulf %sub3A_97, %get3A_13 : vector<16xf32>
    %mul3A_99 = arith.mulf %mul3A_98, %gather3A_33 : vector<16xf32>
    %sub3A_100 = arith.subf %get3A_70, %get3A_74 : vector<16xf32>
    %mul3A_101 = arith.mulf %sub3A_100, %get3A_13 : vector<16xf32>
    %mul3A_102 = arith.mulf %mul3A_101, %gather3A_36 : vector<16xf32>
    %sub3A_103 = arith.subf %get3A_74, %get3A_78 : vector<16xf32>
    %mul3A_104 = arith.mulf %sub3A_103, %get3A_13 : vector<16xf32>
    %mul3A_105 = arith.mulf %mul3A_104, %gather3A_39 : vector<16xf32>
    %sub3A_106 = arith.subf %get3A_78, %get3A_82 : vector<16xf32>
    %mul3A_107 = arith.mulf %sub3A_106, %get3A_13 : vector<16xf32>
    %mul3A_108 = arith.mulf %mul3A_107, %gather3A_42 : vector<16xf32>
    %mul3A_109 = arith.mulf %get3A_13, %get3A_82 : vector<16xf32>
    %sub3A_110 = arith.constant 1 : i32
    %sub3A_111 = vector.broadcast %sub3A_110 : i32 to vector<16xi32>
    %sub3A_112 = arith.subi %iota3A, %sub3A_111 : vector<16xi32>
    %max3A = arith.constant 0 : i32
    %max3A_113 = vector.broadcast %max3A : i32 to vector<16xi32>
    %max3A_114 = arith.maxsi %sub3A_112, %max3A_113 : vector<16xi32>
    %ge3A = arith.constant 1 : i32
    %ge3A_115 = vector.broadcast %ge3A : i32 to vector<16xi32>
    %ge3A_116 = arith.cmpi sge, %iota3A, %ge3A_115 : vector<16xi32>
    %eq3A = arith.constant 0 : i32
    %eq3A_117 = vector.broadcast %eq3A : i32 to vector<16xi32>
    %eq3A_118 = arith.cmpi eq, %iota3A, %eq3A_117 : vector<16xi32>
    %jit3A = arith.constant 1.000000e+00 : f32
    %broadcast_in_dim3A_119 = vector.broadcast %jit3A : f32 to vector<16xf32>
    %select_n3A_120 = arith.select %eq3A_118, %broadcast_in_dim3A_119, %broadcast_in_dim3A_6 : vector<16xi1>, vector<16xf32>
    %swap3A_121 = arith.constant 0 : index
    %swap3A_122 = tpu.vector_load %arg11[%swap3A_121] {strides = array<i32>} : memref<16xf32, #tpu.memory_space<vmem>>, vector<16xf32>,
    tpu.vector_store %arg11[%swap3A_121], %select_n3A_120 {strides = array<i32>} : memref<16xf32, #tpu.memory_space<vmem>>, vector<16xf32>,
    %gather3A_123 = tpu.vector_load_idx %arg11[%max3A_114] : memref<16xf32, #tpu.memory_space<vmem>>[vector<16xi32>], vector<16xf32>,
    %select_n3A_124 = arith.select %ge3A_116, %gather3A_123, %broadcast_in_dim3A_6 : vector<16xi1>, vector<16xf32>
    %mul3A_125 = arith.mulf %gather3A, %select_n3A_120 : vector<16xf32>
    %add3A_126 = arith.addf %select_n3A_124, %mul3A_125 : vector<16xf32>
    %swap3A_127 = arith.constant 0 : index
    %swap3A_128 = tpu.vector_load %arg11[%swap3A_127] {strides = array<i32>} : memref<16xf32, #tpu.memory_space<vmem>>, vector<16xf32>,
    tpu.vector_store %arg11[%swap3A_127], %add3A_126 {strides = array<i32>} : memref<16xf32, #tpu.memory_space<vmem>>, vector<16xf32>,
    %gather3A_129 = tpu.vector_load_idx %arg11[%max3A_114] : memref<16xf32, #tpu.memory_space<vmem>>[vector<16xi32>], vector<16xf32>,
    %select_n3A_130 = arith.select %ge3A_116, %gather3A_129, %broadcast_in_dim3A_6 : vector<16xi1>, vector<16xf32>
    %mul3A_131 = arith.mulf %gather3A_21, %add3A_126 : vector<16xf32>
    %add3A_132 = arith.addf %select_n3A_130, %mul3A_131 : vector<16xf32>
    %swap3A_133 = arith.constant 0 : index
    %swap3A_134 = tpu.vector_load %arg11[%swap3A_133] {strides = array<i32>} : memref<16xf32, #tpu.memory_space<vmem>>, vector<16xf32>,
    tpu.vector_store %arg11[%swap3A_133], %add3A_132 {strides = array<i32>} : memref<16xf32, #tpu.memory_space<vmem>>, vector<16xf32>,
    %gather3A_135 = tpu.vector_load_idx %arg11[%max3A_114] : memref<16xf32, #tpu.memory_space<vmem>>[vector<16xi32>], vector<16xf32>,
    %select_n3A_136 = arith.select %ge3A_116, %gather3A_135, %broadcast_in_dim3A_6 : vector<16xi1>, vector<16xf32>
    %mul3A_137 = arith.mulf %gather3A_24, %add3A_132 : vector<16xf32>
    %add3A_138 = arith.addf %select_n3A_136, %mul3A_137 : vector<16xf32>
    %swap3A_139 = arith.constant 0 : index
    %swap3A_140 = tpu.vector_load %arg11[%swap3A_139] {strides = array<i32>} : memref<16xf32, #tpu.memory_space<vmem>>, vector<16xf32>,
    tpu.vector_store %arg11[%swap3A_139], %add3A_138 {strides = array<i32>} : memref<16xf32, #tpu.memory_space<vmem>>, vector<16xf32>,
    %gather3A_141 = tpu.vector_load_idx %arg11[%max3A_114] : memref<16xf32, #tpu.memory_space<vmem>>[vector<16xi32>], vector<16xf32>,
    %select_n3A_142 = arith.select %ge3A_116, %gather3A_141, %broadcast_in_dim3A_6 : vector<16xi1>, vector<16xf32>
    %mul3A_143 = arith.mulf %gather3A_27, %add3A_138 : vector<16xf32>
    %add3A_144 = arith.addf %select_n3A_142, %mul3A_143 : vector<16xf32>
    %swap3A_145 = arith.constant 0 : index
    %swap3A_146 = tpu.vector_load %arg11[%swap3A_145] {strides = array<i32>} : memref<16xf32, #tpu.memory_space<vmem>>, vector<16xf32>,
    tpu.vector_store %arg11[%swap3A_145], %add3A_144 {strides = array<i32>} : memref<16xf32, #tpu.memory_space<vmem>>, vector<16xf32>,
    %gather3A_147 = tpu.vector_load_idx %arg11[%max3A_114] : memref<16xf32, #tpu.memory_space<vmem>>[vector<16xi32>], vector<16xf32>,
    %select_n3A_148 = arith.select %ge3A_116, %gather3A_147, %broadcast_in_dim3A_6 : vector<16xi1>, vector<16xf32>
    %mul3A_149 = arith.mulf %gather3A_30, %add3A_144 : vector<16xf32>
    %add3A_150 = arith.addf %select_n3A_148, %mul3A_149 : vector<16xf32>
    %swap3A_151 = arith.constant 0 : index
    %swap3A_152 = tpu.vector_load %arg11[%swap3A_151] {strides = array<i32>} : memref<16xf32, #tpu.memory_space<vmem>>, vector<16xf32>,
    tpu.vector_store %arg11[%swap3A_151], %add3A_150 {strides = array<i32>} : memref<16xf32, #tpu.memory_space<vmem>>, vector<16xf32>,
    %gather3A_153 = tpu.vector_load_idx %arg11[%max3A_114] : memref<16xf32, #tpu.memory_space<vmem>>[vector<16xi32>], vector<16xf32>,
    %select_n3A_154 = arith.select %ge3A_116, %gather3A_153, %broadcast_in_dim3A_6 : vector<16xi1>, vector<16xf32>
    %mul3A_155 = arith.mulf %gather3A_33, %add3A_150 : vector<16xf32>
    %add3A_156 = arith.addf %select_n3A_154, %mul3A_155 : vector<16xf32>
    %swap3A_157 = arith.constant 0 : index
    %swap3A_158 = tpu.vector_load %arg11[%swap3A_157] {strides = array<i32>} : memref<16xf32, #tpu.memory_space<vmem>>, vector<16xf32>,
    tpu.vector_store %arg11[%swap3A_157], %add3A_156 {strides = array<i32>} : memref<16xf32, #tpu.memory_space<vmem>>, vector<16xf32>,
    %gather3A_159 = tpu.vector_load_idx %arg11[%max3A_114] : memref<16xf32, #tpu.memory_space<vmem>>[vector<16xi32>], vector<16xf32>,
    %select_n3A_160 = arith.select %ge3A_116, %gather3A_159, %broadcast_in_dim3A_6 : vector<16xi1>, vector<16xf32>
    %mul3A_161 = arith.mulf %gather3A_36, %add3A_156 : vector<16xf32>
    %add3A_162 = arith.addf %select_n3A_160, %mul3A_161 : vector<16xf32>
    %swap3A_163 = arith.constant 0 : index
    %swap3A_164 = tpu.vector_load %arg11[%swap3A_163] {strides = array<i32>} : memref<16xf32, #tpu.memory_space<vmem>>, vector<16xf32>,
    tpu.vector_store %arg11[%swap3A_163], %add3A_162 {strides = array<i32>} : memref<16xf32, #tpu.memory_space<vmem>>, vector<16xf32>,
    %gather3A_165 = tpu.vector_load_idx %arg11[%max3A_114] : memref<16xf32, #tpu.memory_space<vmem>>[vector<16xi32>], vector<16xf32>,
    %select_n3A_166 = arith.select %ge3A_116, %gather3A_165, %broadcast_in_dim3A_6 : vector<16xi1>, vector<16xf32>
    %mul3A_167 = arith.mulf %gather3A_39, %add3A_162 : vector<16xf32>
    %add3A_168 = arith.addf %select_n3A_166, %mul3A_167 : vector<16xf32>
    %swap3A_169 = arith.constant 0 : index
    %swap3A_170 = tpu.vector_load %arg11[%swap3A_169] {strides = array<i32>} : memref<16xf32, #tpu.memory_space<vmem>>, vector<16xf32>,
    tpu.vector_store %arg11[%swap3A_169], %add3A_168 {strides = array<i32>} : memref<16xf32, #tpu.memory_space<vmem>>, vector<16xf32>,
    %gather3A_171 = tpu.vector_load_idx %arg11[%max3A_114] : memref<16xf32, #tpu.memory_space<vmem>>[vector<16xi32>], vector<16xf32>,
    %select_n3A_172 = arith.select %ge3A_116, %gather3A_171, %broadcast_in_dim3A_6 : vector<16xi1>, vector<16xf32>
    %mul3A_173 = arith.mulf %gather3A_42, %add3A_168 : vector<16xf32>
    %add3A_174 = arith.addf %select_n3A_172, %mul3A_173 : vector<16xf32>
    %swap3A_175 = arith.constant 16 : index
    %swap3A_176 = tpu.vector_load %arg12[%swap3A_175] {strides = array<i32>} : memref<32xf32, #tpu.memory_space<vmem>>, vector<16xf32>,
    tpu.vector_store %arg12[%swap3A_175], %add3A_174 {strides = array<i32>} : memref<32xf32, #tpu.memory_space<vmem>>, vector<16xf32>,
    %broadcast_in_dim3A_177 = arith.constant 16 : i32
    %broadcast_in_dim3A_178 = vector.broadcast %broadcast_in_dim3A_177 : i32 to vector<16xi32>
    %gather3A_179 = tpu.vector_load_idx %arg12[%broadcast_in_dim3A_178] : memref<32xf32, #tpu.memory_space<vmem>>[vector<16xi32>], vector<16xf32>,
    %broadcast_in_dim3A_180 = arith.constant 17 : i32
    %broadcast_in_dim3A_181 = vector.broadcast %broadcast_in_dim3A_180 : i32 to vector<16xi32>
    %gather3A_182 = tpu.vector_load_idx %arg12[%broadcast_in_dim3A_181] : memref<32xf32, #tpu.memory_space<vmem>>[vector<16xi32>], vector<16xf32>,
    %broadcast_in_dim3A_183 = arith.constant 18 : i32
    %broadcast_in_dim3A_184 = vector.broadcast %broadcast_in_dim3A_183 : i32 to vector<16xi32>
    %gather3A_185 = tpu.vector_load_idx %arg12[%broadcast_in_dim3A_184] : memref<32xf32, #tpu.memory_space<vmem>>[vector<16xi32>], vector<16xf32>,
    %broadcast_in_dim3A_186 = arith.constant 19 : i32
    %broadcast_in_dim3A_187 = vector.broadcast %broadcast_in_dim3A_186 : i32 to vector<16xi32>
    %gather3A_188 = tpu.vector_load_idx %arg12[%broadcast_in_dim3A_187] : memref<32xf32, #tpu.memory_space<vmem>>[vector<16xi32>], vector<16xf32>,
    %broadcast_in_dim3A_189 = arith.constant 20 : i32
    %broadcast_in_dim3A_190 = vector.broadcast %broadcast_in_dim3A_189 : i32 to vector<16xi32>
    %gather3A_191 = tpu.vector_load_idx %arg12[%broadcast_in_dim3A_190] : memref<32xf32, #tpu.memory_space<vmem>>[vector<16xi32>], vector<16xf32>,
    %broadcast_in_dim3A_192 = arith.constant 21 : i32
    %broadcast_in_dim3A_193 = vector.broadcast %broadcast_in_dim3A_192 : i32 to vector<16xi32>
    %gather3A_194 = tpu.vector_load_idx %arg12[%broadcast_in_dim3A_193] : memref<32xf32, #tpu.memory_space<vmem>>[vector<16xi32>], vector<16xf32>,
    %broadcast_in_dim3A_195 = arith.constant 22 : i32
    %broadcast_in_dim3A_196 = vector.broadcast %broadcast_in_dim3A_195 : i32 to vector<16xi32>
    %gather3A_197 = tpu.vector_load_idx %arg12[%broadcast_in_dim3A_196] : memref<32xf32, #tpu.memory_space<vmem>>[vector<16xi32>], vector<16xf32>,
    %broadcast_in_dim3A_198 = arith.constant 23 : i32
    %broadcast_in_dim3A_199 = vector.broadcast %broadcast_in_dim3A_198 : i32 to vector<16xi32>
    %gather3A_200 = tpu.vector_load_idx %arg12[%broadcast_in_dim3A_199] : memref<32xf32, #tpu.memory_space<vmem>>[vector<16xi32>], vector<16xf32>,
    %broadcast_in_dim3A_201 = arith.constant 24 : i32
    %broadcast_in_dim3A_202 = vector.broadcast %broadcast_in_dim3A_201 : i32 to vector<16xi32>
    %gather3A_203 = tpu.vector_load_idx %arg12[%broadcast_in_dim3A_202] : memref<32xf32, #tpu.memory_space<vmem>>[vector<16xi32>], vector<16xf32>,
    %broadcast_in_dim3A_204 = arith.constant 25 : i32
    %broadcast_in_dim3A_205 = vector.broadcast %broadcast_in_dim3A_204 : i32 to vector<16xi32>
    %gather3A_206 = tpu.vector_load_idx %arg12[%broadcast_in_dim3A_205] : memref<32xf32, #tpu.memory_space<vmem>>[vector<16xi32>], vector<16xf32>,
    %swap3A_207 = arith.constant 0 : index
    %swap3A_208 = tpu.vector_load %arg11[%swap3A_207] {strides = array<i32>} : memref<16xf32, #tpu.memory_space<vmem>>, vector<16xf32>,
    tpu.vector_store %arg11[%swap3A_207], %select_n3A_120 {strides = array<i32>} : memref<16xf32, #tpu.memory_space<vmem>>, vector<16xf32>,
    %gather3A_209 = tpu.vector_load_idx %arg11[%max3A_114] : memref<16xf32, #tpu.memory_space<vmem>>[vector<16xi32>], vector<16xf32>,
    %select_n3A_210 = arith.select %ge3A_116, %gather3A_209, %broadcast_in_dim3A_6 : vector<16xi1>, vector<16xf32>
    %mul3A_211 = arith.mulf %gather3A_21, %select_n3A_120 : vector<16xf32>
    %add3A_212 = arith.addf %select_n3A_210, %mul3A_211 : vector<16xf32>
    %swap3A_213 = arith.constant 0 : index
    %swap3A_214 = tpu.vector_load %arg11[%swap3A_213] {strides = array<i32>} : memref<16xf32, #tpu.memory_space<vmem>>, vector<16xf32>,
    tpu.vector_store %arg11[%swap3A_213], %add3A_212 {strides = array<i32>} : memref<16xf32, #tpu.memory_space<vmem>>, vector<16xf32>,
    %gather3A_215 = tpu.vector_load_idx %arg11[%max3A_114] : memref<16xf32, #tpu.memory_space<vmem>>[vector<16xi32>], vector<16xf32>,
    %select_n3A_216 = arith.select %ge3A_116, %gather3A_215, %broadcast_in_dim3A_6 : vector<16xi1>, vector<16xf32>
    %mul3A_217 = arith.mulf %gather3A_24, %add3A_212 : vector<16xf32>
    %add3A_218 = arith.addf %select_n3A_216, %mul3A_217 : vector<16xf32>
    %swap3A_219 = arith.constant 0 : index
    %swap3A_220 = tpu.vector_load %arg11[%swap3A_219] {strides = array<i32>} : memref<16xf32, #tpu.memory_space<vmem>>, vector<16xf32>,
    tpu.vector_store %arg11[%swap3A_219], %add3A_218 {strides = array<i32>} : memref<16xf32, #tpu.memory_space<vmem>>, vector<16xf32>,
    %gather3A_221 = tpu.vector_load_idx %arg11[%max3A_114] : memref<16xf32, #tpu.memory_space<vmem>>[vector<16xi32>], vector<16xf32>,
    %select_n3A_222 = arith.select %ge3A_116, %gather3A_221, %broadcast_in_dim3A_6 : vector<16xi1>, vector<16xf32>
    %mul3A_223 = arith.mulf %gather3A_27, %add3A_218 : vector<16xf32>
    %add3A_224 = arith.addf %select_n3A_222, %mul3A_223 : vector<16xf32>
    %swap3A_225 = arith.constant 0 : index
    %swap3A_226 = tpu.vector_load %arg11[%swap3A_225] {strides = array<i32>} : memref<16xf32, #tpu.memory_space<vmem>>, vector<16xf32>,
    tpu.vector_store %arg11[%swap3A_225], %add3A_224 {strides = array<i32>} : memref<16xf32, #tpu.memory_space<vmem>>, vector<16xf32>,
    %gather3A_227 = tpu.vector_load_idx %arg11[%max3A_114] : memref<16xf32, #tpu.memory_space<vmem>>[vector<16xi32>], vector<16xf32>,
    %select_n3A_228 = arith.select %ge3A_116, %gather3A_227, %broadcast_in_dim3A_6 : vector<16xi1>, vector<16xf32>
    %mul3A_229 = arith.mulf %gather3A_30, %add3A_224 : vector<16xf32>
    %add3A_230 = arith.addf %select_n3A_228, %mul3A_229 : vector<16xf32>
    %swap3A_231 = arith.constant 0 : index
    %swap3A_232 = tpu.vector_load %arg11[%swap3A_231] {strides = array<i32>} : memref<16xf32, #tpu.memory_space<vmem>>, vector<16xf32>,
    tpu.vector_store %arg11[%swap3A_231], %add3A_230 {strides = array<i32>} : memref<16xf32, #tpu.memory_space<vmem>>, vector<16xf32>,
    %gather3A_233 = tpu.vector_load_idx %arg11[%max3A_114] : memref<16xf32, #tpu.memory_space<vmem>>[vector<16xi32>], vector<16xf32>,
    %select_n3A_234 = arith.select %ge3A_116, %gather3A_233, %broadcast_in_dim3A_6 : vector<16xi1>, vector<16xf32>
    %mul3A_235 = arith.mulf %gather3A_33, %add3A_230 : vector<16xf32>
    %add3A_236 = arith.addf %select_n3A_234, %mul3A_235 : vector<16xf32>
    %swap3A_237 = arith.constant 0 : index
    %swap3A_238 = tpu.vector_load %arg11[%swap3A_237] {strides = array<i32>} : memref<16xf32, #tpu.memory_space<vmem>>, vector<16xf32>,
    tpu.vector_store %arg11[%swap3A_237], %add3A_236 {strides = array<i32>} : memref<16xf32, #tpu.memory_space<vmem>>, vector<16xf32>,
    %gather3A_239 = tpu.vector_load_idx %arg11[%max3A_114] : memref<16xf32, #tpu.memory_space<vmem>>[vector<16xi32>], vector<16xf32>,
    %select_n3A_240 = arith.select %ge3A_116, %gather3A_239, %broadcast_in_dim3A_6 : vector<16xi1>, vector<16xf32>
    %mul3A_241 = arith.mulf %gather3A_36, %add3A_236 : vector<16xf32>
    %add3A_242 = arith.addf %select_n3A_240, %mul3A_241 : vector<16xf32>
    %swap3A_243 = arith.constant 0 : index
    %swap3A_244 = tpu.vector_load %arg11[%swap3A_243] {strides = array<i32>} : memref<16xf32, #tpu.memory_space<vmem>>, vector<16xf32>,
    tpu.vector_store %arg11[%swap3A_243], %add3A_242 {strides = array<i32>} : memref<16xf32, #tpu.memory_space<vmem>>, vector<16xf32>,
    %gather3A_245 = tpu.vector_load_idx %arg11[%max3A_114] : memref<16xf32, #tpu.memory_space<vmem>>[vector<16xi32>], vector<16xf32>,
    %select_n3A_246 = arith.select %ge3A_116, %gather3A_245, %broadcast_in_dim3A_6 : vector<16xi1>, vector<16xf32>
    %mul3A_247 = arith.mulf %gather3A_39, %add3A_242 : vector<16xf32>
    %add3A_248 = arith.addf %select_n3A_246, %mul3A_247 : vector<16xf32>
    %swap3A_249 = arith.constant 0 : index
    %swap3A_250 = tpu.vector_load %arg11[%swap3A_249] {strides = array<i32>} : memref<16xf32, #tpu.memory_space<vmem>>, vector<16xf32>,
    tpu.vector_store %arg11[%swap3A_249], %add3A_248 {strides = array<i32>} : memref<16xf32, #tpu.memory_space<vmem>>, vector<16xf32>,
    %gather3A_251 = tpu.vector_load_idx %arg11[%max3A_114] : memref<16xf32, #tpu.memory_space<vmem>>[vector<16xi32>], vector<16xf32>,
    %select_n3A_252 = arith.select %ge3A_116, %gather3A_251, %broadcast_in_dim3A_6 : vector<16xi1>, vector<16xf32>
    %mul3A_253 = arith.mulf %gather3A_42, %add3A_248 : vector<16xf32>
    %add3A_254 = arith.addf %select_n3A_252, %mul3A_253 : vector<16xf32>
    %swap3A_255 = arith.constant 16 : index
    %swap3A_256 = tpu.vector_load %arg12[%swap3A_255] {strides = array<i32>} : memref<32xf32, #tpu.memory_space<vmem>>, vector<16xf32>,
    tpu.vector_store %arg12[%swap3A_255], %add3A_254 {strides = array<i32>} : memref<32xf32, #tpu.memory_space<vmem>>, vector<16xf32>,
    %broadcast_in_dim3A_257 = arith.constant 16 : i32
    %broadcast_in_dim3A_258 = vector.broadcast %broadcast_in_dim3A_257 : i32 to vector<16xi32>
    %gather3A_259 = tpu.vector_load_idx %arg12[%broadcast_in_dim3A_258] : memref<32xf32, #tpu.memory_space<vmem>>[vector<16xi32>], vector<16xf32>,
    %broadcast_in_dim3A_260 = arith.constant 17 : i32
    %broadcast_in_dim3A_261 = vector.broadcast %broadcast_in_dim3A_260 : i32 to vector<16xi32>
    %gather3A_262 = tpu.vector_load_idx %arg12[%broadcast_in_dim3A_261] : memref<32xf32, #tpu.memory_space<vmem>>[vector<16xi32>], vector<16xf32>,
    %broadcast_in_dim3A_263 = arith.constant 18 : i32
    %broadcast_in_dim3A_264 = vector.broadcast %broadcast_in_dim3A_263 : i32 to vector<16xi32>
    %gather3A_265 = tpu.vector_load_idx %arg12[%broadcast_in_dim3A_264] : memref<32xf32, #tpu.memory_space<vmem>>[vector<16xi32>], vector<16xf32>,
    %broadcast_in_dim3A_266 = arith.constant 19 : i32
    %broadcast_in_dim3A_267 = vector.broadcast %broadcast_in_dim3A_266 : i32 to vector<16xi32>
    %gather3A_268 = tpu.vector_load_idx %arg12[%broadcast_in_dim3A_267] : memref<32xf32, #tpu.memory_space<vmem>>[vector<16xi32>], vector<16xf32>,
    %broadcast_in_dim3A_269 = arith.constant 20 : i32
    %broadcast_in_dim3A_270 = vector.broadcast %broadcast_in_dim3A_269 : i32 to vector<16xi32>
    %gather3A_271 = tpu.vector_load_idx %arg12[%broadcast_in_dim3A_270] : memref<32xf32, #tpu.memory_space<vmem>>[vector<16xi32>], vector<16xf32>,
    %broadcast_in_dim3A_272 = arith.constant 21 : i32
    %broadcast_in_dim3A_273 = vector.broadcast %broadcast_in_dim3A_272 : i32 to vector<16xi32>
    %gather3A_274 = tpu.vector_load_idx %arg12[%broadcast_in_dim3A_273] : memref<32xf32, #tpu.memory_space<vmem>>[vector<16xi32>], vector<16xf32>,
    %broadcast_in_dim3A_275 = arith.constant 22 : i32
    %broadcast_in_dim3A_276 = vector.broadcast %broadcast_in_dim3A_275 : i32 to vector<16xi32>
    %gather3A_277 = tpu.vector_load_idx %arg12[%broadcast_in_dim3A_276] : memref<32xf32, #tpu.memory_space<vmem>>[vector<16xi32>], vector<16xf32>,
    %broadcast_in_dim3A_278 = arith.constant 23 : i32
    %broadcast_in_dim3A_279 = vector.broadcast %broadcast_in_dim3A_278 : i32 to vector<16xi32>
    %gather3A_280 = tpu.vector_load_idx %arg12[%broadcast_in_dim3A_279] : memref<32xf32, #tpu.memory_space<vmem>>[vector<16xi32>], vector<16xf32>,
    %broadcast_in_dim3A_281 = arith.constant 24 : i32
    %broadcast_in_dim3A_282 = vector.broadcast %broadcast_in_dim3A_281 : i32 to vector<16xi32>
    %gather3A_283 = tpu.vector_load_idx %arg12[%broadcast_in_dim3A_282] : memref<32xf32, #tpu.memory_space<vmem>>[vector<16xi32>], vector<16xf32>,
    %swap3A_284 = arith.constant 0 : index
    %swap3A_285 = tpu.vector_load %arg11[%swap3A_284] {strides = array<i32>} : memref<16xf32, #tpu.memory_space<vmem>>, vector<16xf32>,
    tpu.vector_store %arg11[%swap3A_284], %select_n3A_120 {strides = array<i32>} : memref<16xf32, #tpu.memory_space<vmem>>, vector<16xf32>,
    %gather3A_286 = tpu.vector_load_idx %arg11[%max3A_114] : memref<16xf32, #tpu.memory_space<vmem>>[vector<16xi32>], vector<16xf32>,
    %select_n3A_287 = arith.select %ge3A_116, %gather3A_286, %broadcast_in_dim3A_6 : vector<16xi1>, vector<16xf32>
    %mul3A_288 = arith.mulf %gather3A, %select_n3A_120 : vector<16xf32>
    %add3A_289 = arith.addf %select_n3A_287, %mul3A_288 : vector<16xf32>
    %swap3A_290 = arith.constant 0 : index
    %swap3A_291 = tpu.vector_load %arg11[%swap3A_290] {strides = array<i32>} : memref<16xf32, #tpu.memory_space<vmem>>, vector<16xf32>,
    tpu.vector_store %arg11[%swap3A_290], %add3A_289 {strides = array<i32>} : memref<16xf32, #tpu.memory_space<vmem>>, vector<16xf32>,
    %gather3A_292 = tpu.vector_load_idx %arg11[%max3A_114] : memref<16xf32, #tpu.memory_space<vmem>>[vector<16xi32>], vector<16xf32>,
    %select_n3A_293 = arith.select %ge3A_116, %gather3A_292, %broadcast_in_dim3A_6 : vector<16xi1>, vector<16xf32>
    %mul3A_294 = arith.mulf %gather3A_24, %add3A_289 : vector<16xf32>
    %add3A_295 = arith.addf %select_n3A_293, %mul3A_294 : vector<16xf32>
    %swap3A_296 = arith.constant 0 : index
    %swap3A_297 = tpu.vector_load %arg11[%swap3A_296] {strides = array<i32>} : memref<16xf32, #tpu.memory_space<vmem>>, vector<16xf32>,
    tpu.vector_store %arg11[%swap3A_296], %add3A_295 {strides = array<i32>} : memref<16xf32, #tpu.memory_space<vmem>>, vector<16xf32>,
    %gather3A_298 = tpu.vector_load_idx %arg11[%max3A_114] : memref<16xf32, #tpu.memory_space<vmem>>[vector<16xi32>], vector<16xf32>,
    %select_n3A_299 = arith.select %ge3A_116, %gather3A_298, %broadcast_in_dim3A_6 : vector<16xi1>, vector<16xf32>
    %mul3A_300 = arith.mulf %gather3A_27, %add3A_295 : vector<16xf32>
    %add3A_301 = arith.addf %select_n3A_299, %mul3A_300 : vector<16xf32>
    %swap3A_302 = arith.constant 0 : index
    %swap3A_303 = tpu.vector_load %arg11[%swap3A_302] {strides = array<i32>} : memref<16xf32, #tpu.memory_space<vmem>>, vector<16xf32>,
    tpu.vector_store %arg11[%swap3A_302], %add3A_301 {strides = array<i32>} : memref<16xf32, #tpu.memory_space<vmem>>, vector<16xf32>,
    %gather3A_304 = tpu.vector_load_idx %arg11[%max3A_114] : memref<16xf32, #tpu.memory_space<vmem>>[vector<16xi32>], vector<16xf32>,
    %select_n3A_305 = arith.select %ge3A_116, %gather3A_304, %broadcast_in_dim3A_6 : vector<16xi1>, vector<16xf32>
    %mul3A_306 = arith.mulf %gather3A_30, %add3A_301 : vector<16xf32>
    %add3A_307 = arith.addf %select_n3A_305, %mul3A_306 : vector<16xf32>
    %swap3A_308 = arith.constant 0 : index
    %swap3A_309 = tpu.vector_load %arg11[%swap3A_308] {strides = array<i32>} : memref<16xf32, #tpu.memory_space<vmem>>, vector<16xf32>,
    tpu.vector_store %arg11[%swap3A_308], %add3A_307 {strides = array<i32>} : memref<16xf32, #tpu.memory_space<vmem>>, vector<16xf32>,
    %gather3A_310 = tpu.vector_load_idx %arg11[%max3A_114] : memref<16xf32, #tpu.memory_space<vmem>>[vector<16xi32>], vector<16xf32>,
    %select_n3A_311 = arith.select %ge3A_116, %gather3A_310, %broadcast_in_dim3A_6 : vector<16xi1>, vector<16xf32>
    %mul3A_312 = arith.mulf %gather3A_33, %add3A_307 : vector<16xf32>
    %add3A_313 = arith.addf %select_n3A_311, %mul3A_312 : vector<16xf32>
    %swap3A_314 = arith.constant 0 : index
    %swap3A_315 = tpu.vector_load %arg11[%swap3A_314] {strides = array<i32>} : memref<16xf32, #tpu.memory_space<vmem>>, vector<16xf32>,
    tpu.vector_store %arg11[%swap3A_314], %add3A_313 {strides = array<i32>} : memref<16xf32, #tpu.memory_space<vmem>>, vector<16xf32>,
    %gather3A_316 = tpu.vector_load_idx %arg11[%max3A_114] : memref<16xf32, #tpu.memory_space<vmem>>[vector<16xi32>], vector<16xf32>,
    %select_n3A_317 = arith.select %ge3A_116, %gather3A_316, %broadcast_in_dim3A_6 : vector<16xi1>, vector<16xf32>
    %mul3A_318 = arith.mulf %gather3A_36, %add3A_313 : vector<16xf32>
    %add3A_319 = arith.addf %select_n3A_317, %mul3A_318 : vector<16xf32>
    %swap3A_320 = arith.constant 0 : index
    %swap3A_321 = tpu.vector_load %arg11[%swap3A_320] {strides = array<i32>} : memref<16xf32, #tpu.memory_space<vmem>>, vector<16xf32>,
    tpu.vector_store %arg11[%swap3A_320], %add3A_319 {strides = array<i32>} : memref<16xf32, #tpu.memory_space<vmem>>, vector<16xf32>,
    %gather3A_322 = tpu.vector_load_idx %arg11[%max3A_114] : memref<16xf32, #tpu.memory_space<vmem>>[vector<16xi32>], vector<16xf32>,
    %select_n3A_323 = arith.select %ge3A_116, %gather3A_322, %broadcast_in_dim3A_6 : vector<16xi1>, vector<16xf32>
    %mul3A_324 = arith.mulf %gather3A_39, %add3A_319 : vector<16xf32>
    %add3A_325 = arith.addf %select_n3A_323, %mul3A_324 : vector<16xf32>
    %swap3A_326 = arith.constant 0 : index
    %swap3A_327 = tpu.vector_load %arg11[%swap3A_326] {strides = array<i32>} : memref<16xf32, #tpu.memory_space<vmem>>, vector<16xf32>,
    tpu.vector_store %arg11[%swap3A_326], %add3A_325 {strides = array<i32>} : memref<16xf32, #tpu.memory_space<vmem>>, vector<16xf32>,
    %gather3A_328 = tpu.vector_load_idx %arg11[%max3A_114] : memref<16xf32, #tpu.memory_space<vmem>>[vector<16xi32>], vector<16xf32>,
    %select_n3A_329 = arith.select %ge3A_116, %gather3A_328, %broadcast_in_dim3A_6 : vector<16xi1>, vector<16xf32>
    %mul3A_330 = arith.mulf %gather3A_42, %add3A_325 : vector<16xf32>
    %add3A_331 = arith.addf %select_n3A_329, %mul3A_330 : vector<16xf32>
    %swap3A_332 = arith.constant 16 : index
    %swap3A_333 = tpu.vector_load %arg12[%swap3A_332] {strides = array<i32>} : memref<32xf32, #tpu.memory_space<vmem>>, vector<16xf32>,
    tpu.vector_store %arg12[%swap3A_332], %add3A_331 {strides = array<i32>} : memref<32xf32, #tpu.memory_space<vmem>>, vector<16xf32>,
    %broadcast_in_dim3A_334 = arith.constant 16 : i32
    %broadcast_in_dim3A_335 = vector.broadcast %broadcast_in_dim3A_334 : i32 to vector<16xi32>
    %gather3A_336 = tpu.vector_load_idx %arg12[%broadcast_in_dim3A_335] : memref<32xf32, #tpu.memory_space<vmem>>[vector<16xi32>], vector<16xf32>,
    %broadcast_in_dim3A_337 = arith.constant 17 : i32
    %broadcast_in_dim3A_338 = vector.broadcast %broadcast_in_dim3A_337 : i32 to vector<16xi32>
    %gather3A_339 = tpu.vector_load_idx %arg12[%broadcast_in_dim3A_338] : memref<32xf32, #tpu.memory_space<vmem>>[vector<16xi32>], vector<16xf32>,
    %broadcast_in_dim3A_340 = arith.constant 18 : i32
    %broadcast_in_dim3A_341 = vector.broadcast %broadcast_in_dim3A_340 : i32 to vector<16xi32>
    %gather3A_342 = tpu.vector_load_idx %arg12[%broadcast_in_dim3A_341] : memref<32xf32, #tpu.memory_space<vmem>>[vector<16xi32>], vector<16xf32>,
    %broadcast_in_dim3A_343 = arith.constant 19 : i32
    %broadcast_in_dim3A_344 = vector.broadcast %broadcast_in_dim3A_343 : i32 to vector<16xi32>
    %gather3A_345 = tpu.vector_load_idx %arg12[%broadcast_in_dim3A_344] : memref<32xf32, #tpu.memory_space<vmem>>[vector<16xi32>], vector<16xf32>,
    %broadcast_in_dim3A_346 = arith.constant 20 : i32
    %broadcast_in_dim3A_347 = vector.broadcast %broadcast_in_dim3A_346 : i32 to vector<16xi32>
    %gather3A_348 = tpu.vector_load_idx %arg12[%broadcast_in_dim3A_347] : memref<32xf32, #tpu.memory_space<vmem>>[vector<16xi32>], vector<16xf32>,
    %broadcast_in_dim3A_349 = arith.constant 21 : i32
    %broadcast_in_dim3A_350 = vector.broadcast %broadcast_in_dim3A_349 : i32 to vector<16xi32>
    %gather3A_351 = tpu.vector_load_idx %arg12[%broadcast_in_dim3A_350] : memref<32xf32, #tpu.memory_space<vmem>>[vector<16xi32>], vector<16xf32>,
    %broadcast_in_dim3A_352 = arith.constant 22 : i32
    %broadcast_in_dim3A_353 = vector.broadcast %broadcast_in_dim3A_352 : i32 to vector<16xi32>
    %gather3A_354 = tpu.vector_load_idx %arg12[%broadcast_in_dim3A_353] : memref<32xf32, #tpu.memory_space<vmem>>[vector<16xi32>], vector<16xf32>,
    %broadcast_in_dim3A_355 = arith.constant 23 : i32
    %broadcast_in_dim3A_356 = vector.broadcast %broadcast_in_dim3A_355 : i32 to vector<16xi32>
    %gather3A_357 = tpu.vector_load_idx %arg12[%broadcast_in_dim3A_356] : memref<32xf32, #tpu.memory_space<vmem>>[vector<16xi32>], vector<16xf32>,
    %broadcast_in_dim3A_358 = arith.constant 24 : i32
    %broadcast_in_dim3A_359 = vector.broadcast %broadcast_in_dim3A_358 : i32 to vector<16xi32>
    %gather3A_360 = tpu.vector_load_idx %arg12[%broadcast_in_dim3A_359] : memref<32xf32, #tpu.memory_space<vmem>>[vector<16xi32>], vector<16xf32>,
    %swap3A_361 = arith.constant 0 : index
    %swap3A_362 = tpu.vector_load %arg11[%swap3A_361] {strides = array<i32>} : memref<16xf32, #tpu.memory_space<vmem>>, vector<16xf32>,
    tpu.vector_store %arg11[%swap3A_361], %select_n3A_120 {strides = array<i32>} : memref<16xf32, #tpu.memory_space<vmem>>, vector<16xf32>,
    %gather3A_363 = tpu.vector_load_idx %arg11[%max3A_114] : memref<16xf32, #tpu.memory_space<vmem>>[vector<16xi32>], vector<16xf32>,
    %select_n3A_364 = arith.select %ge3A_116, %gather3A_363, %broadcast_in_dim3A_6 : vector<16xi1>, vector<16xf32>
    %mul3A_365 = arith.mulf %gather3A, %select_n3A_120 : vector<16xf32>
    %add3A_366 = arith.addf %select_n3A_364, %mul3A_365 : vector<16xf32>
    %swap3A_367 = arith.constant 0 : index
    %swap3A_368 = tpu.vector_load %arg11[%swap3A_367] {strides = array<i32>} : memref<16xf32, #tpu.memory_space<vmem>>, vector<16xf32>,
    tpu.vector_store %arg11[%swap3A_367], %add3A_366 {strides = array<i32>} : memref<16xf32, #tpu.memory_space<vmem>>, vector<16xf32>,
    %gather3A_369 = tpu.vector_load_idx %arg11[%max3A_114] : memref<16xf32, #tpu.memory_space<vmem>>[vector<16xi32>], vector<16xf32>,
    %select_n3A_370 = arith.select %ge3A_116, %gather3A_369, %broadcast_in_dim3A_6 : vector<16xi1>, vector<16xf32>
    %mul3A_371 = arith.mulf %gather3A_21, %add3A_366 : vector<16xf32>
    %add3A_372 = arith.addf %select_n3A_370, %mul3A_371 : vector<16xf32>
    %swap3A_373 = arith.constant 0 : index
    %swap3A_374 = tpu.vector_load %arg11[%swap3A_373] {strides = array<i32>} : memref<16xf32, #tpu.memory_space<vmem>>, vector<16xf32>,
    tpu.vector_store %arg11[%swap3A_373], %add3A_372 {strides = array<i32>} : memref<16xf32, #tpu.memory_space<vmem>>, vector<16xf32>,
    %gather3A_375 = tpu.vector_load_idx %arg11[%max3A_114] : memref<16xf32, #tpu.memory_space<vmem>>[vector<16xi32>], vector<16xf32>,
    %select_n3A_376 = arith.select %ge3A_116, %gather3A_375, %broadcast_in_dim3A_6 : vector<16xi1>, vector<16xf32>
    %mul3A_377 = arith.mulf %gather3A_27, %add3A_372 : vector<16xf32>
    %add3A_378 = arith.addf %select_n3A_376, %mul3A_377 : vector<16xf32>
    %swap3A_379 = arith.constant 0 : index
    %swap3A_380 = tpu.vector_load %arg11[%swap3A_379] {strides = array<i32>} : memref<16xf32, #tpu.memory_space<vmem>>, vector<16xf32>,
    tpu.vector_store %arg11[%swap3A_379], %add3A_378 {strides = array<i32>} : memref<16xf32, #tpu.memory_space<vmem>>, vector<16xf32>,
    %gather3A_381 = tpu.vector_load_idx %arg11[%max3A_114] : memref<16xf32, #tpu.memory_space<vmem>>[vector<16xi32>], vector<16xf32>,
    %select_n3A_382 = arith.select %ge3A_116, %gather3A_381, %broadcast_in_dim3A_6 : vector<16xi1>, vector<16xf32>
    %mul3A_383 = arith.mulf %gather3A_30, %add3A_378 : vector<16xf32>
    %add3A_384 = arith.addf %select_n3A_382, %mul3A_383 : vector<16xf32>
    %swap3A_385 = arith.constant 0 : index
    %swap3A_386 = tpu.vector_load %arg11[%swap3A_385] {strides = array<i32>} : memref<16xf32, #tpu.memory_space<vmem>>, vector<16xf32>,
    tpu.vector_store %arg11[%swap3A_385], %add3A_384 {strides = array<i32>} : memref<16xf32, #tpu.memory_space<vmem>>, vector<16xf32>,
    %gather3A_387 = tpu.vector_load_idx %arg11[%max3A_114] : memref<16xf32, #tpu.memory_space<vmem>>[vector<16xi32>], vector<16xf32>,
    %select_n3A_388 = arith.select %ge3A_116, %gather3A_387, %broadcast_in_dim3A_6 : vector<16xi1>, vector<16xf32>
    %mul3A_389 = arith.mulf %gather3A_33, %add3A_384 : vector<16xf32>
    %add3A_390 = arith.addf %select_n3A_388, %mul3A_389 : vector<16xf32>
    %swap3A_391 = arith.constant 0 : index
    %swap3A_392 = tpu.vector_load %arg11[%swap3A_391] {strides = array<i32>} : memref<16xf32, #tpu.memory_space<vmem>>, vector<16xf32>,
    tpu.vector_store %arg11[%swap3A_391], %add3A_390 {strides = array<i32>} : memref<16xf32, #tpu.memory_space<vmem>>, vector<16xf32>,
    %gather3A_393 = tpu.vector_load_idx %arg11[%max3A_114] : memref<16xf32, #tpu.memory_space<vmem>>[vector<16xi32>], vector<16xf32>,
    %select_n3A_394 = arith.select %ge3A_116, %gather3A_393, %broadcast_in_dim3A_6 : vector<16xi1>, vector<16xf32>
    %mul3A_395 = arith.mulf %gather3A_36, %add3A_390 : vector<16xf32>
    %add3A_396 = arith.addf %select_n3A_394, %mul3A_395 : vector<16xf32>
    %swap3A_397 = arith.constant 0 : index
    %swap3A_398 = tpu.vector_load %arg11[%swap3A_397] {strides = array<i32>} : memref<16xf32, #tpu.memory_space<vmem>>, vector<16xf32>,
    tpu.vector_store %arg11[%swap3A_397], %add3A_396 {strides = array<i32>} : memref<16xf32, #tpu.memory_space<vmem>>, vector<16xf32>,
    %gather3A_399 = tpu.vector_load_idx %arg11[%max3A_114] : memref<16xf32, #tpu.memory_space<vmem>>[vector<16xi32>], vector<16xf32>,
    %select_n3A_400 = arith.select %ge3A_116, %gather3A_399, %broadcast_in_dim3A_6 : vector<16xi1>, vector<16xf32>
    %mul3A_401 = arith.mulf %gather3A_39, %add3A_396 : vector<16xf32>
    %add3A_402 = arith.addf %select_n3A_400, %mul3A_401 : vector<16xf32>
    %swap3A_403 = arith.constant 0 : index
    %swap3A_404 = tpu.vector_load %arg11[%swap3A_403] {strides = array<i32>} : memref<16xf32, #tpu.memory_space<vmem>>, vector<16xf32>,
    tpu.vector_store %arg11[%swap3A_403], %add3A_402 {strides = array<i32>} : memref<16xf32, #tpu.memory_space<vmem>>, vector<16xf32>,
    %gather3A_405 = tpu.vector_load_idx %arg11[%max3A_114] : memref<16xf32, #tpu.memory_space<vmem>>[vector<16xi32>], vector<16xf32>,
    %select_n3A_406 = arith.select %ge3A_116, %gather3A_405, %broadcast_in_dim3A_6 : vector<16xi1>, vector<16xf32>
    %mul3A_407 = arith.mulf %gather3A_42, %add3A_402 : vector<16xf32>
    %add3A_408 = arith.addf %select_n3A_406, %mul3A_407 : vector<16xf32>
    %swap3A_409 = arith.constant 16 : index
    %swap3A_410 = tpu.vector_load %arg12[%swap3A_409] {strides = array<i32>} : memref<32xf32, #tpu.memory_space<vmem>>, vector<16xf32>,
    tpu.vector_store %arg12[%swap3A_409], %add3A_408 {strides = array<i32>} : memref<32xf32, #tpu.memory_space<vmem>>, vector<16xf32>,
    %broadcast_in_dim3A_411 = arith.constant 16 : i32
    %broadcast_in_dim3A_412 = vector.broadcast %broadcast_in_dim3A_411 : i32 to vector<16xi32>
    %gather3A_413 = tpu.vector_load_idx %arg12[%broadcast_in_dim3A_412] : memref<32xf32, #tpu.memory_space<vmem>>[vector<16xi32>], vector<16xf32>,
    %broadcast_in_dim3A_414 = arith.constant 17 : i32
    %broadcast_in_dim3A_415 = vector.broadcast %broadcast_in_dim3A_414 : i32 to vector<16xi32>
    %gather3A_416 = tpu.vector_load_idx %arg12[%broadcast_in_dim3A_415] : memref<32xf32, #tpu.memory_space<vmem>>[vector<16xi32>], vector<16xf32>,
    %broadcast_in_dim3A_417 = arith.constant 18 : i32
    %broadcast_in_dim3A_418 = vector.broadcast %broadcast_in_dim3A_417 : i32 to vector<16xi32>
    %gather3A_419 = tpu.vector_load_idx %arg12[%broadcast_in_dim3A_418] : memref<32xf32, #tpu.memory_space<vmem>>[vector<16xi32>], vector<16xf32>,
    %broadcast_in_dim3A_420 = arith.constant 19 : i32
    %broadcast_in_dim3A_421 = vector.broadcast %broadcast_in_dim3A_420 : i32 to vector<16xi32>
    %gather3A_422 = tpu.vector_load_idx %arg12[%broadcast_in_dim3A_421] : memref<32xf32, #tpu.memory_space<vmem>>[vector<16xi32>], vector<16xf32>,
    %broadcast_in_dim3A_423 = arith.constant 20 : i32
    %broadcast_in_dim3A_424 = vector.broadcast %broadcast_in_dim3A_423 : i32 to vector<16xi32>
    %gather3A_425 = tpu.vector_load_idx %arg12[%broadcast_in_dim3A_424] : memref<32xf32, #tpu.memory_space<vmem>>[vector<16xi32>], vector<16xf32>,
    %broadcast_in_dim3A_426 = arith.constant 21 : i32
    %broadcast_in_dim3A_427 = vector.broadcast %broadcast_in_dim3A_426 : i32 to vector<16xi32>
    %gather3A_428 = tpu.vector_load_idx %arg12[%broadcast_in_dim3A_427] : memref<32xf32, #tpu.memory_space<vmem>>[vector<16xi32>], vector<16xf32>,
    %broadcast_in_dim3A_429 = arith.constant 22 : i32
    %broadcast_in_dim3A_430 = vector.broadcast %broadcast_in_dim3A_429 : i32 to vector<16xi32>
    %gather3A_431 = tpu.vector_load_idx %arg12[%broadcast_in_dim3A_430] : memref<32xf32, #tpu.memory_space<vmem>>[vector<16xi32>], vector<16xf32>,
    %broadcast_in_dim3A_432 = arith.constant 23 : i32
    %broadcast_in_dim3A_433 = vector.broadcast %broadcast_in_dim3A_432 : i32 to vector<16xi32>
    %gather3A_434 = tpu.vector_load_idx %arg12[%broadcast_in_dim3A_433] : memref<32xf32, #tpu.memory_space<vmem>>[vector<16xi32>], vector<16xf32>,
    %broadcast_in_dim3A_435 = arith.constant 24 : i32
    %broadcast_in_dim3A_436 = vector.broadcast %broadcast_in_dim3A_435 : i32 to vector<16xi32>
    %gather3A_437 = tpu.vector_load_idx %arg12[%broadcast_in_dim3A_436] : memref<32xf32, #tpu.memory_space<vmem>>[vector<16xi32>], vector<16xf32>,
    %swap3A_438 = arith.constant 0 : index
    %swap3A_439 = tpu.vector_load %arg11[%swap3A_438] {strides = array<i32>} : memref<16xf32, #tpu.memory_space<vmem>>, vector<16xf32>,
    tpu.vector_store %arg11[%swap3A_438], %select_n3A_120 {strides = array<i32>} : memref<16xf32, #tpu.memory_space<vmem>>, vector<16xf32>,
    %gather3A_440 = tpu.vector_load_idx %arg11[%max3A_114] : memref<16xf32, #tpu.memory_space<vmem>>[vector<16xi32>], vector<16xf32>,
    %select_n3A_441 = arith.select %ge3A_116, %gather3A_440, %broadcast_in_dim3A_6 : vector<16xi1>, vector<16xf32>
    %mul3A_442 = arith.mulf %gather3A, %select_n3A_120 : vector<16xf32>
    %add3A_443 = arith.addf %select_n3A_441, %mul3A_442 : vector<16xf32>
    %swap3A_444 = arith.constant 0 : index
    %swap3A_445 = tpu.vector_load %arg11[%swap3A_444] {strides = array<i32>} : memref<16xf32, #tpu.memory_space<vmem>>, vector<16xf32>,
    tpu.vector_store %arg11[%swap3A_444], %add3A_443 {strides = array<i32>} : memref<16xf32, #tpu.memory_space<vmem>>, vector<16xf32>,
    %gather3A_446 = tpu.vector_load_idx %arg11[%max3A_114] : memref<16xf32, #tpu.memory_space<vmem>>[vector<16xi32>], vector<16xf32>,
    %select_n3A_447 = arith.select %ge3A_116, %gather3A_446, %broadcast_in_dim3A_6 : vector<16xi1>, vector<16xf32>
    %mul3A_448 = arith.mulf %gather3A_21, %add3A_443 : vector<16xf32>
    %add3A_449 = arith.addf %select_n3A_447, %mul3A_448 : vector<16xf32>
    %swap3A_450 = arith.constant 0 : index
    %swap3A_451 = tpu.vector_load %arg11[%swap3A_450] {strides = array<i32>} : memref<16xf32, #tpu.memory_space<vmem>>, vector<16xf32>,
    tpu.vector_store %arg11[%swap3A_450], %add3A_449 {strides = array<i32>} : memref<16xf32, #tpu.memory_space<vmem>>, vector<16xf32>,
    %gather3A_452 = tpu.vector_load_idx %arg11[%max3A_114] : memref<16xf32, #tpu.memory_space<vmem>>[vector<16xi32>], vector<16xf32>,
    %select_n3A_453 = arith.select %ge3A_116, %gather3A_452, %broadcast_in_dim3A_6 : vector<16xi1>, vector<16xf32>
    %mul3A_454 = arith.mulf %gather3A_24, %add3A_449 : vector<16xf32>
    %add3A_455 = arith.addf %select_n3A_453, %mul3A_454 : vector<16xf32>
    %swap3A_456 = arith.constant 0 : index
    %swap3A_457 = tpu.vector_load %arg11[%swap3A_456] {strides = array<i32>} : memref<16xf32, #tpu.memory_space<vmem>>, vector<16xf32>,
    tpu.vector_store %arg11[%swap3A_456], %add3A_455 {strides = array<i32>} : memref<16xf32, #tpu.memory_space<vmem>>, vector<16xf32>,
    %gather3A_458 = tpu.vector_load_idx %arg11[%max3A_114] : memref<16xf32, #tpu.memory_space<vmem>>[vector<16xi32>], vector<16xf32>,
    %select_n3A_459 = arith.select %ge3A_116, %gather3A_458, %broadcast_in_dim3A_6 : vector<16xi1>, vector<16xf32>
    %mul3A_460 = arith.mulf %gather3A_30, %add3A_455 : vector<16xf32>
    %add3A_461 = arith.addf %select_n3A_459, %mul3A_460 : vector<16xf32>
    %swap3A_462 = arith.constant 0 : index
    %swap3A_463 = tpu.vector_load %arg11[%swap3A_462] {strides = array<i32>} : memref<16xf32, #tpu.memory_space<vmem>>, vector<16xf32>,
    tpu.vector_store %arg11[%swap3A_462], %add3A_461 {strides = array<i32>} : memref<16xf32, #tpu.memory_space<vmem>>, vector<16xf32>,
    %gather3A_464 = tpu.vector_load_idx %arg11[%max3A_114] : memref<16xf32, #tpu.memory_space<vmem>>[vector<16xi32>], vector<16xf32>,
    %select_n3A_465 = arith.select %ge3A_116, %gather3A_464, %broadcast_in_dim3A_6 : vector<16xi1>, vector<16xf32>
    %mul3A_466 = arith.mulf %gather3A_33, %add3A_461 : vector<16xf32>
    %add3A_467 = arith.addf %select_n3A_465, %mul3A_466 : vector<16xf32>
    %swap3A_468 = arith.constant 0 : index
    %swap3A_469 = tpu.vector_load %arg11[%swap3A_468] {strides = array<i32>} : memref<16xf32, #tpu.memory_space<vmem>>, vector<16xf32>,
    tpu.vector_store %arg11[%swap3A_468], %add3A_467 {strides = array<i32>} : memref<16xf32, #tpu.memory_space<vmem>>, vector<16xf32>,
    %gather3A_470 = tpu.vector_load_idx %arg11[%max3A_114] : memref<16xf32, #tpu.memory_space<vmem>>[vector<16xi32>], vector<16xf32>,
    %select_n3A_471 = arith.select %ge3A_116, %gather3A_470, %broadcast_in_dim3A_6 : vector<16xi1>, vector<16xf32>
    %mul3A_472 = arith.mulf %gather3A_36, %add3A_467 : vector<16xf32>
    %add3A_473 = arith.addf %select_n3A_471, %mul3A_472 : vector<16xf32>
    %swap3A_474 = arith.constant 0 : index
    %swap3A_475 = tpu.vector_load %arg11[%swap3A_474] {strides = array<i32>} : memref<16xf32, #tpu.memory_space<vmem>>, vector<16xf32>,
    tpu.vector_store %arg11[%swap3A_474], %add3A_473 {strides = array<i32>} : memref<16xf32, #tpu.memory_space<vmem>>, vector<16xf32>,
    %gather3A_476 = tpu.vector_load_idx %arg11[%max3A_114] : memref<16xf32, #tpu.memory_space<vmem>>[vector<16xi32>], vector<16xf32>,
    %select_n3A_477 = arith.select %ge3A_116, %gather3A_476, %broadcast_in_dim3A_6 : vector<16xi1>, vector<16xf32>
    %mul3A_478 = arith.mulf %gather3A_39, %add3A_473 : vector<16xf32>
    %add3A_479 = arith.addf %select_n3A_477, %mul3A_478 : vector<16xf32>
    %swap3A_480 = arith.constant 0 : index
    %swap3A_481 = tpu.vector_load %arg11[%swap3A_480] {strides = array<i32>} : memref<16xf32, #tpu.memory_space<vmem>>, vector<16xf32>,
    tpu.vector_store %arg11[%swap3A_480], %add3A_479 {strides = array<i32>} : memref<16xf32, #tpu.memory_space<vmem>>, vector<16xf32>,
    %gather3A_482 = tpu.vector_load_idx %arg11[%max3A_114] : memref<16xf32, #tpu.memory_space<vmem>>[vector<16xi32>], vector<16xf32>,
    %select_n3A_483 = arith.select %ge3A_116, %gather3A_482, %broadcast_in_dim3A_6 : vector<16xi1>, vector<16xf32>
    %mul3A_484 = arith.mulf %gather3A_42, %add3A_479 : vector<16xf32>
    %add3A_485 = arith.addf %select_n3A_483, %mul3A_484 : vector<16xf32>
    %swap3A_486 = arith.constant 16 : index
    %swap3A_487 = tpu.vector_load %arg12[%swap3A_486] {strides = array<i32>} : memref<32xf32, #tpu.memory_space<vmem>>, vector<16xf32>,
    tpu.vector_store %arg12[%swap3A_486], %add3A_485 {strides = array<i32>} : memref<32xf32, #tpu.memory_space<vmem>>, vector<16xf32>,
    %broadcast_in_dim3A_488 = arith.constant 16 : i32
    %broadcast_in_dim3A_489 = vector.broadcast %broadcast_in_dim3A_488 : i32 to vector<16xi32>
    %gather3A_490 = tpu.vector_load_idx %arg12[%broadcast_in_dim3A_489] : memref<32xf32, #tpu.memory_space<vmem>>[vector<16xi32>], vector<16xf32>,
    %broadcast_in_dim3A_491 = arith.constant 17 : i32
    %broadcast_in_dim3A_492 = vector.broadcast %broadcast_in_dim3A_491 : i32 to vector<16xi32>
    %gather3A_493 = tpu.vector_load_idx %arg12[%broadcast_in_dim3A_492] : memref<32xf32, #tpu.memory_space<vmem>>[vector<16xi32>], vector<16xf32>,
    %broadcast_in_dim3A_494 = arith.constant 18 : i32
    %broadcast_in_dim3A_495 = vector.broadcast %broadcast_in_dim3A_494 : i32 to vector<16xi32>
    %gather3A_496 = tpu.vector_load_idx %arg12[%broadcast_in_dim3A_495] : memref<32xf32, #tpu.memory_space<vmem>>[vector<16xi32>], vector<16xf32>,
    %broadcast_in_dim3A_497 = arith.constant 19 : i32
    %broadcast_in_dim3A_498 = vector.broadcast %broadcast_in_dim3A_497 : i32 to vector<16xi32>
    %gather3A_499 = tpu.vector_load_idx %arg12[%broadcast_in_dim3A_498] : memref<32xf32, #tpu.memory_space<vmem>>[vector<16xi32>], vector<16xf32>,
    %broadcast_in_dim3A_500 = arith.constant 20 : i32
    %broadcast_in_dim3A_501 = vector.broadcast %broadcast_in_dim3A_500 : i32 to vector<16xi32>
    %gather3A_502 = tpu.vector_load_idx %arg12[%broadcast_in_dim3A_501] : memref<32xf32, #tpu.memory_space<vmem>>[vector<16xi32>], vector<16xf32>,
    %broadcast_in_dim3A_503 = arith.constant 21 : i32
    %broadcast_in_dim3A_504 = vector.broadcast %broadcast_in_dim3A_503 : i32 to vector<16xi32>
    %gather3A_505 = tpu.vector_load_idx %arg12[%broadcast_in_dim3A_504] : memref<32xf32, #tpu.memory_space<vmem>>[vector<16xi32>], vector<16xf32>,
    %broadcast_in_dim3A_506 = arith.constant 22 : i32
    %broadcast_in_dim3A_507 = vector.broadcast %broadcast_in_dim3A_506 : i32 to vector<16xi32>
    %gather3A_508 = tpu.vector_load_idx %arg12[%broadcast_in_dim3A_507] : memref<32xf32, #tpu.memory_space<vmem>>[vector<16xi32>], vector<16xf32>,
    %broadcast_in_dim3A_509 = arith.constant 23 : i32
    %broadcast_in_dim3A_510 = vector.broadcast %broadcast_in_dim3A_509 : i32 to vector<16xi32>
    %gather3A_511 = tpu.vector_load_idx %arg12[%broadcast_in_dim3A_510] : memref<32xf32, #tpu.memory_space<vmem>>[vector<16xi32>], vector<16xf32>,
    %broadcast_in_dim3A_512 = arith.constant 24 : i32
    %broadcast_in_dim3A_513 = vector.broadcast %broadcast_in_dim3A_512 : i32 to vector<16xi32>
    %gather3A_514 = tpu.vector_load_idx %arg12[%broadcast_in_dim3A_513] : memref<32xf32, #tpu.memory_space<vmem>>[vector<16xi32>], vector<16xf32>,
    %swap3A_515 = arith.constant 0 : index
    %swap3A_516 = tpu.vector_load %arg11[%swap3A_515] {strides = array<i32>} : memref<16xf32, #tpu.memory_space<vmem>>, vector<16xf32>,
    tpu.vector_store %arg11[%swap3A_515], %select_n3A_120 {strides = array<i32>} : memref<16xf32, #tpu.memory_space<vmem>>, vector<16xf32>,
    %gather3A_517 = tpu.vector_load_idx %arg11[%max3A_114] : memref<16xf32, #tpu.memory_space<vmem>>[vector<16xi32>], vector<16xf32>,
    %select_n3A_518 = arith.select %ge3A_116, %gather3A_517, %broadcast_in_dim3A_6 : vector<16xi1>, vector<16xf32>
    %mul3A_519 = arith.mulf %gather3A, %select_n3A_120 : vector<16xf32>
    %add3A_520 = arith.addf %select_n3A_518, %mul3A_519 : vector<16xf32>
    %swap3A_521 = arith.constant 0 : index
    %swap3A_522 = tpu.vector_load %arg11[%swap3A_521] {strides = array<i32>} : memref<16xf32, #tpu.memory_space<vmem>>, vector<16xf32>,
    tpu.vector_store %arg11[%swap3A_521], %add3A_520 {strides = array<i32>} : memref<16xf32, #tpu.memory_space<vmem>>, vector<16xf32>,
    %gather3A_523 = tpu.vector_load_idx %arg11[%max3A_114] : memref<16xf32, #tpu.memory_space<vmem>>[vector<16xi32>], vector<16xf32>,
    %select_n3A_524 = arith.select %ge3A_116, %gather3A_523, %broadcast_in_dim3A_6 : vector<16xi1>, vector<16xf32>
    %mul3A_525 = arith.mulf %gather3A_21, %add3A_520 : vector<16xf32>
    %add3A_526 = arith.addf %select_n3A_524, %mul3A_525 : vector<16xf32>
    %swap3A_527 = arith.constant 0 : index
    %swap3A_528 = tpu.vector_load %arg11[%swap3A_527] {strides = array<i32>} : memref<16xf32, #tpu.memory_space<vmem>>, vector<16xf32>,
    tpu.vector_store %arg11[%swap3A_527], %add3A_526 {strides = array<i32>} : memref<16xf32, #tpu.memory_space<vmem>>, vector<16xf32>,
    %gather3A_529 = tpu.vector_load_idx %arg11[%max3A_114] : memref<16xf32, #tpu.memory_space<vmem>>[vector<16xi32>], vector<16xf32>,
    %select_n3A_530 = arith.select %ge3A_116, %gather3A_529, %broadcast_in_dim3A_6 : vector<16xi1>, vector<16xf32>
    %mul3A_531 = arith.mulf %gather3A_24, %add3A_526 : vector<16xf32>
    %add3A_532 = arith.addf %select_n3A_530, %mul3A_531 : vector<16xf32>
    %swap3A_533 = arith.constant 0 : index
    %swap3A_534 = tpu.vector_load %arg11[%swap3A_533] {strides = array<i32>} : memref<16xf32, #tpu.memory_space<vmem>>, vector<16xf32>,
    tpu.vector_store %arg11[%swap3A_533], %add3A_532 {strides = array<i32>} : memref<16xf32, #tpu.memory_space<vmem>>, vector<16xf32>,
    %gather3A_535 = tpu.vector_load_idx %arg11[%max3A_114] : memref<16xf32, #tpu.memory_space<vmem>>[vector<16xi32>], vector<16xf32>,
    %select_n3A_536 = arith.select %ge3A_116, %gather3A_535, %broadcast_in_dim3A_6 : vector<16xi1>, vector<16xf32>
    %mul3A_537 = arith.mulf %gather3A_27, %add3A_532 : vector<16xf32>
    %add3A_538 = arith.addf %select_n3A_536, %mul3A_537 : vector<16xf32>
    %swap3A_539 = arith.constant 0 : index
    %swap3A_540 = tpu.vector_load %arg11[%swap3A_539] {strides = array<i32>} : memref<16xf32, #tpu.memory_space<vmem>>, vector<16xf32>,
    tpu.vector_store %arg11[%swap3A_539], %add3A_538 {strides = array<i32>} : memref<16xf32, #tpu.memory_space<vmem>>, vector<16xf32>,
    %gather3A_541 = tpu.vector_load_idx %arg11[%max3A_114] : memref<16xf32, #tpu.memory_space<vmem>>[vector<16xi32>], vector<16xf32>,
    %select_n3A_542 = arith.select %ge3A_116, %gather3A_541, %broadcast_in_dim3A_6 : vector<16xi1>, vector<16xf32>
    %mul3A_543 = arith.mulf %gather3A_33, %add3A_538 : vector<16xf32>
    %add3A_544 = arith.addf %select_n3A_542, %mul3A_543 : vector<16xf32>
    %swap3A_545 = arith.constant 0 : index
    %swap3A_546 = tpu.vector_load %arg11[%swap3A_545] {strides = array<i32>} : memref<16xf32, #tpu.memory_space<vmem>>, vector<16xf32>,
    tpu.vector_store %arg11[%swap3A_545], %add3A_544 {strides = array<i32>} : memref<16xf32, #tpu.memory_space<vmem>>, vector<16xf32>,
    %gather3A_547 = tpu.vector_load_idx %arg11[%max3A_114] : memref<16xf32, #tpu.memory_space<vmem>>[vector<16xi32>], vector<16xf32>,
    %select_n3A_548 = arith.select %ge3A_116, %gather3A_547, %broadcast_in_dim3A_6 : vector<16xi1>, vector<16xf32>
    %mul3A_549 = arith.mulf %gather3A_36, %add3A_544 : vector<16xf32>
    %add3A_550 = arith.addf %select_n3A_548, %mul3A_549 : vector<16xf32>
    %swap3A_551 = arith.constant 0 : index
    %swap3A_552 = tpu.vector_load %arg11[%swap3A_551] {strides = array<i32>} : memref<16xf32, #tpu.memory_space<vmem>>, vector<16xf32>,
    tpu.vector_store %arg11[%swap3A_551], %add3A_550 {strides = array<i32>} : memref<16xf32, #tpu.memory_space<vmem>>, vector<16xf32>,
    %gather3A_553 = tpu.vector_load_idx %arg11[%max3A_114] : memref<16xf32, #tpu.memory_space<vmem>>[vector<16xi32>], vector<16xf32>,
    %select_n3A_554 = arith.select %ge3A_116, %gather3A_553, %broadcast_in_dim3A_6 : vector<16xi1>, vector<16xf32>
    %mul3A_555 = arith.mulf %gather3A_39, %add3A_550 : vector<16xf32>
    %add3A_556 = arith.addf %select_n3A_554, %mul3A_555 : vector<16xf32>
    %swap3A_557 = arith.constant 0 : index
    %swap3A_558 = tpu.vector_load %arg11[%swap3A_557] {strides = array<i32>} : memref<16xf32, #tpu.memory_space<vmem>>, vector<16xf32>,
    tpu.vector_store %arg11[%swap3A_557], %add3A_556 {strides = array<i32>} : memref<16xf32, #tpu.memory_space<vmem>>, vector<16xf32>,
    %gather3A_559 = tpu.vector_load_idx %arg11[%max3A_114] : memref<16xf32, #tpu.memory_space<vmem>>[vector<16xi32>], vector<16xf32>,
    %select_n3A_560 = arith.select %ge3A_116, %gather3A_559, %broadcast_in_dim3A_6 : vector<16xi1>, vector<16xf32>
    %mul3A_561 = arith.mulf %gather3A_42, %add3A_556 : vector<16xf32>
    %add3A_562 = arith.addf %select_n3A_560, %mul3A_561 : vector<16xf32>
    %swap3A_563 = arith.constant 16 : index
    %swap3A_564 = tpu.vector_load %arg12[%swap3A_563] {strides = array<i32>} : memref<32xf32, #tpu.memory_space<vmem>>, vector<16xf32>,
    tpu.vector_store %arg12[%swap3A_563], %add3A_562 {strides = array<i32>} : memref<32xf32, #tpu.memory_space<vmem>>, vector<16xf32>,
    %broadcast_in_dim3A_565 = arith.constant 16 : i32
    %broadcast_in_dim3A_566 = vector.broadcast %broadcast_in_dim3A_565 : i32 to vector<16xi32>
    %gather3A_567 = tpu.vector_load_idx %arg12[%broadcast_in_dim3A_566] : memref<32xf32, #tpu.memory_space<vmem>>[vector<16xi32>], vector<16xf32>,
    %broadcast_in_dim3A_568 = arith.constant 17 : i32
    %broadcast_in_dim3A_569 = vector.broadcast %broadcast_in_dim3A_568 : i32 to vector<16xi32>
    %gather3A_570 = tpu.vector_load_idx %arg12[%broadcast_in_dim3A_569] : memref<32xf32, #tpu.memory_space<vmem>>[vector<16xi32>], vector<16xf32>,
    %broadcast_in_dim3A_571 = arith.constant 18 : i32
    %broadcast_in_dim3A_572 = vector.broadcast %broadcast_in_dim3A_571 : i32 to vector<16xi32>
    %gather3A_573 = tpu.vector_load_idx %arg12[%broadcast_in_dim3A_572] : memref<32xf32, #tpu.memory_space<vmem>>[vector<16xi32>], vector<16xf32>,
    %broadcast_in_dim3A_574 = arith.constant 19 : i32
    %broadcast_in_dim3A_575 = vector.broadcast %broadcast_in_dim3A_574 : i32 to vector<16xi32>
    %gather3A_576 = tpu.vector_load_idx %arg12[%broadcast_in_dim3A_575] : memref<32xf32, #tpu.memory_space<vmem>>[vector<16xi32>], vector<16xf32>,
    %broadcast_in_dim3A_577 = arith.constant 20 : i32
    %broadcast_in_dim3A_578 = vector.broadcast %broadcast_in_dim3A_577 : i32 to vector<16xi32>
    %gather3A_579 = tpu.vector_load_idx %arg12[%broadcast_in_dim3A_578] : memref<32xf32, #tpu.memory_space<vmem>>[vector<16xi32>], vector<16xf32>,
    %broadcast_in_dim3A_580 = arith.constant 21 : i32
    %broadcast_in_dim3A_581 = vector.broadcast %broadcast_in_dim3A_580 : i32 to vector<16xi32>
    %gather3A_582 = tpu.vector_load_idx %arg12[%broadcast_in_dim3A_581] : memref<32xf32, #tpu.memory_space<vmem>>[vector<16xi32>], vector<16xf32>,
    %broadcast_in_dim3A_583 = arith.constant 22 : i32
    %broadcast_in_dim3A_584 = vector.broadcast %broadcast_in_dim3A_583 : i32 to vector<16xi32>
    %gather3A_585 = tpu.vector_load_idx %arg12[%broadcast_in_dim3A_584] : memref<32xf32, #tpu.memory_space<vmem>>[vector<16xi32>], vector<16xf32>,
    %broadcast_in_dim3A_586 = arith.constant 23 : i32
    %broadcast_in_dim3A_587 = vector.broadcast %broadcast_in_dim3A_586 : i32 to vector<16xi32>
    %gather3A_588 = tpu.vector_load_idx %arg12[%broadcast_in_dim3A_587] : memref<32xf32, #tpu.memory_space<vmem>>[vector<16xi32>], vector<16xf32>,
    %broadcast_in_dim3A_589 = arith.constant 24 : i32
    %broadcast_in_dim3A_590 = vector.broadcast %broadcast_in_dim3A_589 : i32 to vector<16xi32>
    %gather3A_591 = tpu.vector_load_idx %arg12[%broadcast_in_dim3A_590] : memref<32xf32, #tpu.memory_space<vmem>>[vector<16xi32>], vector<16xf32>,
    %swap3A_592 = arith.constant 0 : index
    %swap3A_593 = tpu.vector_load %arg11[%swap3A_592] {strides = array<i32>} : memref<16xf32, #tpu.memory_space<vmem>>, vector<16xf32>,
    tpu.vector_store %arg11[%swap3A_592], %select_n3A_120 {strides = array<i32>} : memref<16xf32, #tpu.memory_space<vmem>>, vector<16xf32>,
    %gather3A_594 = tpu.vector_load_idx %arg11[%max3A_114] : memref<16xf32, #tpu.memory_space<vmem>>[vector<16xi32>], vector<16xf32>,
    %select_n3A_595 = arith.select %ge3A_116, %gather3A_594, %broadcast_in_dim3A_6 : vector<16xi1>, vector<16xf32>
    %mul3A_596 = arith.mulf %gather3A, %select_n3A_120 : vector<16xf32>
    %add3A_597 = arith.addf %select_n3A_595, %mul3A_596 : vector<16xf32>
    %swap3A_598 = arith.constant 0 : index
    %swap3A_599 = tpu.vector_load %arg11[%swap3A_598] {strides = array<i32>} : memref<16xf32, #tpu.memory_space<vmem>>, vector<16xf32>,
    tpu.vector_store %arg11[%swap3A_598], %add3A_597 {strides = array<i32>} : memref<16xf32, #tpu.memory_space<vmem>>, vector<16xf32>,
    %gather3A_600 = tpu.vector_load_idx %arg11[%max3A_114] : memref<16xf32, #tpu.memory_space<vmem>>[vector<16xi32>], vector<16xf32>,
    %select_n3A_601 = arith.select %ge3A_116, %gather3A_600, %broadcast_in_dim3A_6 : vector<16xi1>, vector<16xf32>
    %mul3A_602 = arith.mulf %gather3A_21, %add3A_597 : vector<16xf32>
    %add3A_603 = arith.addf %select_n3A_601, %mul3A_602 : vector<16xf32>
    %swap3A_604 = arith.constant 0 : index
    %swap3A_605 = tpu.vector_load %arg11[%swap3A_604] {strides = array<i32>} : memref<16xf32, #tpu.memory_space<vmem>>, vector<16xf32>,
    tpu.vector_store %arg11[%swap3A_604], %add3A_603 {strides = array<i32>} : memref<16xf32, #tpu.memory_space<vmem>>, vector<16xf32>,
    %gather3A_606 = tpu.vector_load_idx %arg11[%max3A_114] : memref<16xf32, #tpu.memory_space<vmem>>[vector<16xi32>], vector<16xf32>,
    %select_n3A_607 = arith.select %ge3A_116, %gather3A_606, %broadcast_in_dim3A_6 : vector<16xi1>, vector<16xf32>
    %mul3A_608 = arith.mulf %gather3A_24, %add3A_603 : vector<16xf32>
    %add3A_609 = arith.addf %select_n3A_607, %mul3A_608 : vector<16xf32>
    %swap3A_610 = arith.constant 0 : index
    %swap3A_611 = tpu.vector_load %arg11[%swap3A_610] {strides = array<i32>} : memref<16xf32, #tpu.memory_space<vmem>>, vector<16xf32>,
    tpu.vector_store %arg11[%swap3A_610], %add3A_609 {strides = array<i32>} : memref<16xf32, #tpu.memory_space<vmem>>, vector<16xf32>,
    %gather3A_612 = tpu.vector_load_idx %arg11[%max3A_114] : memref<16xf32, #tpu.memory_space<vmem>>[vector<16xi32>], vector<16xf32>,
    %select_n3A_613 = arith.select %ge3A_116, %gather3A_612, %broadcast_in_dim3A_6 : vector<16xi1>, vector<16xf32>
    %mul3A_614 = arith.mulf %gather3A_27, %add3A_609 : vector<16xf32>
    %add3A_615 = arith.addf %select_n3A_613, %mul3A_614 : vector<16xf32>
    %swap3A_616 = arith.constant 0 : index
    %swap3A_617 = tpu.vector_load %arg11[%swap3A_616] {strides = array<i32>} : memref<16xf32, #tpu.memory_space<vmem>>, vector<16xf32>,
    tpu.vector_store %arg11[%swap3A_616], %add3A_615 {strides = array<i32>} : memref<16xf32, #tpu.memory_space<vmem>>, vector<16xf32>,
    %gather3A_618 = tpu.vector_load_idx %arg11[%max3A_114] : memref<16xf32, #tpu.memory_space<vmem>>[vector<16xi32>], vector<16xf32>,
    %select_n3A_619 = arith.select %ge3A_116, %gather3A_618, %broadcast_in_dim3A_6 : vector<16xi1>, vector<16xf32>
    %mul3A_620 = arith.mulf %gather3A_30, %add3A_615 : vector<16xf32>
    %add3A_621 = arith.addf %select_n3A_619, %mul3A_620 : vector<16xf32>
    %swap3A_622 = arith.constant 0 : index
    %swap3A_623 = tpu.vector_load %arg11[%swap3A_622] {strides = array<i32>} : memref<16xf32, #tpu.memory_space<vmem>>, vector<16xf32>,
    tpu.vector_store %arg11[%swap3A_622], %add3A_621 {strides = array<i32>} : memref<16xf32, #tpu.memory_space<vmem>>, vector<16xf32>,
    %gather3A_624 = tpu.vector_load_idx %arg11[%max3A_114] : memref<16xf32, #tpu.memory_space<vmem>>[vector<16xi32>], vector<16xf32>,
    %select_n3A_625 = arith.select %ge3A_116, %gather3A_624, %broadcast_in_dim3A_6 : vector<16xi1>, vector<16xf32>
    %mul3A_626 = arith.mulf %gather3A_36, %add3A_621 : vector<16xf32>
    %add3A_627 = arith.addf %select_n3A_625, %mul3A_626 : vector<16xf32>
    %swap3A_628 = arith.constant 0 : index
    %swap3A_629 = tpu.vector_load %arg11[%swap3A_628] {strides = array<i32>} : memref<16xf32, #tpu.memory_space<vmem>>, vector<16xf32>,
    tpu.vector_store %arg11[%swap3A_628], %add3A_627 {strides = array<i32>} : memref<16xf32, #tpu.memory_space<vmem>>, vector<16xf32>,
    %gather3A_630 = tpu.vector_load_idx %arg11[%max3A_114] : memref<16xf32, #tpu.memory_space<vmem>>[vector<16xi32>], vector<16xf32>,
    %select_n3A_631 = arith.select %ge3A_116, %gather3A_630, %broadcast_in_dim3A_6 : vector<16xi1>, vector<16xf32>
    %mul3A_632 = arith.mulf %gather3A_39, %add3A_627 : vector<16xf32>
    %add3A_633 = arith.addf %select_n3A_631, %mul3A_632 : vector<16xf32>
    %swap3A_634 = arith.constant 0 : index
    %swap3A_635 = tpu.vector_load %arg11[%swap3A_634] {strides = array<i32>} : memref<16xf32, #tpu.memory_space<vmem>>, vector<16xf32>,
    tpu.vector_store %arg11[%swap3A_634], %add3A_633 {strides = array<i32>} : memref<16xf32, #tpu.memory_space<vmem>>, vector<16xf32>,
    %gather3A_636 = tpu.vector_load_idx %arg11[%max3A_114] : memref<16xf32, #tpu.memory_space<vmem>>[vector<16xi32>], vector<16xf32>,
    %select_n3A_637 = arith.select %ge3A_116, %gather3A_636, %broadcast_in_dim3A_6 : vector<16xi1>, vector<16xf32>
    %mul3A_638 = arith.mulf %gather3A_42, %add3A_633 : vector<16xf32>
    %add3A_639 = arith.addf %select_n3A_637, %mul3A_638 : vector<16xf32>
    %swap3A_640 = arith.constant 16 : index
    %swap3A_641 = tpu.vector_load %arg12[%swap3A_640] {strides = array<i32>} : memref<32xf32, #tpu.memory_space<vmem>>, vector<16xf32>,
    tpu.vector_store %arg12[%swap3A_640], %add3A_639 {strides = array<i32>} : memref<32xf32, #tpu.memory_space<vmem>>, vector<16xf32>,
    %broadcast_in_dim3A_642 = arith.constant 16 : i32
    %broadcast_in_dim3A_643 = vector.broadcast %broadcast_in_dim3A_642 : i32 to vector<16xi32>
    %gather3A_644 = tpu.vector_load_idx %arg12[%broadcast_in_dim3A_643] : memref<32xf32, #tpu.memory_space<vmem>>[vector<16xi32>], vector<16xf32>,
    %broadcast_in_dim3A_645 = arith.constant 17 : i32
    %broadcast_in_dim3A_646 = vector.broadcast %broadcast_in_dim3A_645 : i32 to vector<16xi32>
    %gather3A_647 = tpu.vector_load_idx %arg12[%broadcast_in_dim3A_646] : memref<32xf32, #tpu.memory_space<vmem>>[vector<16xi32>], vector<16xf32>,
    %broadcast_in_dim3A_648 = arith.constant 18 : i32
    %broadcast_in_dim3A_649 = vector.broadcast %broadcast_in_dim3A_648 : i32 to vector<16xi32>
    %gather3A_650 = tpu.vector_load_idx %arg12[%broadcast_in_dim3A_649] : memref<32xf32, #tpu.memory_space<vmem>>[vector<16xi32>], vector<16xf32>,
    %broadcast_in_dim3A_651 = arith.constant 19 : i32
    %broadcast_in_dim3A_652 = vector.broadcast %broadcast_in_dim3A_651 : i32 to vector<16xi32>
    %gather3A_653 = tpu.vector_load_idx %arg12[%broadcast_in_dim3A_652] : memref<32xf32, #tpu.memory_space<vmem>>[vector<16xi32>], vector<16xf32>,
    %broadcast_in_dim3A_654 = arith.constant 20 : i32
    %broadcast_in_dim3A_655 = vector.broadcast %broadcast_in_dim3A_654 : i32 to vector<16xi32>
    %gather3A_656 = tpu.vector_load_idx %arg12[%broadcast_in_dim3A_655] : memref<32xf32, #tpu.memory_space<vmem>>[vector<16xi32>], vector<16xf32>,
    %broadcast_in_dim3A_657 = arith.constant 21 : i32
    %broadcast_in_dim3A_658 = vector.broadcast %broadcast_in_dim3A_657 : i32 to vector<16xi32>
    %gather3A_659 = tpu.vector_load_idx %arg12[%broadcast_in_dim3A_658] : memref<32xf32, #tpu.memory_space<vmem>>[vector<16xi32>], vector<16xf32>,
    %broadcast_in_dim3A_660 = arith.constant 22 : i32
    %broadcast_in_dim3A_661 = vector.broadcast %broadcast_in_dim3A_660 : i32 to vector<16xi32>
    %gather3A_662 = tpu.vector_load_idx %arg12[%broadcast_in_dim3A_661] : memref<32xf32, #tpu.memory_space<vmem>>[vector<16xi32>], vector<16xf32>,
    %broadcast_in_dim3A_663 = arith.constant 23 : i32
    %broadcast_in_dim3A_664 = vector.broadcast %broadcast_in_dim3A_663 : i32 to vector<16xi32>
    %gather3A_665 = tpu.vector_load_idx %arg12[%broadcast_in_dim3A_664] : memref<32xf32, #tpu.memory_space<vmem>>[vector<16xi32>], vector<16xf32>,
    %broadcast_in_dim3A_666 = arith.constant 24 : i32
    %broadcast_in_dim3A_667 = vector.broadcast %broadcast_in_dim3A_666 : i32 to vector<16xi32>
    %gather3A_668 = tpu.vector_load_idx %arg12[%broadcast_in_dim3A_667] : memref<32xf32, #tpu.memory_space<vmem>>[vector<16xi32>], vector<16xf32>,
    %swap3A_669 = arith.constant 0 : index
    %swap3A_670 = tpu.vector_load %arg11[%swap3A_669] {strides = array<i32>} : memref<16xf32, #tpu.memory_space<vmem>>, vector<16xf32>,
    tpu.vector_store %arg11[%swap3A_669], %select_n3A_120 {strides = array<i32>} : memref<16xf32, #tpu.memory_space<vmem>>, vector<16xf32>,
    %gather3A_671 = tpu.vector_load_idx %arg11[%max3A_114] : memref<16xf32, #tpu.memory_space<vmem>>[vector<16xi32>], vector<16xf32>,
    %select_n3A_672 = arith.select %ge3A_116, %gather3A_671, %broadcast_in_dim3A_6 : vector<16xi1>, vector<16xf32>
    %mul3A_673 = arith.mulf %gather3A, %select_n3A_120 : vector<16xf32>
    %add3A_674 = arith.addf %select_n3A_672, %mul3A_673 : vector<16xf32>
    %swap3A_675 = arith.constant 0 : index
    %swap3A_676 = tpu.vector_load %arg11[%swap3A_675] {strides = array<i32>} : memref<16xf32, #tpu.memory_space<vmem>>, vector<16xf32>,
    tpu.vector_store %arg11[%swap3A_675], %add3A_674 {strides = array<i32>} : memref<16xf32, #tpu.memory_space<vmem>>, vector<16xf32>,
    %gather3A_677 = tpu.vector_load_idx %arg11[%max3A_114] : memref<16xf32, #tpu.memory_space<vmem>>[vector<16xi32>], vector<16xf32>,
    %select_n3A_678 = arith.select %ge3A_116, %gather3A_677, %broadcast_in_dim3A_6 : vector<16xi1>, vector<16xf32>
    %mul3A_679 = arith.mulf %gather3A_21, %add3A_674 : vector<16xf32>
    %add3A_680 = arith.addf %select_n3A_678, %mul3A_679 : vector<16xf32>
    %swap3A_681 = arith.constant 0 : index
    %swap3A_682 = tpu.vector_load %arg11[%swap3A_681] {strides = array<i32>} : memref<16xf32, #tpu.memory_space<vmem>>, vector<16xf32>,
    tpu.vector_store %arg11[%swap3A_681], %add3A_680 {strides = array<i32>} : memref<16xf32, #tpu.memory_space<vmem>>, vector<16xf32>,
    %gather3A_683 = tpu.vector_load_idx %arg11[%max3A_114] : memref<16xf32, #tpu.memory_space<vmem>>[vector<16xi32>], vector<16xf32>,
    %select_n3A_684 = arith.select %ge3A_116, %gather3A_683, %broadcast_in_dim3A_6 : vector<16xi1>, vector<16xf32>
    %mul3A_685 = arith.mulf %gather3A_24, %add3A_680 : vector<16xf32>
    %add3A_686 = arith.addf %select_n3A_684, %mul3A_685 : vector<16xf32>
    %swap3A_687 = arith.constant 0 : index
    %swap3A_688 = tpu.vector_load %arg11[%swap3A_687] {strides = array<i32>} : memref<16xf32, #tpu.memory_space<vmem>>, vector<16xf32>,
    tpu.vector_store %arg11[%swap3A_687], %add3A_686 {strides = array<i32>} : memref<16xf32, #tpu.memory_space<vmem>>, vector<16xf32>,
    %gather3A_689 = tpu.vector_load_idx %arg11[%max3A_114] : memref<16xf32, #tpu.memory_space<vmem>>[vector<16xi32>], vector<16xf32>,
    %select_n3A_690 = arith.select %ge3A_116, %gather3A_689, %broadcast_in_dim3A_6 : vector<16xi1>, vector<16xf32>
    %mul3A_691 = arith.mulf %gather3A_27, %add3A_686 : vector<16xf32>
    %add3A_692 = arith.addf %select_n3A_690, %mul3A_691 : vector<16xf32>
    %swap3A_693 = arith.constant 0 : index
    %swap3A_694 = tpu.vector_load %arg11[%swap3A_693] {strides = array<i32>} : memref<16xf32, #tpu.memory_space<vmem>>, vector<16xf32>,
    tpu.vector_store %arg11[%swap3A_693], %add3A_692 {strides = array<i32>} : memref<16xf32, #tpu.memory_space<vmem>>, vector<16xf32>,
    %gather3A_695 = tpu.vector_load_idx %arg11[%max3A_114] : memref<16xf32, #tpu.memory_space<vmem>>[vector<16xi32>], vector<16xf32>,
    %select_n3A_696 = arith.select %ge3A_116, %gather3A_695, %broadcast_in_dim3A_6 : vector<16xi1>, vector<16xf32>
    %mul3A_697 = arith.mulf %gather3A_30, %add3A_692 : vector<16xf32>
    %add3A_698 = arith.addf %select_n3A_696, %mul3A_697 : vector<16xf32>
    %swap3A_699 = arith.constant 0 : index
    %swap3A_700 = tpu.vector_load %arg11[%swap3A_699] {strides = array<i32>} : memref<16xf32, #tpu.memory_space<vmem>>, vector<16xf32>,
    tpu.vector_store %arg11[%swap3A_699], %add3A_698 {strides = array<i32>} : memref<16xf32, #tpu.memory_space<vmem>>, vector<16xf32>,
    %gather3A_701 = tpu.vector_load_idx %arg11[%max3A_114] : memref<16xf32, #tpu.memory_space<vmem>>[vector<16xi32>], vector<16xf32>,
    %select_n3A_702 = arith.select %ge3A_116, %gather3A_701, %broadcast_in_dim3A_6 : vector<16xi1>, vector<16xf32>
    %mul3A_703 = arith.mulf %gather3A_33, %add3A_698 : vector<16xf32>
    %add3A_704 = arith.addf %select_n3A_702, %mul3A_703 : vector<16xf32>
    %swap3A_705 = arith.constant 0 : index
    %swap3A_706 = tpu.vector_load %arg11[%swap3A_705] {strides = array<i32>} : memref<16xf32, #tpu.memory_space<vmem>>, vector<16xf32>,
    tpu.vector_store %arg11[%swap3A_705], %add3A_704 {strides = array<i32>} : memref<16xf32, #tpu.memory_space<vmem>>, vector<16xf32>,
    %gather3A_707 = tpu.vector_load_idx %arg11[%max3A_114] : memref<16xf32, #tpu.memory_space<vmem>>[vector<16xi32>], vector<16xf32>,
    %select_n3A_708 = arith.select %ge3A_116, %gather3A_707, %broadcast_in_dim3A_6 : vector<16xi1>, vector<16xf32>
    %mul3A_709 = arith.mulf %gather3A_39, %add3A_704 : vector<16xf32>
    %add3A_710 = arith.addf %select_n3A_708, %mul3A_709 : vector<16xf32>
    %swap3A_711 = arith.constant 0 : index
    %swap3A_712 = tpu.vector_load %arg11[%swap3A_711] {strides = array<i32>} : memref<16xf32, #tpu.memory_space<vmem>>, vector<16xf32>,
    tpu.vector_store %arg11[%swap3A_711], %add3A_710 {strides = array<i32>} : memref<16xf32, #tpu.memory_space<vmem>>, vector<16xf32>,
    %gather3A_713 = tpu.vector_load_idx %arg11[%max3A_114] : memref<16xf32, #tpu.memory_space<vmem>>[vector<16xi32>], vector<16xf32>,
    %select_n3A_714 = arith.select %ge3A_116, %gather3A_713, %broadcast_in_dim3A_6 : vector<16xi1>, vector<16xf32>
    %mul3A_715 = arith.mulf %gather3A_42, %add3A_710 : vector<16xf32>
    %add3A_716 = arith.addf %select_n3A_714, %mul3A_715 : vector<16xf32>
    %swap3A_717 = arith.constant 16 : index
    %swap3A_718 = tpu.vector_load %arg12[%swap3A_717] {strides = array<i32>} : memref<32xf32, #tpu.memory_space<vmem>>, vector<16xf32>,
    tpu.vector_store %arg12[%swap3A_717], %add3A_716 {strides = array<i32>} : memref<32xf32, #tpu.memory_space<vmem>>, vector<16xf32>,
    %broadcast_in_dim3A_719 = arith.constant 16 : i32
    %broadcast_in_dim3A_720 = vector.broadcast %broadcast_in_dim3A_719 : i32 to vector<16xi32>
    %gather3A_721 = tpu.vector_load_idx %arg12[%broadcast_in_dim3A_720] : memref<32xf32, #tpu.memory_space<vmem>>[vector<16xi32>], vector<16xf32>,
    %broadcast_in_dim3A_722 = arith.constant 17 : i32
    %broadcast_in_dim3A_723 = vector.broadcast %broadcast_in_dim3A_722 : i32 to vector<16xi32>
    %gather3A_724 = tpu.vector_load_idx %arg12[%broadcast_in_dim3A_723] : memref<32xf32, #tpu.memory_space<vmem>>[vector<16xi32>], vector<16xf32>,
    %broadcast_in_dim3A_725 = arith.constant 18 : i32
    %broadcast_in_dim3A_726 = vector.broadcast %broadcast_in_dim3A_725 : i32 to vector<16xi32>
    %gather3A_727 = tpu.vector_load_idx %arg12[%broadcast_in_dim3A_726] : memref<32xf32, #tpu.memory_space<vmem>>[vector<16xi32>], vector<16xf32>,
    %broadcast_in_dim3A_728 = arith.constant 19 : i32
    %broadcast_in_dim3A_729 = vector.broadcast %broadcast_in_dim3A_728 : i32 to vector<16xi32>
    %gather3A_730 = tpu.vector_load_idx %arg12[%broadcast_in_dim3A_729] : memref<32xf32, #tpu.memory_space<vmem>>[vector<16xi32>], vector<16xf32>,
    %broadcast_in_dim3A_731 = arith.constant 20 : i32
    %broadcast_in_dim3A_732 = vector.broadcast %broadcast_in_dim3A_731 : i32 to vector<16xi32>
    %gather3A_733 = tpu.vector_load_idx %arg12[%broadcast_in_dim3A_732] : memref<32xf32, #tpu.memory_space<vmem>>[vector<16xi32>], vector<16xf32>,
    %broadcast_in_dim3A_734 = arith.constant 21 : i32
    %broadcast_in_dim3A_735 = vector.broadcast %broadcast_in_dim3A_734 : i32 to vector<16xi32>
    %gather3A_736 = tpu.vector_load_idx %arg12[%broadcast_in_dim3A_735] : memref<32xf32, #tpu.memory_space<vmem>>[vector<16xi32>], vector<16xf32>,
    %broadcast_in_dim3A_737 = arith.constant 22 : i32
    %broadcast_in_dim3A_738 = vector.broadcast %broadcast_in_dim3A_737 : i32 to vector<16xi32>
    %gather3A_739 = tpu.vector_load_idx %arg12[%broadcast_in_dim3A_738] : memref<32xf32, #tpu.memory_space<vmem>>[vector<16xi32>], vector<16xf32>,
    %broadcast_in_dim3A_740 = arith.constant 23 : i32
    %broadcast_in_dim3A_741 = vector.broadcast %broadcast_in_dim3A_740 : i32 to vector<16xi32>
    %gather3A_742 = tpu.vector_load_idx %arg12[%broadcast_in_dim3A_741] : memref<32xf32, #tpu.memory_space<vmem>>[vector<16xi32>], vector<16xf32>,
    %broadcast_in_dim3A_743 = arith.constant 24 : i32
    %broadcast_in_dim3A_744 = vector.broadcast %broadcast_in_dim3A_743 : i32 to vector<16xi32>
    %gather3A_745 = tpu.vector_load_idx %arg12[%broadcast_in_dim3A_744] : memref<32xf32, #tpu.memory_space<vmem>>[vector<16xi32>], vector<16xf32>,
    %swap3A_746 = arith.constant 0 : index
    %swap3A_747 = tpu.vector_load %arg11[%swap3A_746] {strides = array<i32>} : memref<16xf32, #tpu.memory_space<vmem>>, vector<16xf32>,
    tpu.vector_store %arg11[%swap3A_746], %select_n3A_120 {strides = array<i32>} : memref<16xf32, #tpu.memory_space<vmem>>, vector<16xf32>,
    %gather3A_748 = tpu.vector_load_idx %arg11[%max3A_114] : memref<16xf32, #tpu.memory_space<vmem>>[vector<16xi32>], vector<16xf32>,
    %select_n3A_749 = arith.select %ge3A_116, %gather3A_748, %broadcast_in_dim3A_6 : vector<16xi1>, vector<16xf32>
    %mul3A_750 = arith.mulf %gather3A, %select_n3A_120 : vector<16xf32>
    %add3A_751 = arith.addf %select_n3A_749, %mul3A_750 : vector<16xf32>
    %swap3A_752 = arith.constant 0 : index
    %swap3A_753 = tpu.vector_load %arg11[%swap3A_752] {strides = array<i32>} : memref<16xf32, #tpu.memory_space<vmem>>, vector<16xf32>,
    tpu.vector_store %arg11[%swap3A_752], %add3A_751 {strides = array<i32>} : memref<16xf32, #tpu.memory_space<vmem>>, vector<16xf32>,
    %gather3A_754 = tpu.vector_load_idx %arg11[%max3A_114] : memref<16xf32, #tpu.memory_space<vmem>>[vector<16xi32>], vector<16xf32>,
    %select_n3A_755 = arith.select %ge3A_116, %gather3A_754, %broadcast_in_dim3A_6 : vector<16xi1>, vector<16xf32>
    %mul3A_756 = arith.mulf %gather3A_21, %add3A_751 : vector<16xf32>
    %add3A_757 = arith.addf %select_n3A_755, %mul3A_756 : vector<16xf32>
    %swap3A_758 = arith.constant 0 : index
    %swap3A_759 = tpu.vector_load %arg11[%swap3A_758] {strides = array<i32>} : memref<16xf32, #tpu.memory_space<vmem>>, vector<16xf32>,
    tpu.vector_store %arg11[%swap3A_758], %add3A_757 {strides = array<i32>} : memref<16xf32, #tpu.memory_space<vmem>>, vector<16xf32>,
    %gather3A_760 = tpu.vector_load_idx %arg11[%max3A_114] : memref<16xf32, #tpu.memory_space<vmem>>[vector<16xi32>], vector<16xf32>,
    %select_n3A_761 = arith.select %ge3A_116, %gather3A_760, %broadcast_in_dim3A_6 : vector<16xi1>, vector<16xf32>
    %mul3A_762 = arith.mulf %gather3A_24, %add3A_757 : vector<16xf32>
    %add3A_763 = arith.addf %select_n3A_761, %mul3A_762 : vector<16xf32>
    %swap3A_764 = arith.constant 0 : index
    %swap3A_765 = tpu.vector_load %arg11[%swap3A_764] {strides = array<i32>} : memref<16xf32, #tpu.memory_space<vmem>>, vector<16xf32>,
    tpu.vector_store %arg11[%swap3A_764], %add3A_763 {strides = array<i32>} : memref<16xf32, #tpu.memory_space<vmem>>, vector<16xf32>,
    %gather3A_766 = tpu.vector_load_idx %arg11[%max3A_114] : memref<16xf32, #tpu.memory_space<vmem>>[vector<16xi32>], vector<16xf32>,
    %select_n3A_767 = arith.select %ge3A_116, %gather3A_766, %broadcast_in_dim3A_6 : vector<16xi1>, vector<16xf32>
    %mul3A_768 = arith.mulf %gather3A_27, %add3A_763 : vector<16xf32>
    %add3A_769 = arith.addf %select_n3A_767, %mul3A_768 : vector<16xf32>
    %swap3A_770 = arith.constant 0 : index
    %swap3A_771 = tpu.vector_load %arg11[%swap3A_770] {strides = array<i32>} : memref<16xf32, #tpu.memory_space<vmem>>, vector<16xf32>,
    tpu.vector_store %arg11[%swap3A_770], %add3A_769 {strides = array<i32>} : memref<16xf32, #tpu.memory_space<vmem>>, vector<16xf32>,
    %gather3A_772 = tpu.vector_load_idx %arg11[%max3A_114] : memref<16xf32, #tpu.memory_space<vmem>>[vector<16xi32>], vector<16xf32>,
    %select_n3A_773 = arith.select %ge3A_116, %gather3A_772, %broadcast_in_dim3A_6 : vector<16xi1>, vector<16xf32>
    %mul3A_774 = arith.mulf %gather3A_30, %add3A_769 : vector<16xf32>
    %add3A_775 = arith.addf %select_n3A_773, %mul3A_774 : vector<16xf32>
    %swap3A_776 = arith.constant 0 : index
    %swap3A_777 = tpu.vector_load %arg11[%swap3A_776] {strides = array<i32>} : memref<16xf32, #tpu.memory_space<vmem>>, vector<16xf32>,
    tpu.vector_store %arg11[%swap3A_776], %add3A_775 {strides = array<i32>} : memref<16xf32, #tpu.memory_space<vmem>>, vector<16xf32>,
    %gather3A_778 = tpu.vector_load_idx %arg11[%max3A_114] : memref<16xf32, #tpu.memory_space<vmem>>[vector<16xi32>], vector<16xf32>,
    %select_n3A_779 = arith.select %ge3A_116, %gather3A_778, %broadcast_in_dim3A_6 : vector<16xi1>, vector<16xf32>
    %mul3A_780 = arith.mulf %gather3A_33, %add3A_775 : vector<16xf32>
    %add3A_781 = arith.addf %select_n3A_779, %mul3A_780 : vector<16xf32>
    %swap3A_782 = arith.constant 0 : index
    %swap3A_783 = tpu.vector_load %arg11[%swap3A_782] {strides = array<i32>} : memref<16xf32, #tpu.memory_space<vmem>>, vector<16xf32>,
    tpu.vector_store %arg11[%swap3A_782], %add3A_781 {strides = array<i32>} : memref<16xf32, #tpu.memory_space<vmem>>, vector<16xf32>,
    %gather3A_784 = tpu.vector_load_idx %arg11[%max3A_114] : memref<16xf32, #tpu.memory_space<vmem>>[vector<16xi32>], vector<16xf32>,
    %select_n3A_785 = arith.select %ge3A_116, %gather3A_784, %broadcast_in_dim3A_6 : vector<16xi1>, vector<16xf32>
    %mul3A_786 = arith.mulf %gather3A_36, %add3A_781 : vector<16xf32>
    %add3A_787 = arith.addf %select_n3A_785, %mul3A_786 : vector<16xf32>
    %swap3A_788 = arith.constant 0 : index
    %swap3A_789 = tpu.vector_load %arg11[%swap3A_788] {strides = array<i32>} : memref<16xf32, #tpu.memory_space<vmem>>, vector<16xf32>,
    tpu.vector_store %arg11[%swap3A_788], %add3A_787 {strides = array<i32>} : memref<16xf32, #tpu.memory_space<vmem>>, vector<16xf32>,
    %gather3A_790 = tpu.vector_load_idx %arg11[%max3A_114] : memref<16xf32, #tpu.memory_space<vmem>>[vector<16xi32>], vector<16xf32>,
    %select_n3A_791 = arith.select %ge3A_116, %gather3A_790, %broadcast_in_dim3A_6 : vector<16xi1>, vector<16xf32>
    %mul3A_792 = arith.mulf %gather3A_42, %add3A_787 : vector<16xf32>
    %add3A_793 = arith.addf %select_n3A_791, %mul3A_792 : vector<16xf32>
    %swap3A_794 = arith.constant 16 : index
    %swap3A_795 = tpu.vector_load %arg12[%swap3A_794] {strides = array<i32>} : memref<32xf32, #tpu.memory_space<vmem>>, vector<16xf32>,
    tpu.vector_store %arg12[%swap3A_794], %add3A_793 {strides = array<i32>} : memref<32xf32, #tpu.memory_space<vmem>>, vector<16xf32>,
    %broadcast_in_dim3A_796 = arith.constant 16 : i32
    %broadcast_in_dim3A_797 = vector.broadcast %broadcast_in_dim3A_796 : i32 to vector<16xi32>
    %gather3A_798 = tpu.vector_load_idx %arg12[%broadcast_in_dim3A_797] : memref<32xf32, #tpu.memory_space<vmem>>[vector<16xi32>], vector<16xf32>,
    %broadcast_in_dim3A_799 = arith.constant 17 : i32
    %broadcast_in_dim3A_800 = vector.broadcast %broadcast_in_dim3A_799 : i32 to vector<16xi32>
    %gather3A_801 = tpu.vector_load_idx %arg12[%broadcast_in_dim3A_800] : memref<32xf32, #tpu.memory_space<vmem>>[vector<16xi32>], vector<16xf32>,
    %broadcast_in_dim3A_802 = arith.constant 18 : i32
    %broadcast_in_dim3A_803 = vector.broadcast %broadcast_in_dim3A_802 : i32 to vector<16xi32>
    %gather3A_804 = tpu.vector_load_idx %arg12[%broadcast_in_dim3A_803] : memref<32xf32, #tpu.memory_space<vmem>>[vector<16xi32>], vector<16xf32>,
    %broadcast_in_dim3A_805 = arith.constant 19 : i32
    %broadcast_in_dim3A_806 = vector.broadcast %broadcast_in_dim3A_805 : i32 to vector<16xi32>
    %gather3A_807 = tpu.vector_load_idx %arg12[%broadcast_in_dim3A_806] : memref<32xf32, #tpu.memory_space<vmem>>[vector<16xi32>], vector<16xf32>,
    %broadcast_in_dim3A_808 = arith.constant 20 : i32
    %broadcast_in_dim3A_809 = vector.broadcast %broadcast_in_dim3A_808 : i32 to vector<16xi32>
    %gather3A_810 = tpu.vector_load_idx %arg12[%broadcast_in_dim3A_809] : memref<32xf32, #tpu.memory_space<vmem>>[vector<16xi32>], vector<16xf32>,
    %broadcast_in_dim3A_811 = arith.constant 21 : i32
    %broadcast_in_dim3A_812 = vector.broadcast %broadcast_in_dim3A_811 : i32 to vector<16xi32>
    %gather3A_813 = tpu.vector_load_idx %arg12[%broadcast_in_dim3A_812] : memref<32xf32, #tpu.memory_space<vmem>>[vector<16xi32>], vector<16xf32>,
    %broadcast_in_dim3A_814 = arith.constant 22 : i32
    %broadcast_in_dim3A_815 = vector.broadcast %broadcast_in_dim3A_814 : i32 to vector<16xi32>
    %gather3A_816 = tpu.vector_load_idx %arg12[%broadcast_in_dim3A_815] : memref<32xf32, #tpu.memory_space<vmem>>[vector<16xi32>], vector<16xf32>,
    %broadcast_in_dim3A_817 = arith.constant 23 : i32
    %broadcast_in_dim3A_818 = vector.broadcast %broadcast_in_dim3A_817 : i32 to vector<16xi32>
    %gather3A_819 = tpu.vector_load_idx %arg12[%broadcast_in_dim3A_818] : memref<32xf32, #tpu.memory_space<vmem>>[vector<16xi32>], vector<16xf32>,
    %broadcast_in_dim3A_820 = arith.constant 24 : i32
    %broadcast_in_dim3A_821 = vector.broadcast %broadcast_in_dim3A_820 : i32 to vector<16xi32>
    %gather3A_822 = tpu.vector_load_idx %arg12[%broadcast_in_dim3A_821] : memref<32xf32, #tpu.memory_space<vmem>>[vector<16xi32>], vector<16xf32>,
    %swap3A_823 = arith.constant 0 : index
    %swap3A_824 = tpu.vector_load %arg11[%swap3A_823] {strides = array<i32>} : memref<16xf32, #tpu.memory_space<vmem>>, vector<16xf32>,
    tpu.vector_store %arg11[%swap3A_823], %select_n3A_120 {strides = array<i32>} : memref<16xf32, #tpu.memory_space<vmem>>, vector<16xf32>,
    %gather3A_825 = tpu.vector_load_idx %arg11[%max3A_114] : memref<16xf32, #tpu.memory_space<vmem>>[vector<16xi32>], vector<16xf32>,
    %select_n3A_826 = arith.select %ge3A_116, %gather3A_825, %broadcast_in_dim3A_6 : vector<16xi1>, vector<16xf32>
    %mul3A_827 = arith.mulf %gather3A, %select_n3A_120 : vector<16xf32>
    %add3A_828 = arith.addf %select_n3A_826, %mul3A_827 : vector<16xf32>
    %swap3A_829 = arith.constant 0 : index
    %swap3A_830 = tpu.vector_load %arg11[%swap3A_829] {strides = array<i32>} : memref<16xf32, #tpu.memory_space<vmem>>, vector<16xf32>,
    tpu.vector_store %arg11[%swap3A_829], %add3A_828 {strides = array<i32>} : memref<16xf32, #tpu.memory_space<vmem>>, vector<16xf32>,
    %gather3A_831 = tpu.vector_load_idx %arg11[%max3A_114] : memref<16xf32, #tpu.memory_space<vmem>>[vector<16xi32>], vector<16xf32>,
    %select_n3A_832 = arith.select %ge3A_116, %gather3A_831, %broadcast_in_dim3A_6 : vector<16xi1>, vector<16xf32>
    %mul3A_833 = arith.mulf %gather3A_21, %add3A_828 : vector<16xf32>
    %add3A_834 = arith.addf %select_n3A_832, %mul3A_833 : vector<16xf32>
    %swap3A_835 = arith.constant 0 : index
    %swap3A_836 = tpu.vector_load %arg11[%swap3A_835] {strides = array<i32>} : memref<16xf32, #tpu.memory_space<vmem>>, vector<16xf32>,
    tpu.vector_store %arg11[%swap3A_835], %add3A_834 {strides = array<i32>} : memref<16xf32, #tpu.memory_space<vmem>>, vector<16xf32>,
    %gather3A_837 = tpu.vector_load_idx %arg11[%max3A_114] : memref<16xf32, #tpu.memory_space<vmem>>[vector<16xi32>], vector<16xf32>,
    %select_n3A_838 = arith.select %ge3A_116, %gather3A_837, %broadcast_in_dim3A_6 : vector<16xi1>, vector<16xf32>
    %mul3A_839 = arith.mulf %gather3A_24, %add3A_834 : vector<16xf32>
    %add3A_840 = arith.addf %select_n3A_838, %mul3A_839 : vector<16xf32>
    %swap3A_841 = arith.constant 0 : index
    %swap3A_842 = tpu.vector_load %arg11[%swap3A_841] {strides = array<i32>} : memref<16xf32, #tpu.memory_space<vmem>>, vector<16xf32>,
    tpu.vector_store %arg11[%swap3A_841], %add3A_840 {strides = array<i32>} : memref<16xf32, #tpu.memory_space<vmem>>, vector<16xf32>,
    %gather3A_843 = tpu.vector_load_idx %arg11[%max3A_114] : memref<16xf32, #tpu.memory_space<vmem>>[vector<16xi32>], vector<16xf32>,
    %select_n3A_844 = arith.select %ge3A_116, %gather3A_843, %broadcast_in_dim3A_6 : vector<16xi1>, vector<16xf32>
    %mul3A_845 = arith.mulf %gather3A_27, %add3A_840 : vector<16xf32>
    %add3A_846 = arith.addf %select_n3A_844, %mul3A_845 : vector<16xf32>
    %swap3A_847 = arith.constant 0 : index
    %swap3A_848 = tpu.vector_load %arg11[%swap3A_847] {strides = array<i32>} : memref<16xf32, #tpu.memory_space<vmem>>, vector<16xf32>,
    tpu.vector_store %arg11[%swap3A_847], %add3A_846 {strides = array<i32>} : memref<16xf32, #tpu.memory_space<vmem>>, vector<16xf32>,
    %gather3A_849 = tpu.vector_load_idx %arg11[%max3A_114] : memref<16xf32, #tpu.memory_space<vmem>>[vector<16xi32>], vector<16xf32>,
    %select_n3A_850 = arith.select %ge3A_116, %gather3A_849, %broadcast_in_dim3A_6 : vector<16xi1>, vector<16xf32>
    %mul3A_851 = arith.mulf %gather3A_30, %add3A_846 : vector<16xf32>
    %add3A_852 = arith.addf %select_n3A_850, %mul3A_851 : vector<16xf32>
    %swap3A_853 = arith.constant 0 : index
    %swap3A_854 = tpu.vector_load %arg11[%swap3A_853] {strides = array<i32>} : memref<16xf32, #tpu.memory_space<vmem>>, vector<16xf32>,
    tpu.vector_store %arg11[%swap3A_853], %add3A_852 {strides = array<i32>} : memref<16xf32, #tpu.memory_space<vmem>>, vector<16xf32>,
    %gather3A_855 = tpu.vector_load_idx %arg11[%max3A_114] : memref<16xf32, #tpu.memory_space<vmem>>[vector<16xi32>], vector<16xf32>,
    %select_n3A_856 = arith.select %ge3A_116, %gather3A_855, %broadcast_in_dim3A_6 : vector<16xi1>, vector<16xf32>
    %mul3A_857 = arith.mulf %gather3A_33, %add3A_852 : vector<16xf32>
    %add3A_858 = arith.addf %select_n3A_856, %mul3A_857 : vector<16xf32>
    %swap3A_859 = arith.constant 0 : index
    %swap3A_860 = tpu.vector_load %arg11[%swap3A_859] {strides = array<i32>} : memref<16xf32, #tpu.memory_space<vmem>>, vector<16xf32>,
    tpu.vector_store %arg11[%swap3A_859], %add3A_858 {strides = array<i32>} : memref<16xf32, #tpu.memory_space<vmem>>, vector<16xf32>,
    %gather3A_861 = tpu.vector_load_idx %arg11[%max3A_114] : memref<16xf32, #tpu.memory_space<vmem>>[vector<16xi32>], vector<16xf32>,
    %select_n3A_862 = arith.select %ge3A_116, %gather3A_861, %broadcast_in_dim3A_6 : vector<16xi1>, vector<16xf32>
    %mul3A_863 = arith.mulf %gather3A_36, %add3A_858 : vector<16xf32>
    %add3A_864 = arith.addf %select_n3A_862, %mul3A_863 : vector<16xf32>
    %swap3A_865 = arith.constant 0 : index
    %swap3A_866 = tpu.vector_load %arg11[%swap3A_865] {strides = array<i32>} : memref<16xf32, #tpu.memory_space<vmem>>, vector<16xf32>,
    tpu.vector_store %arg11[%swap3A_865], %add3A_864 {strides = array<i32>} : memref<16xf32, #tpu.memory_space<vmem>>, vector<16xf32>,
    %gather3A_867 = tpu.vector_load_idx %arg11[%max3A_114] : memref<16xf32, #tpu.memory_space<vmem>>[vector<16xi32>], vector<16xf32>,
    %select_n3A_868 = arith.select %ge3A_116, %gather3A_867, %broadcast_in_dim3A_6 : vector<16xi1>, vector<16xf32>
    %mul3A_869 = arith.mulf %gather3A_39, %add3A_864 : vector<16xf32>
    %add3A_870 = arith.addf %select_n3A_868, %mul3A_869 : vector<16xf32>
    %swap3A_871 = arith.constant 16 : index
    %swap3A_872 = tpu.vector_load %arg12[%swap3A_871] {strides = array<i32>} : memref<32xf32, #tpu.memory_space<vmem>>, vector<16xf32>,
    tpu.vector_store %arg12[%swap3A_871], %add3A_870 {strides = array<i32>} : memref<32xf32, #tpu.memory_space<vmem>>, vector<16xf32>,
    %broadcast_in_dim3A_873 = arith.constant 16 : i32
    %broadcast_in_dim3A_874 = vector.broadcast %broadcast_in_dim3A_873 : i32 to vector<16xi32>
    %gather3A_875 = tpu.vector_load_idx %arg12[%broadcast_in_dim3A_874] : memref<32xf32, #tpu.memory_space<vmem>>[vector<16xi32>], vector<16xf32>,
    %broadcast_in_dim3A_876 = arith.constant 17 : i32
    %broadcast_in_dim3A_877 = vector.broadcast %broadcast_in_dim3A_876 : i32 to vector<16xi32>
    %gather3A_878 = tpu.vector_load_idx %arg12[%broadcast_in_dim3A_877] : memref<32xf32, #tpu.memory_space<vmem>>[vector<16xi32>], vector<16xf32>,
    %broadcast_in_dim3A_879 = arith.constant 18 : i32
    %broadcast_in_dim3A_880 = vector.broadcast %broadcast_in_dim3A_879 : i32 to vector<16xi32>
    %gather3A_881 = tpu.vector_load_idx %arg12[%broadcast_in_dim3A_880] : memref<32xf32, #tpu.memory_space<vmem>>[vector<16xi32>], vector<16xf32>,
    %broadcast_in_dim3A_882 = arith.constant 19 : i32
    %broadcast_in_dim3A_883 = vector.broadcast %broadcast_in_dim3A_882 : i32 to vector<16xi32>
    %gather3A_884 = tpu.vector_load_idx %arg12[%broadcast_in_dim3A_883] : memref<32xf32, #tpu.memory_space<vmem>>[vector<16xi32>], vector<16xf32>,
    %broadcast_in_dim3A_885 = arith.constant 20 : i32
    %broadcast_in_dim3A_886 = vector.broadcast %broadcast_in_dim3A_885 : i32 to vector<16xi32>
    %gather3A_887 = tpu.vector_load_idx %arg12[%broadcast_in_dim3A_886] : memref<32xf32, #tpu.memory_space<vmem>>[vector<16xi32>], vector<16xf32>,
    %broadcast_in_dim3A_888 = arith.constant 21 : i32
    %broadcast_in_dim3A_889 = vector.broadcast %broadcast_in_dim3A_888 : i32 to vector<16xi32>
    %gather3A_890 = tpu.vector_load_idx %arg12[%broadcast_in_dim3A_889] : memref<32xf32, #tpu.memory_space<vmem>>[vector<16xi32>], vector<16xf32>,
    %broadcast_in_dim3A_891 = arith.constant 22 : i32
    %broadcast_in_dim3A_892 = vector.broadcast %broadcast_in_dim3A_891 : i32 to vector<16xi32>
    %gather3A_893 = tpu.vector_load_idx %arg12[%broadcast_in_dim3A_892] : memref<32xf32, #tpu.memory_space<vmem>>[vector<16xi32>], vector<16xf32>,
    %broadcast_in_dim3A_894 = arith.constant 23 : i32
    %broadcast_in_dim3A_895 = vector.broadcast %broadcast_in_dim3A_894 : i32 to vector<16xi32>
    %gather3A_896 = tpu.vector_load_idx %arg12[%broadcast_in_dim3A_895] : memref<32xf32, #tpu.memory_space<vmem>>[vector<16xi32>], vector<16xf32>,
    %broadcast_in_dim3A_897 = arith.constant 24 : i32
    %broadcast_in_dim3A_898 = vector.broadcast %broadcast_in_dim3A_897 : i32 to vector<16xi32>
    %gather3A_899 = tpu.vector_load_idx %arg12[%broadcast_in_dim3A_898] : memref<32xf32, #tpu.memory_space<vmem>>[vector<16xi32>], vector<16xf32>,
    %mul3A_900 = arith.mulf %mul3A_109, %gather3A_206 : vector<16xf32>
    %swap3A_901 = arith.constant 0 : i32
    %swap3A_902 = arith.index_cast %swap3A_901 : i32 to index
    %swap3A_903 = arith.constant 0 : index
    %swap3A_904 = tpu.vector_load %arg9[%swap3A_902, %swap3A_903] {strides = array<i32>} : memref<10x16xf32, #tpu.memory_space<vmem>>, vector<16xf32>,
    tpu.vector_store %arg9[%swap3A_902, %swap3A_903], %mul3A_900 {strides = array<i32>} : memref<10x16xf32, #tpu.memory_space<vmem>>, vector<16xf32>,
    %mul3A_905 = arith.mulf %mul3A_109, %gather3A_203 : vector<16xf32>
    %mul3A_906 = arith.mulf %mul3A_84, %gather3A_283 : vector<16xf32>
    %add3A_907 = arith.addf %mul3A_905, %mul3A_906 : vector<16xf32>
    %mul3A_908 = arith.mulf %mul3A_87, %gather3A_360 : vector<16xf32>
    %add3A_909 = arith.addf %add3A_907, %mul3A_908 : vector<16xf32>
    %mul3A_910 = arith.mulf %mul3A_90, %gather3A_437 : vector<16xf32>
    %add3A_911 = arith.addf %add3A_909, %mul3A_910 : vector<16xf32>
    %mul3A_912 = arith.mulf %mul3A_93, %gather3A_514 : vector<16xf32>
    %add3A_913 = arith.addf %add3A_911, %mul3A_912 : vector<16xf32>
    %mul3A_914 = arith.mulf %mul3A_96, %gather3A_591 : vector<16xf32>
    %add3A_915 = arith.addf %add3A_913, %mul3A_914 : vector<16xf32>
    %mul3A_916 = arith.mulf %mul3A_99, %gather3A_668 : vector<16xf32>
    %add3A_917 = arith.addf %add3A_915, %mul3A_916 : vector<16xf32>
    %mul3A_918 = arith.mulf %mul3A_102, %gather3A_745 : vector<16xf32>
    %add3A_919 = arith.addf %add3A_917, %mul3A_918 : vector<16xf32>
    %mul3A_920 = arith.mulf %mul3A_105, %gather3A_822 : vector<16xf32>
    %add3A_921 = arith.addf %add3A_919, %mul3A_920 : vector<16xf32>
    %mul3A_922 = arith.mulf %mul3A_108, %gather3A_899 : vector<16xf32>
    %add3A_923 = arith.addf %add3A_921, %mul3A_922 : vector<16xf32>
    %swap3A_924 = arith.constant 1 : i32
    %swap3A_925 = arith.index_cast %swap3A_924 : i32 to index
    %swap3A_926 = arith.constant 0 : index
    %swap3A_927 = tpu.vector_load %arg9[%swap3A_925, %swap3A_926] {strides = array<i32>} : memref<10x16xf32, #tpu.memory_space<vmem>>, vector<16xf32>,
    tpu.vector_store %arg9[%swap3A_925, %swap3A_926], %add3A_923 {strides = array<i32>} : memref<10x16xf32, #tpu.memory_space<vmem>>, vector<16xf32>,
    %mul3A_928 = arith.mulf %mul3A_109, %gather3A_200 : vector<16xf32>
    %mul3A_929 = arith.mulf %mul3A_84, %gather3A_280 : vector<16xf32>
    %add3A_930 = arith.addf %mul3A_928, %mul3A_929 : vector<16xf32>
    %mul3A_931 = arith.mulf %mul3A_87, %gather3A_357 : vector<16xf32>
    %add3A_932 = arith.addf %add3A_930, %mul3A_931 : vector<16xf32>
    %mul3A_933 = arith.mulf %mul3A_90, %gather3A_434 : vector<16xf32>
    %add3A_934 = arith.addf %add3A_932, %mul3A_933 : vector<16xf32>
    %mul3A_935 = arith.mulf %mul3A_93, %gather3A_511 : vector<16xf32>
    %add3A_936 = arith.addf %add3A_934, %mul3A_935 : vector<16xf32>
    %mul3A_937 = arith.mulf %mul3A_96, %gather3A_588 : vector<16xf32>
    %add3A_938 = arith.addf %add3A_936, %mul3A_937 : vector<16xf32>
    %mul3A_939 = arith.mulf %mul3A_99, %gather3A_665 : vector<16xf32>
    %add3A_940 = arith.addf %add3A_938, %mul3A_939 : vector<16xf32>
    %mul3A_941 = arith.mulf %mul3A_102, %gather3A_742 : vector<16xf32>
    %add3A_942 = arith.addf %add3A_940, %mul3A_941 : vector<16xf32>
    %mul3A_943 = arith.mulf %mul3A_105, %gather3A_819 : vector<16xf32>
    %add3A_944 = arith.addf %add3A_942, %mul3A_943 : vector<16xf32>
    %mul3A_945 = arith.mulf %mul3A_108, %gather3A_896 : vector<16xf32>
    %add3A_946 = arith.addf %add3A_944, %mul3A_945 : vector<16xf32>
    %swap3A_947 = arith.constant 2 : i32
    %swap3A_948 = arith.index_cast %swap3A_947 : i32 to index
    %swap3A_949 = arith.constant 0 : index
    %swap3A_950 = tpu.vector_load %arg9[%swap3A_948, %swap3A_949] {strides = array<i32>} : memref<10x16xf32, #tpu.memory_space<vmem>>, vector<16xf32>,
    tpu.vector_store %arg9[%swap3A_948, %swap3A_949], %add3A_946 {strides = array<i32>} : memref<10x16xf32, #tpu.memory_space<vmem>>, vector<16xf32>,
    %mul3A_951 = arith.mulf %mul3A_109, %gather3A_197 : vector<16xf32>
    %mul3A_952 = arith.mulf %mul3A_84, %gather3A_277 : vector<16xf32>
    %add3A_953 = arith.addf %mul3A_951, %mul3A_952 : vector<16xf32>
    %mul3A_954 = arith.mulf %mul3A_87, %gather3A_354 : vector<16xf32>
    %add3A_955 = arith.addf %add3A_953, %mul3A_954 : vector<16xf32>
    %mul3A_956 = arith.mulf %mul3A_90, %gather3A_431 : vector<16xf32>
    %add3A_957 = arith.addf %add3A_955, %mul3A_956 : vector<16xf32>
    %mul3A_958 = arith.mulf %mul3A_93, %gather3A_508 : vector<16xf32>
    %add3A_959 = arith.addf %add3A_957, %mul3A_958 : vector<16xf32>
    %mul3A_960 = arith.mulf %mul3A_96, %gather3A_585 : vector<16xf32>
    %add3A_961 = arith.addf %add3A_959, %mul3A_960 : vector<16xf32>
    %mul3A_962 = arith.mulf %mul3A_99, %gather3A_662 : vector<16xf32>
    %add3A_963 = arith.addf %add3A_961, %mul3A_962 : vector<16xf32>
    %mul3A_964 = arith.mulf %mul3A_102, %gather3A_739 : vector<16xf32>
    %add3A_965 = arith.addf %add3A_963, %mul3A_964 : vector<16xf32>
    %mul3A_966 = arith.mulf %mul3A_105, %gather3A_816 : vector<16xf32>
    %add3A_967 = arith.addf %add3A_965, %mul3A_966 : vector<16xf32>
    %mul3A_968 = arith.mulf %mul3A_108, %gather3A_893 : vector<16xf32>
    %add3A_969 = arith.addf %add3A_967, %mul3A_968 : vector<16xf32>
    %swap3A_970 = arith.constant 3 : i32
    %swap3A_971 = arith.index_cast %swap3A_970 : i32 to index
    %swap3A_972 = arith.constant 0 : index
    %swap3A_973 = tpu.vector_load %arg9[%swap3A_971, %swap3A_972] {strides = array<i32>} : memref<10x16xf32, #tpu.memory_space<vmem>>, vector<16xf32>,
    tpu.vector_store %arg9[%swap3A_971, %swap3A_972], %add3A_969 {strides = array<i32>} : memref<10x16xf32, #tpu.memory_space<vmem>>, vector<16xf32>,
    %mul3A_974 = arith.mulf %mul3A_109, %gather3A_194 : vector<16xf32>
    %mul3A_975 = arith.mulf %mul3A_84, %gather3A_274 : vector<16xf32>
    %add3A_976 = arith.addf %mul3A_974, %mul3A_975 : vector<16xf32>
    %mul3A_977 = arith.mulf %mul3A_87, %gather3A_351 : vector<16xf32>
    %add3A_978 = arith.addf %add3A_976, %mul3A_977 : vector<16xf32>
    %mul3A_979 = arith.mulf %mul3A_90, %gather3A_428 : vector<16xf32>
    %add3A_980 = arith.addf %add3A_978, %mul3A_979 : vector<16xf32>
    %mul3A_981 = arith.mulf %mul3A_93, %gather3A_505 : vector<16xf32>
    %add3A_982 = arith.addf %add3A_980, %mul3A_981 : vector<16xf32>
    %mul3A_983 = arith.mulf %mul3A_96, %gather3A_582 : vector<16xf32>
    %add3A_984 = arith.addf %add3A_982, %mul3A_983 : vector<16xf32>
    %mul3A_985 = arith.mulf %mul3A_99, %gather3A_659 : vector<16xf32>
    %add3A_986 = arith.addf %add3A_984, %mul3A_985 : vector<16xf32>
    %mul3A_987 = arith.mulf %mul3A_102, %gather3A_736 : vector<16xf32>
    %add3A_988 = arith.addf %add3A_986, %mul3A_987 : vector<16xf32>
    %mul3A_989 = arith.mulf %mul3A_105, %gather3A_813 : vector<16xf32>
    %add3A_990 = arith.addf %add3A_988, %mul3A_989 : vector<16xf32>
    %mul3A_991 = arith.mulf %mul3A_108, %gather3A_890 : vector<16xf32>
    %add3A_992 = arith.addf %add3A_990, %mul3A_991 : vector<16xf32>
    %swap3A_993 = arith.constant 4 : i32
    %swap3A_994 = arith.index_cast %swap3A_993 : i32 to index
    %swap3A_995 = arith.constant 0 : index
    %swap3A_996 = tpu.vector_load %arg9[%swap3A_994, %swap3A_995] {strides = array<i32>} : memref<10x16xf32, #tpu.memory_space<vmem>>, vector<16xf32>,
    tpu.vector_store %arg9[%swap3A_994, %swap3A_995], %add3A_992 {strides = array<i32>} : memref<10x16xf32, #tpu.memory_space<vmem>>, vector<16xf32>,
    %mul3A_997 = arith.mulf %mul3A_109, %gather3A_191 : vector<16xf32>
    %mul3A_998 = arith.mulf %mul3A_84, %gather3A_271 : vector<16xf32>
    %add3A_999 = arith.addf %mul3A_997, %mul3A_998 : vector<16xf32>
    %mul3A_1000 = arith.mulf %mul3A_87, %gather3A_348 : vector<16xf32>
    %add3A_1001 = arith.addf %add3A_999, %mul3A_1000 : vector<16xf32>
    %mul3A_1002 = arith.mulf %mul3A_90, %gather3A_425 : vector<16xf32>
    %add3A_1003 = arith.addf %add3A_1001, %mul3A_1002 : vector<16xf32>
    %mul3A_1004 = arith.mulf %mul3A_93, %gather3A_502 : vector<16xf32>
    %add3A_1005 = arith.addf %add3A_1003, %mul3A_1004 : vector<16xf32>
    %mul3A_1006 = arith.mulf %mul3A_96, %gather3A_579 : vector<16xf32>
    %add3A_1007 = arith.addf %add3A_1005, %mul3A_1006 : vector<16xf32>
    %mul3A_1008 = arith.mulf %mul3A_99, %gather3A_656 : vector<16xf32>
    %add3A_1009 = arith.addf %add3A_1007, %mul3A_1008 : vector<16xf32>
    %mul3A_1010 = arith.mulf %mul3A_102, %gather3A_733 : vector<16xf32>
    %add3A_1011 = arith.addf %add3A_1009, %mul3A_1010 : vector<16xf32>
    %mul3A_1012 = arith.mulf %mul3A_105, %gather3A_810 : vector<16xf32>
    %add3A_1013 = arith.addf %add3A_1011, %mul3A_1012 : vector<16xf32>
    %mul3A_1014 = arith.mulf %mul3A_108, %gather3A_887 : vector<16xf32>
    %add3A_1015 = arith.addf %add3A_1013, %mul3A_1014 : vector<16xf32>
    %swap3A_1016 = arith.constant 5 : i32
    %swap3A_1017 = arith.index_cast %swap3A_1016 : i32 to index
    %swap3A_1018 = arith.constant 0 : index
    %swap3A_1019 = tpu.vector_load %arg9[%swap3A_1017, %swap3A_1018] {strides = array<i32>} : memref<10x16xf32, #tpu.memory_space<vmem>>, vector<16xf32>,
    tpu.vector_store %arg9[%swap3A_1017, %swap3A_1018], %add3A_1015 {strides = array<i32>} : memref<10x16xf32, #tpu.memory_space<vmem>>, vector<16xf32>,
    %mul3A_1020 = arith.mulf %mul3A_109, %gather3A_188 : vector<16xf32>
    %mul3A_1021 = arith.mulf %mul3A_84, %gather3A_268 : vector<16xf32>
    %add3A_1022 = arith.addf %mul3A_1020, %mul3A_1021 : vector<16xf32>
    %mul3A_1023 = arith.mulf %mul3A_87, %gather3A_345 : vector<16xf32>
    %add3A_1024 = arith.addf %add3A_1022, %mul3A_1023 : vector<16xf32>
    %mul3A_1025 = arith.mulf %mul3A_90, %gather3A_422 : vector<16xf32>
    %add3A_1026 = arith.addf %add3A_1024, %mul3A_1025 : vector<16xf32>
    %mul3A_1027 = arith.mulf %mul3A_93, %gather3A_499 : vector<16xf32>
    %add3A_1028 = arith.addf %add3A_1026, %mul3A_1027 : vector<16xf32>
    %mul3A_1029 = arith.mulf %mul3A_96, %gather3A_576 : vector<16xf32>
    %add3A_1030 = arith.addf %add3A_1028, %mul3A_1029 : vector<16xf32>
    %mul3A_1031 = arith.mulf %mul3A_99, %gather3A_653 : vector<16xf32>
    %add3A_1032 = arith.addf %add3A_1030, %mul3A_1031 : vector<16xf32>
    %mul3A_1033 = arith.mulf %mul3A_102, %gather3A_730 : vector<16xf32>
    %add3A_1034 = arith.addf %add3A_1032, %mul3A_1033 : vector<16xf32>
    %mul3A_1035 = arith.mulf %mul3A_105, %gather3A_807 : vector<16xf32>
    %add3A_1036 = arith.addf %add3A_1034, %mul3A_1035 : vector<16xf32>
    %mul3A_1037 = arith.mulf %mul3A_108, %gather3A_884 : vector<16xf32>
    %add3A_1038 = arith.addf %add3A_1036, %mul3A_1037 : vector<16xf32>
    %swap3A_1039 = arith.constant 6 : i32
    %swap3A_1040 = arith.index_cast %swap3A_1039 : i32 to index
    %swap3A_1041 = arith.constant 0 : index
    %swap3A_1042 = tpu.vector_load %arg9[%swap3A_1040, %swap3A_1041] {strides = array<i32>} : memref<10x16xf32, #tpu.memory_space<vmem>>, vector<16xf32>,
    tpu.vector_store %arg9[%swap3A_1040, %swap3A_1041], %add3A_1038 {strides = array<i32>} : memref<10x16xf32, #tpu.memory_space<vmem>>, vector<16xf32>,
    %mul3A_1043 = arith.mulf %mul3A_109, %gather3A_185 : vector<16xf32>
    %mul3A_1044 = arith.mulf %mul3A_84, %gather3A_265 : vector<16xf32>
    %add3A_1045 = arith.addf %mul3A_1043, %mul3A_1044 : vector<16xf32>
    %mul3A_1046 = arith.mulf %mul3A_87, %gather3A_342 : vector<16xf32>
    %add3A_1047 = arith.addf %add3A_1045, %mul3A_1046 : vector<16xf32>
    %mul3A_1048 = arith.mulf %mul3A_90, %gather3A_419 : vector<16xf32>
    %add3A_1049 = arith.addf %add3A_1047, %mul3A_1048 : vector<16xf32>
    %mul3A_1050 = arith.mulf %mul3A_93, %gather3A_496 : vector<16xf32>
    %add3A_1051 = arith.addf %add3A_1049, %mul3A_1050 : vector<16xf32>
    %mul3A_1052 = arith.mulf %mul3A_96, %gather3A_573 : vector<16xf32>
    %add3A_1053 = arith.addf %add3A_1051, %mul3A_1052 : vector<16xf32>
    %mul3A_1054 = arith.mulf %mul3A_99, %gather3A_650 : vector<16xf32>
    %add3A_1055 = arith.addf %add3A_1053, %mul3A_1054 : vector<16xf32>
    %mul3A_1056 = arith.mulf %mul3A_102, %gather3A_727 : vector<16xf32>
    %add3A_1057 = arith.addf %add3A_1055, %mul3A_1056 : vector<16xf32>
    %mul3A_1058 = arith.mulf %mul3A_105, %gather3A_804 : vector<16xf32>
    %add3A_1059 = arith.addf %add3A_1057, %mul3A_1058 : vector<16xf32>
    %mul3A_1060 = arith.mulf %mul3A_108, %gather3A_881 : vector<16xf32>
    %add3A_1061 = arith.addf %add3A_1059, %mul3A_1060 : vector<16xf32>
    %swap3A_1062 = arith.constant 7 : i32
    %swap3A_1063 = arith.index_cast %swap3A_1062 : i32 to index
    %swap3A_1064 = arith.constant 0 : index
    %swap3A_1065 = tpu.vector_load %arg9[%swap3A_1063, %swap3A_1064] {strides = array<i32>} : memref<10x16xf32, #tpu.memory_space<vmem>>, vector<16xf32>,
    tpu.vector_store %arg9[%swap3A_1063, %swap3A_1064], %add3A_1061 {strides = array<i32>} : memref<10x16xf32, #tpu.memory_space<vmem>>, vector<16xf32>,
    %mul3A_1066 = arith.mulf %mul3A_109, %gather3A_182 : vector<16xf32>
    %mul3A_1067 = arith.mulf %mul3A_84, %gather3A_262 : vector<16xf32>
    %add3A_1068 = arith.addf %mul3A_1066, %mul3A_1067 : vector<16xf32>
    %mul3A_1069 = arith.mulf %mul3A_87, %gather3A_339 : vector<16xf32>
    %add3A_1070 = arith.addf %add3A_1068, %mul3A_1069 : vector<16xf32>
    %mul3A_1071 = arith.mulf %mul3A_90, %gather3A_416 : vector<16xf32>
    %add3A_1072 = arith.addf %add3A_1070, %mul3A_1071 : vector<16xf32>
    %mul3A_1073 = arith.mulf %mul3A_93, %gather3A_493 : vector<16xf32>
    %add3A_1074 = arith.addf %add3A_1072, %mul3A_1073 : vector<16xf32>
    %mul3A_1075 = arith.mulf %mul3A_96, %gather3A_570 : vector<16xf32>
    %add3A_1076 = arith.addf %add3A_1074, %mul3A_1075 : vector<16xf32>
    %mul3A_1077 = arith.mulf %mul3A_99, %gather3A_647 : vector<16xf32>
    %add3A_1078 = arith.addf %add3A_1076, %mul3A_1077 : vector<16xf32>
    %mul3A_1079 = arith.mulf %mul3A_102, %gather3A_724 : vector<16xf32>
    %add3A_1080 = arith.addf %add3A_1078, %mul3A_1079 : vector<16xf32>
    %mul3A_1081 = arith.mulf %mul3A_105, %gather3A_801 : vector<16xf32>
    %add3A_1082 = arith.addf %add3A_1080, %mul3A_1081 : vector<16xf32>
    %mul3A_1083 = arith.mulf %mul3A_108, %gather3A_878 : vector<16xf32>
    %add3A_1084 = arith.addf %add3A_1082, %mul3A_1083 : vector<16xf32>
    %swap3A_1085 = arith.constant 8 : i32
    %swap3A_1086 = arith.index_cast %swap3A_1085 : i32 to index
    %swap3A_1087 = arith.constant 0 : index
    %swap3A_1088 = tpu.vector_load %arg9[%swap3A_1086, %swap3A_1087] {strides = array<i32>} : memref<10x16xf32, #tpu.memory_space<vmem>>, vector<16xf32>,
    tpu.vector_store %arg9[%swap3A_1086, %swap3A_1087], %add3A_1084 {strides = array<i32>} : memref<10x16xf32, #tpu.memory_space<vmem>>, vector<16xf32>,
    %mul3A_1089 = arith.mulf %mul3A_109, %gather3A_179 : vector<16xf32>
    %mul3A_1090 = arith.mulf %mul3A_84, %gather3A_259 : vector<16xf32>
    %add3A_1091 = arith.addf %mul3A_1089, %mul3A_1090 : vector<16xf32>
    %mul3A_1092 = arith.mulf %mul3A_87, %gather3A_336 : vector<16xf32>
    %add3A_1093 = arith.addf %add3A_1091, %mul3A_1092 : vector<16xf32>
    %mul3A_1094 = arith.mulf %mul3A_90, %gather3A_413 : vector<16xf32>
    %add3A_1095 = arith.addf %add3A_1093, %mul3A_1094 : vector<16xf32>
    %mul3A_1096 = arith.mulf %mul3A_93, %gather3A_490 : vector<16xf32>
    %add3A_1097 = arith.addf %add3A_1095, %mul3A_1096 : vector<16xf32>
    %mul3A_1098 = arith.mulf %mul3A_96, %gather3A_567 : vector<16xf32>
    %add3A_1099 = arith.addf %add3A_1097, %mul3A_1098 : vector<16xf32>
    %mul3A_1100 = arith.mulf %mul3A_99, %gather3A_644 : vector<16xf32>
    %add3A_1101 = arith.addf %add3A_1099, %mul3A_1100 : vector<16xf32>
    %mul3A_1102 = arith.mulf %mul3A_102, %gather3A_721 : vector<16xf32>
    %add3A_1103 = arith.addf %add3A_1101, %mul3A_1102 : vector<16xf32>
    %mul3A_1104 = arith.mulf %mul3A_105, %gather3A_798 : vector<16xf32>
    %add3A_1105 = arith.addf %add3A_1103, %mul3A_1104 : vector<16xf32>
    %mul3A_1106 = arith.mulf %mul3A_108, %gather3A_875 : vector<16xf32>
    %add3A_1107 = arith.addf %add3A_1105, %mul3A_1106 : vector<16xf32>
    %swap3A_1108 = arith.constant 9 : i32
    %swap3A_1109 = arith.index_cast %swap3A_1108 : i32 to index
    %swap3A_1110 = arith.constant 0 : index
    %swap3A_1111 = tpu.vector_load %arg9[%swap3A_1109, %swap3A_1110] {strides = array<i32>} : memref<10x16xf32, #tpu.memory_space<vmem>>, vector<16xf32>,
    tpu.vector_store %arg9[%swap3A_1109, %swap3A_1110], %add3A_1107 {strides = array<i32>} : memref<10x16xf32, #tpu.memory_space<vmem>>, vector<16xf32>,
    %dma_wait3A = tpu.memref_slice %arg2[%mul3A_2] : memref<1048576xf32, #tpu.memory_space<hbm>> -> memref<32768xf32, #tpu.memory_space<hbm>>
    %dma_wait3A_1112 = tpu.memref_slice %arg2[%mul3A_2] : memref<1048576xf32, #tpu.memory_space<hbm>> -> memref<32768xf32, #tpu.memory_space<hbm>>
    tpu.wait_dma2 semaphore(%arg14 : memref<!tpu.dma_semaphore, #tpu.memory_space<semaphore_mem>>) src(%dma_wait3A_1112 : memref<32768xf32, #tpu.memory_space<hbm>>) dst(%arg6 : memref<32768xf32, #tpu.memory_space<vmem>>)
    %dma_wait3A_1113 = tpu.memref_slice %arg3[%mul3A_2] : memref<1048576xi32, #tpu.memory_space<hbm>> -> memref<32768xi32, #tpu.memory_space<hbm>>
    %dma_wait3A_1114 = tpu.memref_slice %arg3[%mul3A_2] : memref<1048576xi32, #tpu.memory_space<hbm>> -> memref<32768xi32, #tpu.memory_space<hbm>>
    tpu.wait_dma2 semaphore(%arg15 : memref<!tpu.dma_semaphore, #tpu.memory_space<semaphore_mem>>) src(%dma_wait3A_1114 : memref<32768xi32, #tpu.memory_space<hbm>>) dst(%arg7 : memref<32768xi32, #tpu.memory_space<vmem>>)
    %scan3A = arith.constant 0 : i32
    %scan3A_1115 = arith.constant 2048 : i32
    %scan3A_1116 = arith.addi %scan3A, %scan3A_1115 : i32
    %scan3A_1117 = arith.constant 2 : i32
    %scan3A_1118 = scf.for %scan3A_1124 = %scan3A to %scan3A_1116 step %scan3A_1117 iter_args(%scan3A_1125 = %broadcast_in_dim3A_6) -> (vector<16xf32>)  : i32 {
      %mul3A_1126 = arith.constant 16 : i32
      %mul3A_1127 = arith.muli %scan3A_1124, %mul3A_1126 : i32
      %get3A_1128 = arith.index_cast %mul3A_1127 : i32 to index
      %get3A_1129 = tpu.vector_load %arg6[%get3A_1128] {strides = array<i32>} : memref<32768xf32, #tpu.memory_space<vmem>>, vector<16xf32>,
      %get3A_1130 = arith.index_cast %mul3A_1127 : i32 to index
      %get3A_1131 = tpu.vector_load %arg7[%get3A_1130] {strides = array<i32>} : memref<32768xi32, #tpu.memory_space<vmem>>, vector<16xi32>,
      %exp3A_1132 = math.exp %get3A_1129 : vector<16xf32>
      %min3A = arith.constant 1.000000e+04 : f32
      %min3A_1133 = vector.broadcast %min3A : f32 to vector<16xf32>
      %min3A_1134 = arith.minimumf %exp3A_1132, %min3A_1133 : vector<16xf32>
      %add3A_1135 = arith.addf %min3A_1134, %gather3A : vector<16xf32>
      %add3A_1136 = arith.addf %min3A_1134, %gather3A_21 : vector<16xf32>
      %add3A_1137 = arith.addf %min3A_1134, %gather3A_24 : vector<16xf32>
      %add3A_1138 = arith.addf %min3A_1134, %gather3A_27 : vector<16xf32>
      %add3A_1139 = arith.addf %min3A_1134, %gather3A_30 : vector<16xf32>
      %add3A_1140 = arith.addf %min3A_1134, %gather3A_33 : vector<16xf32>
      %add3A_1141 = arith.addf %min3A_1134, %gather3A_36 : vector<16xf32>
      %add3A_1142 = arith.addf %min3A_1134, %gather3A_39 : vector<16xf32>
      %add3A_1143 = arith.addf %min3A_1134, %gather3A_42 : vector<16xf32>
      %mul3A_1144 = arith.mulf %add3A_1135, %add3A_1136 : vector<16xf32>
      %mul3A_1145 = arith.mulf %add3A_1137, %add3A_1138 : vector<16xf32>
      %mul3A_1146 = arith.mulf %add3A_1139, %add3A_1140 : vector<16xf32>
      %mul3A_1147 = arith.mulf %add3A_1141, %add3A_1142 : vector<16xf32>
      %mul3A_1148 = arith.mulf %mul3A_1144, %mul3A_1145 : vector<16xf32>
      %mul3A_1149 = arith.mulf %mul3A_1146, %mul3A_1147 : vector<16xf32>
      %mul3A_1150 = arith.mulf %mul3A_1148, %mul3A_1149 : vector<16xf32>
      %mul3A_1151 = arith.mulf %mul3A_1150, %add3A_1143 : vector<16xf32>
      %gather3A_1152 = arith.constant 0 : i32
      %gather3A_1153 = arith.constant 0 : i32
      %gather3A_1154 = tpu.memref_slice %arg9[%gather3A_1152, %gather3A_1153] : memref<10x16xf32, #tpu.memory_space<vmem>> -> memref<1x16xf32, #tpu.memory_space<vmem>>
      %gather3A_1155 = tpu.memref_squeeze %gather3A_1154 : memref<1x16xf32, #tpu.memory_space<vmem>> -> memref<16xf32, #tpu.memory_space<vmem>>
      %gather3A_1156 = tpu.vector_load_idx %gather3A_1155[%get3A_1131] : memref<16xf32, #tpu.memory_space<vmem>>[vector<16xi32>], vector<16xf32>,
      %gather3A_1157 = arith.constant 1 : i32
      %gather3A_1158 = arith.constant 0 : i32
      %gather3A_1159 = tpu.memref_slice %arg9[%gather3A_1157, %gather3A_1158] : memref<10x16xf32, #tpu.memory_space<vmem>> -> memref<1x16xf32, #tpu.memory_space<vmem>>
      %gather3A_1160 = tpu.memref_squeeze %gather3A_1159 : memref<1x16xf32, #tpu.memory_space<vmem>> -> memref<16xf32, #tpu.memory_space<vmem>>
      %gather3A_1161 = tpu.vector_load_idx %gather3A_1160[%get3A_1131] : memref<16xf32, #tpu.memory_space<vmem>>[vector<16xi32>], vector<16xf32>,
      %gather3A_1162 = arith.constant 2 : i32
      %gather3A_1163 = arith.constant 0 : i32
      %gather3A_1164 = tpu.memref_slice %arg9[%gather3A_1162, %gather3A_1163] : memref<10x16xf32, #tpu.memory_space<vmem>> -> memref<1x16xf32, #tpu.memory_space<vmem>>
      %gather3A_1165 = tpu.memref_squeeze %gather3A_1164 : memref<1x16xf32, #tpu.memory_space<vmem>> -> memref<16xf32, #tpu.memory_space<vmem>>
      %gather3A_1166 = tpu.vector_load_idx %gather3A_1165[%get3A_1131] : memref<16xf32, #tpu.memory_space<vmem>>[vector<16xi32>], vector<16xf32>,
      %gather3A_1167 = arith.constant 3 : i32
      %gather3A_1168 = arith.constant 0 : i32
      %gather3A_1169 = tpu.memref_slice %arg9[%gather3A_1167, %gather3A_1168] : memref<10x16xf32, #tpu.memory_space<vmem>> -> memref<1x16xf32, #tpu.memory_space<vmem>>
      %gather3A_1170 = tpu.memref_squeeze %gather3A_1169 : memref<1x16xf32, #tpu.memory_space<vmem>> -> memref<16xf32, #tpu.memory_space<vmem>>
      %gather3A_1171 = tpu.vector_load_idx %gather3A_1170[%get3A_1131] : memref<16xf32, #tpu.memory_space<vmem>>[vector<16xi32>], vector<16xf32>,
      %gather3A_1172 = arith.constant 4 : i32
      %gather3A_1173 = arith.constant 0 : i32
      %gather3A_1174 = tpu.memref_slice %arg9[%gather3A_1172, %gather3A_1173] : memref<10x16xf32, #tpu.memory_space<vmem>> -> memref<1x16xf32, #tpu.memory_space<vmem>>
      %gather3A_1175 = tpu.memref_squeeze %gather3A_1174 : memref<1x16xf32, #tpu.memory_space<vmem>> -> memref<16xf32, #tpu.memory_space<vmem>>
      %gather3A_1176 = tpu.vector_load_idx %gather3A_1175[%get3A_1131] : memref<16xf32, #tpu.memory_space<vmem>>[vector<16xi32>], vector<16xf32>,
      %gather3A_1177 = arith.constant 5 : i32
      %gather3A_1178 = arith.constant 0 : i32
      %gather3A_1179 = tpu.memref_slice %arg9[%gather3A_1177, %gather3A_1178] : memref<10x16xf32, #tpu.memory_space<vmem>> -> memref<1x16xf32, #tpu.memory_space<vmem>>
      %gather3A_1180 = tpu.memref_squeeze %gather3A_1179 : memref<1x16xf32, #tpu.memory_space<vmem>> -> memref<16xf32, #tpu.memory_space<vmem>>
      %gather3A_1181 = tpu.vector_load_idx %gather3A_1180[%get3A_1131] : memref<16xf32, #tpu.memory_space<vmem>>[vector<16xi32>], vector<16xf32>,
      %gather3A_1182 = arith.constant 6 : i32
      %gather3A_1183 = arith.constant 0 : i32
      %gather3A_1184 = tpu.memref_slice %arg9[%gather3A_1182, %gather3A_1183] : memref<10x16xf32, #tpu.memory_space<vmem>> -> memref<1x16xf32, #tpu.memory_space<vmem>>
      %gather3A_1185 = tpu.memref_squeeze %gather3A_1184 : memref<1x16xf32, #tpu.memory_space<vmem>> -> memref<16xf32, #tpu.memory_space<vmem>>
      %gather3A_1186 = tpu.vector_load_idx %gather3A_1185[%get3A_1131] : memref<16xf32, #tpu.memory_space<vmem>>[vector<16xi32>], vector<16xf32>,
      %gather3A_1187 = arith.constant 7 : i32
      %gather3A_1188 = arith.constant 0 : i32
      %gather3A_1189 = tpu.memref_slice %arg9[%gather3A_1187, %gather3A_1188] : memref<10x16xf32, #tpu.memory_space<vmem>> -> memref<1x16xf32, #tpu.memory_space<vmem>>
      %gather3A_1190 = tpu.memref_squeeze %gather3A_1189 : memref<1x16xf32, #tpu.memory_space<vmem>> -> memref<16xf32, #tpu.memory_space<vmem>>
      %gather3A_1191 = tpu.vector_load_idx %gather3A_1190[%get3A_1131] : memref<16xf32, #tpu.memory_space<vmem>>[vector<16xi32>], vector<16xf32>,
      %gather3A_1192 = arith.constant 8 : i32
      %gather3A_1193 = arith.constant 0 : i32
      %gather3A_1194 = tpu.memref_slice %arg9[%gather3A_1192, %gather3A_1193] : memref<10x16xf32, #tpu.memory_space<vmem>> -> memref<1x16xf32, #tpu.memory_space<vmem>>
      %gather3A_1195 = tpu.memref_squeeze %gather3A_1194 : memref<1x16xf32, #tpu.memory_space<vmem>> -> memref<16xf32, #tpu.memory_space<vmem>>
      %gather3A_1196 = tpu.vector_load_idx %gather3A_1195[%get3A_1131] : memref<16xf32, #tpu.memory_space<vmem>>[vector<16xi32>], vector<16xf32>,
      %gather3A_1197 = arith.constant 9 : i32
      %gather3A_1198 = arith.constant 0 : i32
      %gather3A_1199 = tpu.memref_slice %arg9[%gather3A_1197, %gather3A_1198] : memref<10x16xf32, #tpu.memory_space<vmem>> -> memref<1x16xf32, #tpu.memory_space<vmem>>
      %gather3A_1200 = tpu.memref_squeeze %gather3A_1199 : memref<1x16xf32, #tpu.memory_space<vmem>> -> memref<16xf32, #tpu.memory_space<vmem>>
      %gather3A_1201 = tpu.vector_load_idx %gather3A_1200[%get3A_1131] : memref<16xf32, #tpu.memory_space<vmem>>[vector<16xi32>], vector<16xf32>,
      %mul3A_1202 = arith.mulf %min3A_1134, %min3A_1134 : vector<16xf32>
      %mul3A_1203 = arith.mulf %gather3A_1161, %mul3A_1202 : vector<16xf32>
      %add3A_1204 = arith.addf %mul3A_1203, %gather3A_1171 : vector<16xf32>
      %mul3A_1205 = arith.mulf %gather3A_1156, %mul3A_1202 : vector<16xf32>
      %add3A_1206 = arith.addf %mul3A_1205, %gather3A_1166 : vector<16xf32>
      %mul3A_1207 = arith.mulf %add3A_1204, %mul3A_1202 : vector<16xf32>
      %add3A_1208 = arith.addf %mul3A_1207, %gather3A_1181 : vector<16xf32>
      %mul3A_1209 = arith.mulf %add3A_1206, %mul3A_1202 : vector<16xf32>
      %add3A_1210 = arith.addf %mul3A_1209, %gather3A_1176 : vector<16xf32>
      %mul3A_1211 = arith.mulf %add3A_1208, %mul3A_1202 : vector<16xf32>
      %add3A_1212 = arith.addf %mul3A_1211, %gather3A_1191 : vector<16xf32>
      %mul3A_1213 = arith.mulf %add3A_1210, %mul3A_1202 : vector<16xf32>
      %add3A_1214 = arith.addf %mul3A_1213, %gather3A_1186 : vector<16xf32>
      %mul3A_1215 = arith.mulf %add3A_1212, %mul3A_1202 : vector<16xf32>
      %add3A_1216 = arith.addf %mul3A_1215, %gather3A_1201 : vector<16xf32>
      %mul3A_1217 = arith.mulf %add3A_1214, %mul3A_1202 : vector<16xf32>
      %add3A_1218 = arith.addf %mul3A_1217, %gather3A_1196 : vector<16xf32>
      %mul3A_1219 = arith.mulf %add3A_1218, %min3A_1134 : vector<16xf32>
      %add3A_1220 = arith.addf %add3A_1216, %mul3A_1219 : vector<16xf32>
      %div3A = arith.divf %add3A_1220, %mul3A_1151 : vector<16xf32>
      %add3A_1221 = arith.addf %scan3A_1125, %div3A : vector<16xf32>
      %scan3A_1222 = arith.constant 1 : i32
      %scan3A_1223 = arith.addi %scan3A_1124, %scan3A_1222 : i32
      %mul3A_1224 = arith.constant 16 : i32
      %mul3A_1225 = arith.muli %scan3A_1223, %mul3A_1224 : i32
      %get3A_1226 = arith.index_cast %mul3A_1225 : i32 to index
      %get3A_1227 = tpu.vector_load %arg6[%get3A_1226] {strides = array<i32>} : memref<32768xf32, #tpu.memory_space<vmem>>, vector<16xf32>,
      %get3A_1228 = arith.index_cast %mul3A_1225 : i32 to index
      %get3A_1229 = tpu.vector_load %arg7[%get3A_1228] {strides = array<i32>} : memref<32768xi32, #tpu.memory_space<vmem>>, vector<16xi32>,
      %exp3A_1230 = math.exp %get3A_1227 : vector<16xf32>
      %min3A_1231 = arith.constant 1.000000e+04 : f32
      %min3A_1232 = vector.broadcast %min3A_1231 : f32 to vector<16xf32>
      %min3A_1233 = arith.minimumf %exp3A_1230, %min3A_1232 : vector<16xf32>
      %add3A_1234 = arith.addf %min3A_1233, %gather3A : vector<16xf32>
      %add3A_1235 = arith.addf %min3A_1233, %gather3A_21 : vector<16xf32>
      %add3A_1236 = arith.addf %min3A_1233, %gather3A_24 : vector<16xf32>
      %add3A_1237 = arith.addf %min3A_1233, %gather3A_27 : vector<16xf32>
      %add3A_1238 = arith.addf %min3A_1233, %gather3A_30 : vector<16xf32>
      %add3A_1239 = arith.addf %min3A_1233, %gather3A_33 : vector<16xf32>
      %add3A_1240 = arith.addf %min3A_1233, %gather3A_36 : vector<16xf32>
      %add3A_1241 = arith.addf %min3A_1233, %gather3A_39 : vector<16xf32>
      %add3A_1242 = arith.addf %min3A_1233, %gather3A_42 : vector<16xf32>
      %mul3A_1243 = arith.mulf %add3A_1234, %add3A_1235 : vector<16xf32>
      %mul3A_1244 = arith.mulf %add3A_1236, %add3A_1237 : vector<16xf32>
      %mul3A_1245 = arith.mulf %add3A_1238, %add3A_1239 : vector<16xf32>
      %mul3A_1246 = arith.mulf %add3A_1240, %add3A_1241 : vector<16xf32>
      %mul3A_1247 = arith.mulf %mul3A_1243, %mul3A_1244 : vector<16xf32>
      %mul3A_1248 = arith.mulf %mul3A_1245, %mul3A_1246 : vector<16xf32>
      %mul3A_1249 = arith.mulf %mul3A_1247, %mul3A_1248 : vector<16xf32>
      %mul3A_1250 = arith.mulf %mul3A_1249, %add3A_1242 : vector<16xf32>
      %gather3A_1251 = arith.constant 0 : i32
      %gather3A_1252 = arith.constant 0 : i32
      %gather3A_1253 = tpu.memref_slice %arg9[%gather3A_1251, %gather3A_1252] : memref<10x16xf32, #tpu.memory_space<vmem>> -> memref<1x16xf32, #tpu.memory_space<vmem>>
      %gather3A_1254 = tpu.memref_squeeze %gather3A_1253 : memref<1x16xf32, #tpu.memory_space<vmem>> -> memref<16xf32, #tpu.memory_space<vmem>>
      %gather3A_1255 = tpu.vector_load_idx %gather3A_1254[%get3A_1229] : memref<16xf32, #tpu.memory_space<vmem>>[vector<16xi32>], vector<16xf32>,
      %gather3A_1256 = arith.constant 1 : i32
      %gather3A_1257 = arith.constant 0 : i32
      %gather3A_1258 = tpu.memref_slice %arg9[%gather3A_1256, %gather3A_1257] : memref<10x16xf32, #tpu.memory_space<vmem>> -> memref<1x16xf32, #tpu.memory_space<vmem>>
      %gather3A_1259 = tpu.memref_squeeze %gather3A_1258 : memref<1x16xf32, #tpu.memory_space<vmem>> -> memref<16xf32, #tpu.memory_space<vmem>>
      %gather3A_1260 = tpu.vector_load_idx %gather3A_1259[%get3A_1229] : memref<16xf32, #tpu.memory_space<vmem>>[vector<16xi32>], vector<16xf32>,
      %gather3A_1261 = arith.constant 2 : i32
      %gather3A_1262 = arith.constant 0 : i32
      %gather3A_1263 = tpu.memref_slice %arg9[%gather3A_1261, %gather3A_1262] : memref<10x16xf32, #tpu.memory_space<vmem>> -> memref<1x16xf32, #tpu.memory_space<vmem>>
      %gather3A_1264 = tpu.memref_squeeze %gather3A_1263 : memref<1x16xf32, #tpu.memory_space<vmem>> -> memref<16xf32, #tpu.memory_space<vmem>>
      %gather3A_1265 = tpu.vector_load_idx %gather3A_1264[%get3A_1229] : memref<16xf32, #tpu.memory_space<vmem>>[vector<16xi32>], vector<16xf32>,
      %gather3A_1266 = arith.constant 3 : i32
      %gather3A_1267 = arith.constant 0 : i32
      %gather3A_1268 = tpu.memref_slice %arg9[%gather3A_1266, %gather3A_1267] : memref<10x16xf32, #tpu.memory_space<vmem>> -> memref<1x16xf32, #tpu.memory_space<vmem>>
      %gather3A_1269 = tpu.memref_squeeze %gather3A_1268 : memref<1x16xf32, #tpu.memory_space<vmem>> -> memref<16xf32, #tpu.memory_space<vmem>>
      %gather3A_1270 = tpu.vector_load_idx %gather3A_1269[%get3A_1229] : memref<16xf32, #tpu.memory_space<vmem>>[vector<16xi32>], vector<16xf32>,
      %gather3A_1271 = arith.constant 4 : i32
      %gather3A_1272 = arith.constant 0 : i32
      %gather3A_1273 = tpu.memref_slice %arg9[%gather3A_1271, %gather3A_1272] : memref<10x16xf32, #tpu.memory_space<vmem>> -> memref<1x16xf32, #tpu.memory_space<vmem>>
      %gather3A_1274 = tpu.memref_squeeze %gather3A_1273 : memref<1x16xf32, #tpu.memory_space<vmem>> -> memref<16xf32, #tpu.memory_space<vmem>>
      %gather3A_1275 = tpu.vector_load_idx %gather3A_1274[%get3A_1229] : memref<16xf32, #tpu.memory_space<vmem>>[vector<16xi32>], vector<16xf32>,
      %gather3A_1276 = arith.constant 5 : i32
      %gather3A_1277 = arith.constant 0 : i32
      %gather3A_1278 = tpu.memref_slice %arg9[%gather3A_1276, %gather3A_1277] : memref<10x16xf32, #tpu.memory_space<vmem>> -> memref<1x16xf32, #tpu.memory_space<vmem>>
      %gather3A_1279 = tpu.memref_squeeze %gather3A_1278 : memref<1x16xf32, #tpu.memory_space<vmem>> -> memref<16xf32, #tpu.memory_space<vmem>>
      %gather3A_1280 = tpu.vector_load_idx %gather3A_1279[%get3A_1229] : memref<16xf32, #tpu.memory_space<vmem>>[vector<16xi32>], vector<16xf32>,
      %gather3A_1281 = arith.constant 6 : i32
      %gather3A_1282 = arith.constant 0 : i32
      %gather3A_1283 = tpu.memref_slice %arg9[%gather3A_1281, %gather3A_1282] : memref<10x16xf32, #tpu.memory_space<vmem>> -> memref<1x16xf32, #tpu.memory_space<vmem>>
      %gather3A_1284 = tpu.memref_squeeze %gather3A_1283 : memref<1x16xf32, #tpu.memory_space<vmem>> -> memref<16xf32, #tpu.memory_space<vmem>>
      %gather3A_1285 = tpu.vector_load_idx %gather3A_1284[%get3A_1229] : memref<16xf32, #tpu.memory_space<vmem>>[vector<16xi32>], vector<16xf32>,
      %gather3A_1286 = arith.constant 7 : i32
      %gather3A_1287 = arith.constant 0 : i32
      %gather3A_1288 = tpu.memref_slice %arg9[%gather3A_1286, %gather3A_1287] : memref<10x16xf32, #tpu.memory_space<vmem>> -> memref<1x16xf32, #tpu.memory_space<vmem>>
      %gather3A_1289 = tpu.memref_squeeze %gather3A_1288 : memref<1x16xf32, #tpu.memory_space<vmem>> -> memref<16xf32, #tpu.memory_space<vmem>>
      %gather3A_1290 = tpu.vector_load_idx %gather3A_1289[%get3A_1229] : memref<16xf32, #tpu.memory_space<vmem>>[vector<16xi32>], vector<16xf32>,
      %gather3A_1291 = arith.constant 8 : i32
      %gather3A_1292 = arith.constant 0 : i32
      %gather3A_1293 = tpu.memref_slice %arg9[%gather3A_1291, %gather3A_1292] : memref<10x16xf32, #tpu.memory_space<vmem>> -> memref<1x16xf32, #tpu.memory_space<vmem>>
      %gather3A_1294 = tpu.memref_squeeze %gather3A_1293 : memref<1x16xf32, #tpu.memory_space<vmem>> -> memref<16xf32, #tpu.memory_space<vmem>>
      %gather3A_1295 = tpu.vector_load_idx %gather3A_1294[%get3A_1229] : memref<16xf32, #tpu.memory_space<vmem>>[vector<16xi32>], vector<16xf32>,
      %gather3A_1296 = arith.constant 9 : i32
      %gather3A_1297 = arith.constant 0 : i32
      %gather3A_1298 = tpu.memref_slice %arg9[%gather3A_1296, %gather3A_1297] : memref<10x16xf32, #tpu.memory_space<vmem>> -> memref<1x16xf32, #tpu.memory_space<vmem>>
      %gather3A_1299 = tpu.memref_squeeze %gather3A_1298 : memref<1x16xf32, #tpu.memory_space<vmem>> -> memref<16xf32, #tpu.memory_space<vmem>>
      %gather3A_1300 = tpu.vector_load_idx %gather3A_1299[%get3A_1229] : memref<16xf32, #tpu.memory_space<vmem>>[vector<16xi32>], vector<16xf32>,
      %mul3A_1301 = arith.mulf %min3A_1233, %min3A_1233 : vector<16xf32>
      %mul3A_1302 = arith.mulf %gather3A_1260, %mul3A_1301 : vector<16xf32>
      %add3A_1303 = arith.addf %mul3A_1302, %gather3A_1270 : vector<16xf32>
      %mul3A_1304 = arith.mulf %gather3A_1255, %mul3A_1301 : vector<16xf32>
      %add3A_1305 = arith.addf %mul3A_1304, %gather3A_1265 : vector<16xf32>
      %mul3A_1306 = arith.mulf %add3A_1303, %mul3A_1301 : vector<16xf32>
      %add3A_1307 = arith.addf %mul3A_1306, %gather3A_1280 : vector<16xf32>
      %mul3A_1308 = arith.mulf %add3A_1305, %mul3A_1301 : vector<16xf32>
      %add3A_1309 = arith.addf %mul3A_1308, %gather3A_1275 : vector<16xf32>
      %mul3A_1310 = arith.mulf %add3A_1307, %mul3A_1301 : vector<16xf32>
      %add3A_1311 = arith.addf %mul3A_1310, %gather3A_1290 : vector<16xf32>
      %mul3A_1312 = arith.mulf %add3A_1309, %mul3A_1301 : vector<16xf32>
      %add3A_1313 = arith.addf %mul3A_1312, %gather3A_1285 : vector<16xf32>
      %mul3A_1314 = arith.mulf %add3A_1311, %mul3A_1301 : vector<16xf32>
      %add3A_1315 = arith.addf %mul3A_1314, %gather3A_1300 : vector<16xf32>
      %mul3A_1316 = arith.mulf %add3A_1313, %mul3A_1301 : vector<16xf32>
      %add3A_1317 = arith.addf %mul3A_1316, %gather3A_1295 : vector<16xf32>
      %mul3A_1318 = arith.mulf %add3A_1317, %min3A_1233 : vector<16xf32>
      %add3A_1319 = arith.addf %add3A_1315, %mul3A_1318 : vector<16xf32>
      %div3A_1320 = arith.divf %add3A_1319, %mul3A_1250 : vector<16xf32>
      %add3A_1321 = arith.addf %add3A_1221, %div3A_1320 : vector<16xf32>
      scf.yield %add3A_1321 : vector<16xf32>
    }
    %scan3A_1119 = arith.constant 2048 : i32
    %swap3A_1120 = arith.constant 0 : index
    %swap3A_1121 = tpu.vector_load %arg13[%swap3A_1120] {strides = array<i32>} : memref<16xf32, #tpu.memory_space<vmem>>, vector<16xf32>,
    tpu.vector_store %arg13[%swap3A_1120], %scan3A_1118 {strides = array<i32>} : memref<16xf32, #tpu.memory_space<vmem>>, vector<16xf32>,
    %mul3A_1122 = arith.constant 16 : i32
    %mul3A_1123 = arith.muli %add3A, %mul3A_1122 : i32
    "tpu.region"() ({
      %run_scoped3A = tpu.sem_alloc : memref<!tpu.dma_semaphore, #tpu.memory_space<semaphore_mem>>
      %dma_start3A_1124 = tpu.memref_slice %arg5[%mul3A_1123] : memref<512xf32, #tpu.memory_space<hbm>> -> memref<16xf32, #tpu.memory_space<hbm>>
      %dma_start3A_1125 = tpu.memref_slice %arg5[%mul3A_1123] : memref<512xf32, #tpu.memory_space<hbm>> -> memref<16xf32, #tpu.memory_space<hbm>>
      tpu.enqueue_dma source(%arg13 : memref<16xf32, #tpu.memory_space<vmem>>) target(%dma_start3A_1125 : memref<16xf32, #tpu.memory_space<hbm>>) target_semaphore(%run_scoped3A : memref<!tpu.dma_semaphore, #tpu.memory_space<semaphore_mem>>)
      %dma_wait3A_1126 = tpu.memref_slice %arg5[%mul3A_1123] : memref<512xf32, #tpu.memory_space<hbm>> -> memref<16xf32, #tpu.memory_space<hbm>>
      %dma_wait3A_1127 = tpu.memref_slice %arg5[%mul3A_1123] : memref<512xf32, #tpu.memory_space<hbm>> -> memref<16xf32, #tpu.memory_space<hbm>>
      tpu.wait_dma2 semaphore(%run_scoped3A : memref<!tpu.dma_semaphore, #tpu.memory_space<semaphore_mem>>) src(%arg13 : memref<16xf32, #tpu.memory_space<vmem>>) dst(%dma_wait3A_1127 : memref<16xf32, #tpu.memory_space<hbm>>)
      tpu.yield
    }) : () -> ()
    return
  }
}

</mosaic_0001>

<sc_bundles>
// kernel: kernel.3.cloned.1.call-start
scs
__scs_entry_jumppad:
0x0: {  	(pc) =	sbr.rel $0x88, $3  }
0x1: {  	(tag) =	ssettag $0x0;
	lr =	simm.s32 $0x1  }
0x2: {  	[smem:$0x3F9C] =	sst lr;
	_ =	strace $0xD0000000  }
0x3: {  	_ = 	snop  }
0x4: {  	_ = 	snop  }
0x5: {  	_ = 	snop  }
0x6: {  	_ = 	snop  }
0x7: {  	_ = 	snop  }
__scs_overlays_trampoline_lowered:
0x8: {  	[smem:$0x3FAB] =	sst s0  }
0x9: {  	[smem:$0x3FAC] =	sst s1  }
0xa: {  	[smem:$0x3FAD] =	sst s2  }
0xb: {  	[smem:$0x3FAE] =	sst s3  }
0xc: {  	[smem:$0x3FAF] =	sst s4  }
0xd: {  	[smem:$0x3FB0] =	sst s5  }
0xe: {  	[smem:$0x3FB1] =	sst s6  }
0xf: {  	[smem:$0x3FB2] =	sst s7  }
0x10: {  	[smem:$0x3FB3] =	sst s8  }
0x11: {  	[smem:$0x3FB4] =	sst s9;
	s0 =	simm.s32 @!p0 $0x0  }
0x12: {  	s1 =	sld [smem:$0x3F9A];
	s0 =	simm.s32 @p0 $0x1  }
0x13: {  	[smem:$0x3FB5] =	sst s0;
	s0 =	simm.s32 @!p1 $0x0  }
0x14: {  	s2 =	sld [smem:$0x3F99];
	s0 =	simm.s32 @p1 $0x1  }
0x15: {  	[smem:$0x3FB6] =	sst s0;
	s0 =	simm.s32 @!p2 $0x0  }
0x16: {  	s3 =	sld [smem:$0x3FDB];
	s0 =	simm.s32 @p2 $0x1  }
0x17: {  	s4 =	simm.s32 $0x1BF5;
	[smem:$0x3FB8] =	sst s0  }
0x18: {  	s0 =	sld [smem:$0x3F9B];
	_ =	swait.ge [sflag:s4], $0x0  }
0x19: {  	s7 =	sld [smem:$0x3F9C]  }
0x1a: {  	s8 =	sadd.s32 $0xFFFFE003, lr  }
0x1b: {  	s9 =	sadd.s32 $0xFFFFFEF7, lr;
	s5 =	simm.s32 $0xFFFFFFFF;
	p2 =	slt.u32 s8, $0xFFFFF086  }
0x1c: {  	p1 =	slt.u32 s9, $0xF7A;
	s5 =	simm.s32 @!p2 $0x0  }
0x1d: {  	s5 =	simm.s32 @p1 $0x1;
	p0 =	seq.s32 s7, s2  }
0x1e: {  	s7 =	smul.u32 @!p0 $0xF7A, s2;
	p2 =	seq.s32 @!p0 s5, $0x0  }
0x1f: {  	s9 =	smul.u32 $0xF7A, s1;
	s8 =	simm.s32 @!p0 $0x1BF5;
	p2 =	por !p2, p0  }
0x20: {  	[sflag:s8] =	ssyncset.s32 @!p0 $0xFFFFF086;
	s6 =	sadd.s32 @!p0 s3, s7;
	s7 =	simm.s32 @!p0 $0x108  }
0x21: {  	s3 =	sadd.s32 s3, s9;
	s6 =	sadd.s32 @!p0 $0x88, s6;
	s7 =	simm.s32 @p2 $0x1082  }
0x22: {  	[simem:s7], [sflag:s8] =	dma.local @!p0 [hbm:s6], $0xF7A  }
0x23: {  	s9 =	sor.u32 $0xD0000000, s2;
	s6 =	simm.s32 $0x108;
	_ =	swait.ge @!p0 [sflag:s8], $0x0  }
0x24: {  	s3 =	sadd.s32 $0x88, s3;
	s6 =	simm.s32 @!p1 $0x1082;
	[sflag:s4] =	ssyncset.s32 $0xFFFFF086  }
0x25: {  	[simem:s6], [sflag:s4] =	dma.local [hbm:s3], $0xF7A  }
0x26: {  	[smem:$0x3F9C] =	sst s1;
	(tag) =	ssettag s2;
	_ =	strace s9  }
0x27: {  	s1 =	sld [smem:$0x3FAC]  }
0x28: {  	s2 =	sld [smem:$0x3FAD]  }
0x29: {  	s4 =	sld [smem:$0x3FAF]  }
0x2a: {  	p0 =	seq.s32 s5, $0x0;
	s5 =	sld [smem:$0x3FB0]  }
0x2b: {  	s6 =	sld [smem:$0x3FB1]  }
0x2c: {  	s7 =	sld [smem:$0x3FB2]  }
0x2d: {  	s3 =	simm.s32 $0x108;
	s8 =	sld [smem:$0x3FB3]  }
0x2e: {  	s3 =	simm.s32 @!p0 $0x1082;
	s9 =	sld [smem:$0x3FB4]  }
0x2f: {  	lr =	sadd.s32 s0, s3;
	s0 =	sld [smem:$0x3FAB]  }
0x30: {  	s3 =	sld [smem:$0x3FAE]  }
0x31: {  	[smem:$0x3FB7] =	sst s10  }
0x32: {  	s10 =	sld [smem:$0x3FB5];
	_ =	sdelay $0x3  }
0x33: {  	p0 =	seq.s32 s10, $0x1;
	s10 =	sld [smem:$0x3FB7];
	_ =	sdelay $0x3  }
0x34: {  	[smem:$0x3FB7] =	sst s10  }
0x35: {  	s10 =	sld [smem:$0x3FB6];
	_ =	sdelay $0x3  }
0x36: {  	p1 =	seq.s32 s10, $0x1;
	s10 =	sld [smem:$0x3FB7];
	_ =	sdelay $0x3  }
0x37: {  	[smem:$0x3FB7] =	sst s10  }
0x38: {  	s10 =	sld [smem:$0x3FB8]  }
0x39: {  	_ = 	snop;
	(pc) =	sbr.ind lr, $3  }
0x3a: {  	_ = 	snop  }
0x3b: {  	_ = 	snop  }
0x3c: {  	p2 =	seq.s32 s10, $0x1;
	s10 =	sld [smem:$0x3FB7]  }
0x3d: {  	_ =	shalt  }
0x3e: {  	_ =	shalt  }
0x3f: {  	_ =	shalt  }
0x40: {  	_ =	shalt  }
0x41: {  	_ =	shalt  }
0x42: {  	_ =	shalt  }
0x43: {  	_ =	shalt  }
0x44: {  	_ =	shalt  }
0x45: {  	_ =	shalt  }
0x46: {  	_ =	shalt  }
0x47: {  	_ =	shalt  }
0x48: {  	_ =	shalt  }
0x49: {  	_ =	shalt  }
0x4a: {  	_ =	shalt  }
0x4b: {  	_ =	shalt  }
0x4c: {  	_ =	shalt  }
0x4d: {  	_ =	shalt  }
0x4e: {  	_ =	shalt  }
0x4f: {  	_ =	shalt  }
0x50: {  	_ =	shalt  }
0x51: {  	_ =	shalt  }
0x52: {  	_ =	shalt  }
0x53: {  	_ =	shalt  }
0x54: {  	_ =	shalt  }
0x55: {  	_ =	shalt  }
0x56: {  	_ =	shalt  }
0x57: {  	_ =	shalt  }
0x58: {  	_ =	shalt  }
0x59: {  	_ =	shalt  }
0x5a: {  	_ =	shalt  }
0x5b: {  	_ =	shalt  }
0x5c: {  	_ =	shalt  }
0x5d: {  	_ =	shalt  }
0x5e: {  	_ =	shalt  }
0x5f: {  	_ =	shalt  }
0x60: {  	_ =	shalt  }
0x61: {  	_ =	shalt  }
0x62: {  	_ =	shalt  }
0x63: {  	_ =	shalt  }
0x64: {  	_ =	shalt  }
0x65: {  	_ =	shalt  }
0x66: {  	_ =	shalt  }
0x67: {  	_ =	shalt  }
0x68: {  	_ =	shalt  }
0x69: {  	_ =	shalt  }
0x6a: {  	_ =	shalt  }
0x6b: {  	_ =	shalt  }
0x6c: {  	_ =	shalt  }
0x6d: {  	_ =	shalt  }
0x6e: {  	_ =	shalt  }
0x6f: {  	_ =	shalt  }
0x70: {  	_ =	shalt  }
0x71: {  	_ =	shalt  }
0x72: {  	_ =	shalt  }
0x73: {  	_ =	shalt  }
0x74: {  	_ =	shalt  }
0x75: {  	_ =	shalt  }
0x76: {  	_ =	shalt  }
0x77: {  	_ =	shalt  }
0x78: {  	_ =	shalt  }
0x79: {  	_ =	shalt  }
0x7a: {  	_ =	shalt  }
0x7b: {  	_ =	shalt  }
0x7c: {  	_ =	shalt  }
0x7d: {  	_ =	shalt  }
0x7e: {  	_ =	shalt  }
0x7f: {  	_ =	shalt  }
0x80: {  	_ =	shalt  }
0x81: {  	_ =	shalt  }
0x82: {  	_ =	shalt  }
0x83: {  	_ =	shalt  }
0x84: {  	_ =	shalt  }
0x85: {  	_ =	shalt  }
0x86: {  	_ =	shalt  }
0x87: {  	_ =	shalt  }
.Lfunc_end0:
.L_simem_size_0:
called_computation_lowered:
.L_overlay_start_0:
0x88: {  	s2 =	sld [smem:$0x3FD9]  }
0x89: {  	s3 =	sld [smem:$0x3FFE];
	_ =	sdelay $0x1  }
0x8a: {  	s1 =	srdreg.scid  }
0x8b: {  	s0 =	sand.u32 $0x1, s1  }
0x8c: {  	s17 =	sshll.u32 s0, $0xA;
	s2 =	sadd.s32 s3, s2  }
0x8d: {  	s2 =	sadd.s32 s2, s17  }
0x8e: {  	[smem:$0x3FC3] =	sst s2  }
0x8f: {  	_ = 	snop  }
0x90: {  	s2 =	sld [smem:$0x3FC9]  }
0x91: {  	s18 =	sld [smem:$0x3FC8];
	(tm) =	ssettm $0x1  }
0x92: {  	s4 =	sld [smem:$0x3FFB];
	_ =	sdelay $0x3  }
0x93: {  	_ =	strace s4  }
0x94: {  	s4 =	sld [smem:$0x3FFC];
	_ =	sdelay $0x3  }
0x95: {  	_ =	strace s4  }
0x96: {  	s4 =	sld [smem:$0x3FFD];
	_ =	sdelay $0x3  }
0x97: {  	_ =	strace s4  }
0x98: {  	_ =	strace $0x8FFFFFFF  }
0x99: {  	s19 =	sld [smem:$0x3FDB];
	_ =	sdelay $0x1  }
0x9a: {  	s5 =	simm.s32 $_scs_section_size  }
0x9b: {  	s6 =	simm.s32 $_size__tile_overlayer_lowered;
	s7 =	simm.s32 $_tile_overlayer_lowered  }
0x9c: {  	s22 =	simm.s32 $0x1BFF;
	s21 =	sshll.u32 s7, $0x1;
	s4 =	sadd.s32 s5, s19  }
0x9d: {  	s8 =	simm.s32 $0x0;
	s20 =	sshll.u32 s6, $0x1;
	s6 =	sadd.s32 s21, s4  }
0x9e: {  	[timem:s8], [sflag:s22] =	dma.local [hbm:s6], s20  }
0x9f: {  	_ =	swait.ge [sflag:s22], s20  }
0xa0: {  	s5 =	ssub.s32 $0x0, s20;
	[sflag:s22] =	ssyncset.done $0x0  }
0xa1: {  	[sflag:s22] =	ssyncadd.s32 s5;
	_ =	sdelay $0x1  }
0xa2: {  	s23 =	simm.s32 $0x1B8B  }
0xa3: {  	_ =	swait.ge [sflag:s23], $0x1  }
0xa4: {  	[sflag:s23] =	ssyncset.done $0x0  }
0xa5: {  	s25 =	simm.s32 $0x1B8E;
	s24 =	sld [smem:$0x3FFE];
	[sflag:s23] =	ssyncadd.s32 $0xFFFFFFFF  }
0xa6: {  	s26 =	simm.s32 $execute0_lowered;
	[smem:$0x3FD2] =	sst s25  }
0xa7: {  	s6 =	sshll.u32 s26, $0x1;
	_ =	strace $0x80000046;
	[dreg:$0x1] =	wrdreg $0xFFFFFFFF  }
0xa8: {  	s28 =	simm.s32 $_size_execute0_lowered;
	s4 =	sadd.s32 s4, s6;
	[dreg:$0x0] =	wrdreg $0x0  }
0xa9: {  	s6 =	sshll.u32 s28, $0x1;
	[dreg:$0x2] =	wrdreg s4  }
0xaa: {  	[dreg:$0x3] =	wrdreg s6  }
0xab: {  	[dreg:$0x4] =	wrdreg $0xC0  }
0xac: {  	_ =	task [dreg:s8], $0x5FFFF  }
0xad: {  	[dreg:$0x1] =	wrdreg $0xFFFFFFFF  }
0xae: {  	[dreg:$0x0] =	wrdreg $0x60  }
0xaf: {  	[dreg:$0x2] =	wrdreg s2  }
0xb0: {  	[dreg:$0x3] =	wrdreg s18  }
0xb1: {  	[dreg:$0x4] =	wrdreg s24  }
0xb2: {  	[dreg:$0x5] =	wrdreg $0x9  }
0xb3: {  	_ =	task.clear_ibuf [dreg:s8], $0x6FFFF;
	_ =	strace $0x90000046  }
0xb4: {  	s29 =	simm.s32 $0x9;
	_ =	strace $0x80000048  }
0xb5: {  	_ =	swait.ge [sflag:s29], $0x1  }
0xb6: {  	[sflag:s29] =	ssyncadd.s32 $0xFFFFFFFF  }
0xb7: {  	_ =	strace $0x90000048  }
0xb8: {  	_ =	sfence  }
0xb9: {  	s30 =	sld [smem:$0x0];
	_ =	sdelay $0x2  }
0xba: {  	s31 =	sshll.u32 s1, $0xD;
	s1 =	sshrl.u32 s1, $0x2  }
0xbb: {  	s3 =	sand.u32 $0x4000, s31;
	s1 =	sadd.s32 s1, s30  }
0xbc: {  	s0 =	sor.u32 s3, s0;
	s1 =	sshll.u32 s1, $0x11  }
0xbd: {  	s0 =	sor.u32 s1, s0  }
0xbe: {  	s0 =	sadd.s32 $0x8F2B, s0  }
0xbf: {  	[sflag:s0] =	ssyncadd.remote.s32 $0x1  }
0xc0: {  	_ =	sfence.sel $0xFFFF  }
0xc1: {  	[dreg:$0x0] =	wrdreg $0xFFFFFFFF;
	(pc) =	sbr.abs _section_cstart, $3  }
0xc2: {  	[dreg:$0x1] =	wrdreg $0xFFFFFFFF  }
0xc3: {  	_ =	task.clear_ibuf [dreg:s8], $0x2FFFF;
	_ =	strace $0x9FFFFFFF  }
0xc4: {  	(tm) =	ssettm $0x7FFFFFFF  }
0xc5: {  	_ =	shalt  }
tec
execute0_lowered:
.L_overlay_start_1:
0x0: {  	(tag) =	ssettag $0x1  }
0x1: {  	s4 =	rddreg [dreg:$0x0]  }
0x2: {  	s5 =	rddreg [dreg:$0x1]  }
0x3: {  	s1 =	rddreg [dreg:$0x2]  }
0x4: {  	s2 =	srdreg.scid;
	s0 =	rddreg [dreg:$0x3];
	s3 =	simm.s32 $0x0  }
0x5: {  	s10 =	simm.s32 $0x3;
	s11 =	simm.s32 $0x11000;
	s12 =	simm.s32 $0x11080  }
0x6: {  	s13 =	simm.s32 $0x11100;
	s14 =	simm.s32 $0x1;
	s15 =	simm.s32 $0x2  }
0x7: {  	s16 =	simm.s32 $0x10800;
	s17 =	simm.s32 $0x10880;
	s18 =	simm.s32 $0x10900  }
0x8: {  	s19 =	simm.s32 $0x10980;
	s20 =	simm.s32 $0x10A00;
	s21 =	simm.s32 $0x10A80  }
0x9: {  	s22 =	simm.s32 $0x10B00;
	s23 =	simm.s32 $0x10B80;
	s24 =	simm.s32 $0x10C00  }
0xa: {  	v0 =	vimm.s32 $0xEDCBA987;
	s25 =	simm.s32 $0x10C80;
	s26 =	simm.s32 $0x11180;
	s6 =	sand.u32 $0x1, s2  }
0xb: {  	v1 =	vimm.s32 $0x65432100;
	s28 =	simm.s32 $0x0;
	s2 =	stileid.u32;
	v0 =	vunpack.c.l.s4.s8 v0;
	s7 =	sshll.u32 s6, $0x4  }
0xc: {  	[smem:$0x7FF] =	sst s3;
	v1 =	vunpack.c.l.s4.s8 v1;
	s6 =	ssub.s32 $0x2, s6;
	s7 =	sor.u32 s2, s7  }
0xd: {  	_ =	strace $0x80000047;
	s9 =	sshrl.u32 s6, $0x1;
	v0 =	vunpack.c.0.s8.s32 v0;
	s8 =	sshll.u32 s7, $0x1  }
0xe: {  	v1 =	vunpack.c.0.s8.s32 v1;
	s9 =	ssub.s32 s6, s9;
	s31 =	sshll.u32 s7, $0xC;
	s8 =	sadd.s32 s8, s1  }
0xf: {  	s4 =	sadd.s32 s4, s31;
	s5 =	sadd.s32 s5, s31;
	s7 =	smax.u32 s9, $0x1;
	v0 =	vand.u32 $0xF, v0  }
0x10: {  	vm0 =	vmmov $0x1ff;
	vm1 =	vcmask $0x300;
	s9 =	simm.s32 $0x10000;
	s6 =	sadd.s32 $0x200, s8;
	s8 =	simm.s32 $0x8000;
	v9 =	vcombine.low v1, v0  }
.LBB2_1:
0x11: {  	[tilespmem:s3], [sflag:$0x1] =	stream.linear.gather [hbm4b:s4+s3], $0x8000, $0x38;
	[tilespmem:$0x11200] =	vst v63  }
0x12: {  	_ = 	snop  }
0x13: {  	[tilespmem:s8], [sflag:$0x2] =	stream.linear.gather [hbm4b:s5+s3], $0x8000, $0x38;
	[tilespmem:$0x11200] =	vst v63  }
0x14: {  	_ = 	snop  }
0x15: {  	[tilespmem:s9], [sflag:$0x3] =	stream.linear.gather [hbm4b:s1+s3], $0x600, $0x38;
	[tilespmem:$0x11200] =	vst v63  }
0x16: {  	_ =	swait.ge [sflag:s10], $0x600  }
0x17: {  	[sflag:s10] =	ssyncset.done $0x0  }
0x18: {  	[sflag:s10] =	ssyncadd.s32 $0xFFFFFA00  }
0x19: {  	v0 =	vld [tilespmem:$0x10500];
	_ =	sdelay $0x4  }
0x1a: {  	v0 =	vmul.f32 $1.442695020e+00, v0;
	_ =	sdelay $0x1  }
0x1b: {  	(erf) = vpow2.f32 v0;
	_ =	sdelay $0x6  }
0x1c: {  	v37 =	vimm.s32 $0x10  }
0x1d: {  	v40 =	vimm.s32 $0x11  }
0x1e: {  	v38 =	vimm.s32 $0x12;
	v0 =	vpop (erf)  }
0x1f: {  	v36 =	vimm.s32 $0x13;
	v0 =	vnsel vm0, $0x0, v0  }
0x20: {  	v34 =	vimm.s32 $0x14;
	[tilespmem:$0x11010] =	vst v0  }
0x21: {  	v33 =	vimm.s32 $0x15;
	v17 =	vld.idx.msk [tilespmem:v37+s11+$0x0], $0xffff  }
0x22: {  	v31 =	vimm.s32 $0x16;
	v18 =	vld.idx.msk [tilespmem:v40+s11+$0x0], $0xffff  }
0x23: {  	v30 =	vimm.s32 $0x17;
	v15 =	vld.idx.msk [tilespmem:v38+s11+$0x0], $0xffff  }
0x24: {  	v24 =	vimm.s32 $0x18;
	v14 =	vld.idx.msk [tilespmem:v36+s11+$0x0], $0xffff  }
0x25: {  	v16 =	vld.idx.msk [tilespmem:v34+s11+$0x0], $0xffff  }
0x26: {  	v19 =	vld.idx.msk [tilespmem:v33+s11+$0x0], $0xffff  }
0x27: {  	v12 =	vimm.f32 $0.0e+00;
	v20 =	vld.idx.msk [tilespmem:v31+s11+$0x0], $0xffff  }
0x28: {  	v43 =	vsel vm1, $0x3F800000, v12;
	v21 =	vld.idx.msk [tilespmem:v30+s11+$0x0], $0xffff  }
0x29: {  	v13 =	vld.idx.msk [tilespmem:v24+s11+$0x0], $0xffff;
	[tilespmem:$0x11080] =	vst v43  }
0x2a: {  	v0 =	vld.idx.msk [tilespmem:v9+s12+$0x0], $0xffff;
	_ =	sdelay $0x2  }
0x2b: {  	v1 =	vlaneseq.u32  }
0x2c: {  	vm2 =	veq.s32 v1, $0x0;
	v44 =	vmul.f32 v43, v17  }
0x2d: {  	v0 =	vsel vm2, $0x0, v0  }
0x2e: {  	v0 =	vadd.f32 v0, v44;
	_ =	sdelay $0x1  }
0x2f: {  	[tilespmem:$0x11080] =	vst v0  }
0x30: {  	v1 =	vld.idx.msk [tilespmem:v9+s12+$0x0], $0xffff;
	_ =	sdelay $0x3  }
0x31: {  	v0 =	vmul.f32 v0, v18  }
0x32: {  	v1 =	vsel vm2, $0x0, v1  }
0x33: {  	v0 =	vadd.f32 v0, v1;
	_ =	sdelay $0x1  }
0x34: {  	[tilespmem:$0x11080] =	vst v0  }
0x35: {  	v1 =	vld.idx.msk [tilespmem:v9+s12+$0x0], $0xffff;
	_ =	sdelay $0x3  }
0x36: {  	v0 =	vmul.f32 v0, v15  }
0x37: {  	v1 =	vsel vm2, $0x0, v1  }
0x38: {  	v0 =	vadd.f32 v0, v1;
	_ =	sdelay $0x1  }
0x39: {  	[tilespmem:$0x11080] =	vst v0  }
0x3a: {  	v1 =	vld.idx.msk [tilespmem:v9+s12+$0x0], $0xffff;
	_ =	sdelay $0x3  }
0x3b: {  	v0 =	vmul.f32 v0, v14  }
0x3c: {  	v1 =	vsel vm2, $0x0, v1  }
0x3d: {  	v0 =	vadd.f32 v0, v1;
	_ =	sdelay $0x1  }
0x3e: {  	[tilespmem:$0x11080] =	vst v0  }
0x3f: {  	v1 =	vld.idx.msk [tilespmem:v9+s12+$0x0], $0xffff;
	_ =	sdelay $0x3  }
0x40: {  	v0 =	vmul.f32 v0, v16  }
0x41: {  	v1 =	vsel vm2, $0x0, v1  }
0x42: {  	v0 =	vadd.f32 v0, v1;
	_ =	sdelay $0x1  }
0x43: {  	[tilespmem:$0x11080] =	vst v0  }
0x44: {  	v1 =	vld.idx.msk [tilespmem:v9+s12+$0x0], $0xffff;
	_ =	sdelay $0x3  }
0x45: {  	v0 =	vmul.f32 v0, v19  }
0x46: {  	v1 =	vsel vm2, $0x0, v1  }
0x47: {  	v0 =	vadd.f32 v0, v1;
	_ =	sdelay $0x1  }
0x48: {  	[tilespmem:$0x11080] =	vst v0  }
0x49: {  	v1 =	vld.idx.msk [tilespmem:v9+s12+$0x0], $0xffff;
	_ =	sdelay $0x3  }
0x4a: {  	v0 =	vmul.f32 v0, v20  }
0x4b: {  	v1 =	vsel vm2, $0x0, v1  }
0x4c: {  	v0 =	vadd.f32 v0, v1;
	_ =	sdelay $0x1  }
0x4d: {  	[tilespmem:$0x11080] =	vst v0  }
0x4e: {  	v1 =	vld.idx.msk [tilespmem:v9+s12+$0x0], $0xffff;
	_ =	sdelay $0x3  }
0x4f: {  	v0 =	vmul.f32 v0, v21  }
0x50: {  	v1 =	vsel vm2, $0x0, v1  }
0x51: {  	v0 =	vadd.f32 v0, v1;
	_ =	sdelay $0x1  }
0x52: {  	[tilespmem:$0x11080] =	vst v0  }
0x53: {  	v1 =	vld.idx.msk [tilespmem:v9+s12+$0x0], $0xffff;
	_ =	sdelay $0x3  }
0x54: {  	v0 =	vmul.f32 v0, v13  }
0x55: {  	v1 =	vsel vm2, $0x0, v1  }
0x56: {  	v0 =	vadd.f32 v0, v1;
	_ =	sdelay $0x1  }
0x57: {  	[tilespmem:$0x11110] =	vst v0  }
0x58: {  	v0 =	vld.idx.msk [tilespmem:v37+s13+$0x0], $0xffff;
	_ =	sdelay $0x4  }
0x59: {  	[tilespmem:$0x1FEE0] =	vst v0;
	v0 =	vld.idx.msk [tilespmem:v40+s13+$0x0], $0xffff;
	_ =	sdelay $0x4  }
0x5a: {  	[tilespmem:$0x1FED0] =	vst v0;
	v0 =	vld.idx.msk [tilespmem:v38+s13+$0x0], $0xffff;
	_ =	sdelay $0x4  }
0x5b: {  	[tilespmem:$0x1FE50] =	vst v0;
	v0 =	vld.idx.msk [tilespmem:v36+s13+$0x0], $0xffff;
	_ =	sdelay $0x4  }
0x5c: {  	[tilespmem:$0x1FE20] =	vst v0;
	v0 =	vld.idx.msk [tilespmem:v34+s13+$0x0], $0xffff;
	_ =	sdelay $0x4  }
0x5d: {  	[tilespmem:$0x1FDA0] =	vst v0;
	v0 =	vld.idx.msk [tilespmem:v33+s13+$0x0], $0xffff;
	_ =	sdelay $0x4  }
0x5e: {  	[tilespmem:$0x1FD70] =	vst v0;
	v0 =	vld.idx.msk [tilespmem:v31+s13+$0x0], $0xffff;
	_ =	sdelay $0x4  }
0x5f: {  	[tilespmem:$0x1FD20] =	vst v0;
	v0 =	vld.idx.msk [tilespmem:v30+s13+$0x0], $0xffff;
	_ =	sdelay $0x4  }
0x60: {  	[tilespmem:$0x1FCE0] =	vst v0;
	v0 =	vld.idx.msk [tilespmem:v24+s13+$0x0], $0xffff;
	_ =	sdelay $0x4  }
0x61: {  	[tilespmem:$0x1FCD0] =	vst v0;
	v0 =	vimm.s32 $0x19;
	_ =	sdelay $0x4  }
0x62: {  	v0 =	vld.idx.msk [tilespmem:v0+s13+$0x0], $0xffff;
	_ =	sdelay $0x3  }
0x63: {  	[tilespmem:$0x11080] =	vst v43  }
0x64: {  	[tilespmem:$0x1FEA0] =	vst v0;
	v0 =	vld.idx.msk [tilespmem:v9+s12+$0x0], $0xffff;
	_ =	sdelay $0x3  }
0x65: {  	v1 =	vmul.f32 v43, v18  }
0x66: {  	v0 =	vsel vm2, $0x0, v0  }
0x67: {  	v0 =	vadd.f32 v0, v1;
	_ =	sdelay $0x1  }
0x68: {  	[tilespmem:$0x11080] =	vst v0  }
0x69: {  	v1 =	vld.idx.msk [tilespmem:v9+s12+$0x0], $0xffff;
	_ =	sdelay $0x3  }
0x6a: {  	v0 =	vmul.f32 v0, v15  }
0x6b: {  	v1 =	vsel vm2, $0x0, v1  }
0x6c: {  	v0 =	vadd.f32 v0, v1;
	_ =	sdelay $0x1  }
0x6d: {  	[tilespmem:$0x11080] =	vst v0  }
0x6e: {  	v1 =	vld.idx.msk [tilespmem:v9+s12+$0x0], $0xffff;
	_ =	sdelay $0x3  }
0x6f: {  	v0 =	vmul.f32 v0, v14  }
0x70: {  	v1 =	vsel vm2, $0x0, v1  }
0x71: {  	v0 =	vadd.f32 v0, v1;
	_ =	sdelay $0x1  }
0x72: {  	[tilespmem:$0x11080] =	vst v0  }
0x73: {  	v1 =	vld.idx.msk [tilespmem:v9+s12+$0x0], $0xffff;
	_ =	sdelay $0x3  }
0x74: {  	v0 =	vmul.f32 v0, v16  }
0x75: {  	v1 =	vsel vm2, $0x0, v1  }
0x76: {  	v0 =	vadd.f32 v0, v1;
	_ =	sdelay $0x1  }
0x77: {  	[tilespmem:$0x11080] =	vst v0  }
0x78: {  	v1 =	vld.idx.msk [tilespmem:v9+s12+$0x0], $0xffff;
	_ =	sdelay $0x3  }
0x79: {  	v0 =	vmul.f32 v0, v19  }
0x7a: {  	v1 =	vsel vm2, $0x0, v1  }
0x7b: {  	v0 =	vadd.f32 v0, v1;
	_ =	sdelay $0x1  }
0x7c: {  	[tilespmem:$0x11080] =	vst v0  }
0x7d: {  	v1 =	vld.idx.msk [tilespmem:v9+s12+$0x0], $0xffff;
	_ =	sdelay $0x3  }
0x7e: {  	v0 =	vmul.f32 v0, v20  }
0x7f: {  	v1 =	vsel vm2, $0x0, v1  }
0x80: {  	v0 =	vadd.f32 v0, v1;
	_ =	sdelay $0x1  }
0x81: {  	[tilespmem:$0x11080] =	vst v0  }
0x82: {  	v1 =	vld.idx.msk [tilespmem:v9+s12+$0x0], $0xffff;
	_ =	sdelay $0x3  }
0x83: {  	v0 =	vmul.f32 v0, v21  }
0x84: {  	v1 =	vsel vm2, $0x0, v1  }
0x85: {  	v0 =	vadd.f32 v0, v1;
	_ =	sdelay $0x1  }
0x86: {  	[tilespmem:$0x11080] =	vst v0  }
0x87: {  	v1 =	vld.idx.msk [tilespmem:v9+s12+$0x0], $0xffff;
	_ =	sdelay $0x3  }
0x88: {  	v0 =	vmul.f32 v0, v13  }
0x89: {  	v1 =	vsel vm2, $0x0, v1  }
0x8a: {  	v0 =	vadd.f32 v0, v1;
	_ =	sdelay $0x1  }
0x8b: {  	[tilespmem:$0x11110] =	vst v0  }
0x8c: {  	v0 =	vld.idx.msk [tilespmem:v37+s13+$0x0], $0xffff;
	_ =	sdelay $0x4  }
0x8d: {  	[tilespmem:$0x1FF20] =	vst v0;
	v0 =	vld.idx.msk [tilespmem:v40+s13+$0x0], $0xffff;
	_ =	sdelay $0x4  }
0x8e: {  	[tilespmem:$0x1FF10] =	vst v0;
	v0 =	vld.idx.msk [tilespmem:v38+s13+$0x0], $0xffff;
	_ =	sdelay $0x4  }
0x8f: {  	[tilespmem:$0x1FE60] =	vst v0;
	v0 =	vld.idx.msk [tilespmem:v36+s13+$0x0], $0xffff;
	_ =	sdelay $0x4  }
0x90: {  	[tilespmem:$0x1FE30] =	vst v0;
	v0 =	vld.idx.msk [tilespmem:v34+s13+$0x0], $0xffff;
	_ =	sdelay $0x4  }
0x91: {  	[tilespmem:$0x1FDB0] =	vst v0;
	v0 =	vld.idx.msk [tilespmem:v33+s13+$0x0], $0xffff;
	_ =	sdelay $0x4  }
0x92: {  	[tilespmem:$0x1FD80] =	vst v0;
	v0 =	vld.idx.msk [tilespmem:v31+s13+$0x0], $0xffff;
	_ =	sdelay $0x4  }
0x93: {  	[tilespmem:$0x1FD30] =	vst v0;
	v0 =	vld.idx.msk [tilespmem:v30+s13+$0x0], $0xffff;
	_ =	sdelay $0x3  }
0x94: {  	v56 =	vld.idx.msk [tilespmem:v24+s13+$0x0], $0xffff;
	[tilespmem:$0x11080] =	vst v43  }
0x95: {  	[tilespmem:$0x1FCF0] =	vst v0;
	v0 =	vld.idx.msk [tilespmem:v9+s12+$0x0], $0xffff;
	_ =	sdelay $0x4  }
0x96: {  	v0 =	vsel vm2, $0x0, v0  }
0x97: {  	v0 =	vadd.f32 v0, v44;
	_ =	sdelay $0x1  }
0x98: {  	[tilespmem:$0x11080] =	vst v0  }
0x99: {  	v1 =	vld.idx.msk [tilespmem:v9+s12+$0x0], $0xffff;
	_ =	sdelay $0x3  }
0x9a: {  	v0 =	vmul.f32 v0, v15  }
0x9b: {  	v1 =	vsel vm2, $0x0, v1  }
0x9c: {  	v0 =	vadd.f32 v0, v1;
	_ =	sdelay $0x1  }
0x9d: {  	[tilespmem:$0x11080] =	vst v0  }
0x9e: {  	v1 =	vld.idx.msk [tilespmem:v9+s12+$0x0], $0xffff;
	_ =	sdelay $0x3  }
0x9f: {  	v0 =	vmul.f32 v0, v14  }
0xa0: {  	v1 =	vsel vm2, $0x0, v1  }
0xa1: {  	v0 =	vadd.f32 v0, v1;
	_ =	sdelay $0x1  }
0xa2: {  	[tilespmem:$0x11080] =	vst v0  }
0xa3: {  	v1 =	vld.idx.msk [tilespmem:v9+s12+$0x0], $0xffff;
	_ =	sdelay $0x3  }
0xa4: {  	v0 =	vmul.f32 v0, v16  }
0xa5: {  	v1 =	vsel vm2, $0x0, v1  }
0xa6: {  	v0 =	vadd.f32 v0, v1;
	_ =	sdelay $0x1  }
0xa7: {  	[tilespmem:$0x11080] =	vst v0  }
0xa8: {  	v1 =	vld.idx.msk [tilespmem:v9+s12+$0x0], $0xffff;
	_ =	sdelay $0x3  }
0xa9: {  	v0 =	vmul.f32 v0, v19  }
0xaa: {  	v1 =	vsel vm2, $0x0, v1  }
0xab: {  	v0 =	vadd.f32 v0, v1;
	_ =	sdelay $0x1  }
0xac: {  	[tilespmem:$0x11080] =	vst v0  }
0xad: {  	v1 =	vld.idx.msk [tilespmem:v9+s12+$0x0], $0xffff;
	_ =	sdelay $0x3  }
0xae: {  	v0 =	vmul.f32 v0, v20  }
0xaf: {  	v1 =	vsel vm2, $0x0, v1  }
0xb0: {  	v0 =	vadd.f32 v0, v1;
	_ =	sdelay $0x1  }
0xb1: {  	[tilespmem:$0x11080] =	vst v0  }
0xb2: {  	v1 =	vld.idx.msk [tilespmem:v9+s12+$0x0], $0xffff;
	_ =	sdelay $0x3  }
0xb3: {  	v0 =	vmul.f32 v0, v21  }
0xb4: {  	v1 =	vsel vm2, $0x0, v1  }
0xb5: {  	v0 =	vadd.f32 v0, v1;
	_ =	sdelay $0x1  }
0xb6: {  	[tilespmem:$0x11080] =	vst v0  }
0xb7: {  	v1 =	vld.idx.msk [tilespmem:v9+s12+$0x0], $0xffff;
	_ =	sdelay $0x3  }
0xb8: {  	v0 =	vmul.f32 v0, v13  }
0xb9: {  	v1 =	vsel vm2, $0x0, v1  }
0xba: {  	v0 =	vadd.f32 v0, v1;
	_ =	sdelay $0x1  }
0xbb: {  	[tilespmem:$0x11110] =	vst v0  }
0xbc: {  	v0 =	vld.idx.msk [tilespmem:v37+s13+$0x0], $0xffff;
	_ =	sdelay $0x4  }
0xbd: {  	[tilespmem:$0x1FF50] =	vst v0;
	v0 =	vld.idx.msk [tilespmem:v40+s13+$0x0], $0xffff;
	_ =	sdelay $0x4  }
0xbe: {  	[tilespmem:$0x1FF40] =	vst v0;
	v0 =	vld.idx.msk [tilespmem:v38+s13+$0x0], $0xffff;
	_ =	sdelay $0x4  }
0xbf: {  	[tilespmem:$0x1FE80] =	vst v0;
	v0 =	vld.idx.msk [tilespmem:v36+s13+$0x0], $0xffff;
	_ =	sdelay $0x4  }
0xc0: {  	[tilespmem:$0x1FE40] =	vst v0;
	v0 =	vld.idx.msk [tilespmem:v34+s13+$0x0], $0xffff;
	_ =	sdelay $0x4  }
0xc1: {  	[tilespmem:$0x1FDD0] =	vst v0;
	v0 =	vld.idx.msk [tilespmem:v33+s13+$0x0], $0xffff;
	_ =	sdelay $0x4  }
0xc2: {  	[tilespmem:$0x1FD90] =	vst v0;
	v0 =	vld.idx.msk [tilespmem:v31+s13+$0x0], $0xffff;
	_ =	sdelay $0x4  }
0xc3: {  	[tilespmem:$0x1FD40] =	vst v0;
	v0 =	vld.idx.msk [tilespmem:v30+s13+$0x0], $0xffff;
	_ =	sdelay $0x3  }
0xc4: {  	v11 =	vld.idx.msk [tilespmem:v24+s13+$0x0], $0xffff;
	[tilespmem:$0x11080] =	vst v43  }
0xc5: {  	[tilespmem:$0x1FD00] =	vst v0;
	v0 =	vld.idx.msk [tilespmem:v9+s12+$0x0], $0xffff;
	_ =	sdelay $0x4  }
0xc6: {  	v0 =	vsel vm2, $0x0, v0  }
0xc7: {  	v0 =	vadd.f32 v0, v44;
	_ =	sdelay $0x1  }
0xc8: {  	[tilespmem:$0x11080] =	vst v0  }
0xc9: {  	v1 =	vld.idx.msk [tilespmem:v9+s12+$0x0], $0xffff;
	_ =	sdelay $0x3  }
0xca: {  	v0 =	vmul.f32 v0, v18  }
0xcb: {  	v1 =	vsel vm2, $0x0, v1  }
0xcc: {  	v0 =	vadd.f32 v0, v1;
	_ =	sdelay $0x1  }
0xcd: {  	[tilespmem:$0x11080] =	vst v0  }
0xce: {  	v1 =	vld.idx.msk [tilespmem:v9+s12+$0x0], $0xffff;
	_ =	sdelay $0x3  }
0xcf: {  	v0 =	vmul.f32 v0, v14  }
0xd0: {  	v1 =	vsel vm2, $0x0, v1  }
0xd1: {  	v0 =	vadd.f32 v0, v1;
	_ =	sdelay $0x1  }
0xd2: {  	[tilespmem:$0x11080] =	vst v0  }
0xd3: {  	v1 =	vld.idx.msk [tilespmem:v9+s12+$0x0], $0xffff;
	_ =	sdelay $0x3  }
0xd4: {  	v0 =	vmul.f32 v0, v16  }
0xd5: {  	v1 =	vsel vm2, $0x0, v1  }
0xd6: {  	v0 =	vadd.f32 v0, v1;
	_ =	sdelay $0x1  }
0xd7: {  	[tilespmem:$0x11080] =	vst v0  }
0xd8: {  	v1 =	vld.idx.msk [tilespmem:v9+s12+$0x0], $0xffff;
	_ =	sdelay $0x3  }
0xd9: {  	v0 =	vmul.f32 v0, v19  }
0xda: {  	v1 =	vsel vm2, $0x0, v1  }
0xdb: {  	v0 =	vadd.f32 v0, v1;
	_ =	sdelay $0x1  }
0xdc: {  	[tilespmem:$0x11080] =	vst v0  }
0xdd: {  	v1 =	vld.idx.msk [tilespmem:v9+s12+$0x0], $0xffff;
	_ =	sdelay $0x3  }
0xde: {  	v0 =	vmul.f32 v0, v20  }
0xdf: {  	v1 =	vsel vm2, $0x0, v1  }
0xe0: {  	v0 =	vadd.f32 v0, v1;
	_ =	sdelay $0x1  }
0xe1: {  	[tilespmem:$0x11080] =	vst v0  }
0xe2: {  	v1 =	vld.idx.msk [tilespmem:v9+s12+$0x0], $0xffff;
	_ =	sdelay $0x3  }
0xe3: {  	v0 =	vmul.f32 v0, v21  }
0xe4: {  	v1 =	vsel vm2, $0x0, v1  }
0xe5: {  	v0 =	vadd.f32 v0, v1;
	_ =	sdelay $0x1  }
0xe6: {  	[tilespmem:$0x11080] =	vst v0  }
0xe7: {  	v1 =	vld.idx.msk [tilespmem:v9+s12+$0x0], $0xffff;
	_ =	sdelay $0x3  }
0xe8: {  	v0 =	vmul.f32 v0, v13  }
0xe9: {  	v1 =	vsel vm2, $0x0, v1  }
0xea: {  	v0 =	vadd.f32 v0, v1;
	_ =	sdelay $0x1  }
0xeb: {  	[tilespmem:$0x11110] =	vst v0  }
0xec: {  	v0 =	vld.idx.msk [tilespmem:v37+s13+$0x0], $0xffff;
	_ =	sdelay $0x4  }
0xed: {  	[tilespmem:$0x1FF70] =	vst v0;
	v0 =	vld.idx.msk [tilespmem:v40+s13+$0x0], $0xffff;
	_ =	sdelay $0x4  }
0xee: {  	[tilespmem:$0x1FF60] =	vst v0;
	v0 =	vld.idx.msk [tilespmem:v38+s13+$0x0], $0xffff;
	_ =	sdelay $0x4  }
0xef: {  	[tilespmem:$0x1FEB0] =	vst v0;
	v0 =	vld.idx.msk [tilespmem:v36+s13+$0x0], $0xffff;
	_ =	sdelay $0x4  }
0xf0: {  	[tilespmem:$0x1FE70] =	vst v0;
	v0 =	vld.idx.msk [tilespmem:v34+s13+$0x0], $0xffff;
	_ =	sdelay $0x4  }
0xf1: {  	[tilespmem:$0x1FDF0] =	vst v0;
	v0 =	vld.idx.msk [tilespmem:v33+s13+$0x0], $0xffff;
	_ =	sdelay $0x4  }
0xf2: {  	[tilespmem:$0x1FDC0] =	vst v0;
	v0 =	vld.idx.msk [tilespmem:v31+s13+$0x0], $0xffff;
	_ =	sdelay $0x4  }
0xf3: {  	[tilespmem:$0x1FD50] =	vst v0;
	v0 =	vld.idx.msk [tilespmem:v30+s13+$0x0], $0xffff;
	_ =	sdelay $0x3  }
0xf4: {  	v29 =	vld.idx.msk [tilespmem:v24+s13+$0x0], $0xffff;
	[tilespmem:$0x11080] =	vst v43  }
0xf5: {  	[tilespmem:$0x1FD10] =	vst v0;
	v0 =	vld.idx.msk [tilespmem:v9+s12+$0x0], $0xffff;
	_ =	sdelay $0x4  }
0xf6: {  	v0 =	vsel vm2, $0x0, v0  }
0xf7: {  	v0 =	vadd.f32 v0, v44;
	_ =	sdelay $0x1  }
0xf8: {  	[tilespmem:$0x11080] =	vst v0  }
0xf9: {  	v1 =	vld.idx.msk [tilespmem:v9+s12+$0x0], $0xffff;
	_ =	sdelay $0x3  }
0xfa: {  	v0 =	vmul.f32 v0, v18  }
0xfb: {  	v1 =	vsel vm2, $0x0, v1  }
0xfc: {  	v0 =	vadd.f32 v0, v1;
	_ =	sdelay $0x1  }
0xfd: {  	[tilespmem:$0x11080] =	vst v0  }
0xfe: {  	v1 =	vld.idx.msk [tilespmem:v9+s12+$0x0], $0xffff;
	_ =	sdelay $0x3  }
0xff: {  	v0 =	vmul.f32 v0, v15  }
0x100: {  	v1 =	vsel vm2, $0x0, v1  }
0x101: {  	v0 =	vadd.f32 v0, v1;
	_ =	sdelay $0x1  }
0x102: {  	[tilespmem:$0x11080] =	vst v0  }
0x103: {  	v1 =	vld.idx.msk [tilespmem:v9+s12+$0x0], $0xffff;
	_ =	sdelay $0x3  }
0x104: {  	v0 =	vmul.f32 v0, v16  }
0x105: {  	v1 =	vsel vm2, $0x0, v1  }
0x106: {  	v0 =	vadd.f32 v0, v1;
	_ =	sdelay $0x1  }
0x107: {  	[tilespmem:$0x11080] =	vst v0  }
0x108: {  	v1 =	vld.idx.msk [tilespmem:v9+s12+$0x0], $0xffff;
	_ =	sdelay $0x3  }
0x109: {  	v0 =	vmul.f32 v0, v19  }
0x10a: {  	v1 =	vsel vm2, $0x0, v1  }
0x10b: {  	v0 =	vadd.f32 v0, v1;
	_ =	sdelay $0x1  }
0x10c: {  	[tilespmem:$0x11080] =	vst v0  }
0x10d: {  	v1 =	vld.idx.msk [tilespmem:v9+s12+$0x0], $0xffff;
	_ =	sdelay $0x3  }
0x10e: {  	v0 =	vmul.f32 v0, v20  }
0x10f: {  	v1 =	vsel vm2, $0x0, v1  }
0x110: {  	v0 =	vadd.f32 v0, v1;
	_ =	sdelay $0x1  }
0x111: {  	[tilespmem:$0x11080] =	vst v0  }
0x112: {  	v1 =	vld.idx.msk [tilespmem:v9+s12+$0x0], $0xffff;
	_ =	sdelay $0x3  }
0x113: {  	v0 =	vmul.f32 v0, v21  }
0x114: {  	v1 =	vsel vm2, $0x0, v1  }
0x115: {  	v0 =	vadd.f32 v0, v1;
	_ =	sdelay $0x1  }
0x116: {  	[tilespmem:$0x11080] =	vst v0  }
0x117: {  	v1 =	vld.idx.msk [tilespmem:v9+s12+$0x0], $0xffff;
	_ =	sdelay $0x3  }
0x118: {  	v0 =	vmul.f32 v0, v13  }
0x119: {  	v1 =	vsel vm2, $0x0, v1  }
0x11a: {  	v0 =	vadd.f32 v0, v1;
	_ =	sdelay $0x1  }
0x11b: {  	[tilespmem:$0x11110] =	vst v0  }
0x11c: {  	v0 =	vld.idx.msk [tilespmem:v37+s13+$0x0], $0xffff;
	_ =	sdelay $0x4  }
0x11d: {  	[tilespmem:$0x1FFA0] =	vst v0;
	v0 =	vld.idx.msk [tilespmem:v40+s13+$0x0], $0xffff;
	_ =	sdelay $0x4  }
0x11e: {  	[tilespmem:$0x1FF90] =	vst v0;
	v0 =	vld.idx.msk [tilespmem:v38+s13+$0x0], $0xffff;
	_ =	sdelay $0x4  }
0x11f: {  	[tilespmem:$0x1FEF0] =	vst v0;
	v0 =	vld.idx.msk [tilespmem:v36+s13+$0x0], $0xffff;
	_ =	sdelay $0x4  }
0x120: {  	[tilespmem:$0x1FE90] =	vst v0;
	v0 =	vld.idx.msk [tilespmem:v34+s13+$0x0], $0xffff;
	_ =	sdelay $0x4  }
0x121: {  	[tilespmem:$0x1FE00] =	vst v0;
	v0 =	vld.idx.msk [tilespmem:v33+s13+$0x0], $0xffff;
	_ =	sdelay $0x3  }
0x122: {  	v63 =	vld.idx.msk [tilespmem:v30+s13+$0x0], $0xffff  }
0x123: {  	v39 =	vld.idx.msk [tilespmem:v24+s13+$0x0], $0xffff;
	[tilespmem:$0x1FDE0] =	vst v0  }
0x124: {  	v0 =	vld.idx.msk [tilespmem:v31+s13+$0x0], $0xffff;
	[tilespmem:$0x11080] =	vst v43  }
0x125: {  	v1 =	vld.idx.msk [tilespmem:v9+s12+$0x0], $0xffff;
	_ =	sdelay $0x4  }
0x126: {  	v1 =	vsel vm2, $0x0, v1  }
0x127: {  	v1 =	vadd.f32 v1, v44;
	_ =	sdelay $0x1  }
0x128: {  	[tilespmem:$0x11080] =	vst v1  }
0x129: {  	v2 =	vld.idx.msk [tilespmem:v9+s12+$0x0], $0xffff;
	_ =	sdelay $0x3  }
0x12a: {  	v1 =	vmul.f32 v1, v18  }
0x12b: {  	v2 =	vsel vm2, $0x0, v2  }
0x12c: {  	v1 =	vadd.f32 v1, v2;
	_ =	sdelay $0x1  }
0x12d: {  	[tilespmem:$0x11080] =	vst v1  }
0x12e: {  	v2 =	vld.idx.msk [tilespmem:v9+s12+$0x0], $0xffff;
	_ =	sdelay $0x3  }
0x12f: {  	v1 =	vmul.f32 v1, v15  }
0x130: {  	v2 =	vsel vm2, $0x0, v2  }
0x131: {  	v1 =	vadd.f32 v1, v2;
	_ =	sdelay $0x1  }
0x132: {  	[tilespmem:$0x11080] =	vst v1  }
0x133: {  	v2 =	vld.idx.msk [tilespmem:v9+s12+$0x0], $0xffff;
	_ =	sdelay $0x3  }
0x134: {  	v1 =	vmul.f32 v1, v14  }
0x135: {  	v2 =	vsel vm2, $0x0, v2  }
0x136: {  	v1 =	vadd.f32 v1, v2;
	_ =	sdelay $0x1  }
0x137: {  	[tilespmem:$0x11080] =	vst v1  }
0x138: {  	v2 =	vld.idx.msk [tilespmem:v9+s12+$0x0], $0xffff;
	_ =	sdelay $0x3  }
0x139: {  	v1 =	vmul.f32 v1, v19  }
0x13a: {  	v2 =	vsel vm2, $0x0, v2  }
0x13b: {  	v1 =	vadd.f32 v1, v2;
	_ =	sdelay $0x1  }
0x13c: {  	[tilespmem:$0x11080] =	vst v1  }
0x13d: {  	v2 =	vld.idx.msk [tilespmem:v9+s12+$0x0], $0xffff;
	_ =	sdelay $0x3  }
0x13e: {  	v1 =	vmul.f32 v1, v20  }
0x13f: {  	v2 =	vsel vm2, $0x0, v2  }
0x140: {  	v1 =	vadd.f32 v1, v2;
	_ =	sdelay $0x1  }
0x141: {  	[tilespmem:$0x11080] =	vst v1  }
0x142: {  	v2 =	vld.idx.msk [tilespmem:v9+s12+$0x0], $0xffff;
	_ =	sdelay $0x3  }
0x143: {  	v1 =	vmul.f32 v1, v21  }
0x144: {  	v2 =	vsel vm2, $0x0, v2  }
0x145: {  	v1 =	vadd.f32 v1, v2;
	_ =	sdelay $0x1  }
0x146: {  	[tilespmem:$0x11080] =	vst v1  }
0x147: {  	v2 =	vld.idx.msk [tilespmem:v9+s12+$0x0], $0xffff;
	_ =	sdelay $0x3  }
0x148: {  	v1 =	vmul.f32 v1, v13  }
0x149: {  	v2 =	vsel vm2, $0x0, v2  }
0x14a: {  	v1 =	vadd.f32 v1, v2;
	_ =	sdelay $0x1  }
0x14b: {  	[tilespmem:$0x11110] =	vst v1  }
0x14c: {  	[tilespmem:$0x1FD60] =	vst v0;
	v0 =	vld.idx.msk [tilespmem:v37+s13+$0x0], $0xffff;
	_ =	sdelay $0x4  }
0x14d: {  	[tilespmem:$0x1FFC0] =	vst v0;
	v0 =	vld.idx.msk [tilespmem:v40+s13+$0x0], $0xffff;
	_ =	sdelay $0x4  }
0x14e: {  	[tilespmem:$0x1FFB0] =	vst v0;
	v0 =	vld.idx.msk [tilespmem:v38+s13+$0x0], $0xffff;
	_ =	sdelay $0x4  }
0x14f: {  	[tilespmem:$0x1FF30] =	vst v0;
	v0 =	vld.idx.msk [tilespmem:v36+s13+$0x0], $0xffff;
	_ =	sdelay $0x1  }
0x150: {  	v61 =	vld.idx.msk [tilespmem:v33+s13+$0x0], $0xffff  }
0x151: {  	v59 =	vld.idx.msk [tilespmem:v31+s13+$0x0], $0xffff  }
0x152: {  	v45 =	vld.idx.msk [tilespmem:v30+s13+$0x0], $0xffff  }
0x153: {  	v50 =	vld.idx.msk [tilespmem:v24+s13+$0x0], $0xffff;
	[tilespmem:$0x1FEC0] =	vst v0  }
0x154: {  	v0 =	vld.idx.msk [tilespmem:v34+s13+$0x0], $0xffff;
	[tilespmem:$0x11080] =	vst v43  }
0x155: {  	v1 =	vld.idx.msk [tilespmem:v9+s12+$0x0], $0xffff;
	_ =	sdelay $0x4  }
0x156: {  	v1 =	vsel vm2, $0x0, v1  }
0x157: {  	v1 =	vadd.f32 v1, v44;
	_ =	sdelay $0x1  }
0x158: {  	[tilespmem:$0x11080] =	vst v1  }
0x159: {  	v2 =	vld.idx.msk [tilespmem:v9+s12+$0x0], $0xffff;
	_ =	sdelay $0x3  }
0x15a: {  	v1 =	vmul.f32 v1, v18  }
0x15b: {  	v2 =	vsel vm2, $0x0, v2  }
0x15c: {  	v1 =	vadd.f32 v1, v2;
	_ =	sdelay $0x1  }
0x15d: {  	[tilespmem:$0x11080] =	vst v1  }
0x15e: {  	v2 =	vld.idx.msk [tilespmem:v9+s12+$0x0], $0xffff;
	_ =	sdelay $0x3  }
0x15f: {  	v1 =	vmul.f32 v1, v15  }
0x160: {  	v2 =	vsel vm2, $0x0, v2  }
0x161: {  	v1 =	vadd.f32 v1, v2;
	_ =	sdelay $0x1  }
0x162: {  	[tilespmem:$0x11080] =	vst v1  }
0x163: {  	v2 =	vld.idx.msk [tilespmem:v9+s12+$0x0], $0xffff;
	_ =	sdelay $0x3  }
0x164: {  	v1 =	vmul.f32 v1, v14  }
0x165: {  	v2 =	vsel vm2, $0x0, v2  }
0x166: {  	v1 =	vadd.f32 v1, v2;
	_ =	sdelay $0x1  }
0x167: {  	[tilespmem:$0x11080] =	vst v1  }
0x168: {  	v2 =	vld.idx.msk [tilespmem:v9+s12+$0x0], $0xffff;
	_ =	sdelay $0x3  }
0x169: {  	v1 =	vmul.f32 v1, v16  }
0x16a: {  	v2 =	vsel vm2, $0x0, v2  }
0x16b: {  	v1 =	vadd.f32 v1, v2;
	_ =	sdelay $0x1  }
0x16c: {  	[tilespmem:$0x11080] =	vst v1  }
0x16d: {  	v2 =	vld.idx.msk [tilespmem:v9+s12+$0x0], $0xffff;
	_ =	sdelay $0x3  }
0x16e: {  	v1 =	vmul.f32 v1, v20  }
0x16f: {  	v2 =	vsel vm2, $0x0, v2  }
0x170: {  	v1 =	vadd.f32 v1, v2;
	_ =	sdelay $0x1  }
0x171: {  	[tilespmem:$0x11080] =	vst v1  }
0x172: {  	v2 =	vld.idx.msk [tilespmem:v9+s12+$0x0], $0xffff;
	_ =	sdelay $0x3  }
0x173: {  	v1 =	vmul.f32 v1, v21  }
0x174: {  	v2 =	vsel vm2, $0x0, v2  }
0x175: {  	v1 =	vadd.f32 v1, v2;
	_ =	sdelay $0x1  }
0x176: {  	[tilespmem:$0x11080] =	vst v1  }
0x177: {  	v2 =	vld.idx.msk [tilespmem:v9+s12+$0x0], $0xffff;
	_ =	sdelay $0x3  }
0x178: {  	v1 =	vmul.f32 v1, v13  }
0x179: {  	v2 =	vsel vm2, $0x0, v2  }
0x17a: {  	v1 =	vadd.f32 v1, v2;
	_ =	sdelay $0x1  }
0x17b: {  	[tilespmem:$0x11110] =	vst v1  }
0x17c: {  	[tilespmem:$0x1FE10] =	vst v0;
	v0 =	vld.idx.msk [tilespmem:v37+s13+$0x0], $0xffff;
	_ =	sdelay $0x4  }
0x17d: {  	[tilespmem:$0x1FFE0] =	vst v0;
	v0 =	vld.idx.msk [tilespmem:v40+s13+$0x0], $0xffff;
	_ =	sdelay $0x4  }
0x17e: {  	[tilespmem:$0x1FFD0] =	vst v0;
	v0 =	vld.idx.msk [tilespmem:v38+s13+$0x0], $0xffff  }
0x17f: {  	v57 =	vld.idx.msk [tilespmem:v34+s13+$0x0], $0xffff  }
0x180: {  	v46 =	vld.idx.msk [tilespmem:v33+s13+$0x0], $0xffff  }
0x181: {  	v48 =	vld.idx.msk [tilespmem:v31+s13+$0x0], $0xffff  }
0x182: {  	v52 =	vld.idx.msk [tilespmem:v30+s13+$0x0], $0xffff  }
0x183: {  	v32 =	vld.idx.msk [tilespmem:v24+s13+$0x0], $0xffff;
	[tilespmem:$0x1FF80] =	vst v0  }
0x184: {  	v0 =	vld.idx.msk [tilespmem:v36+s13+$0x0], $0xffff;
	[tilespmem:$0x11080] =	vst v43  }
0x185: {  	v1 =	vld.idx.msk [tilespmem:v9+s12+$0x0], $0xffff;
	_ =	sdelay $0x4  }
0x186: {  	v1 =	vsel vm2, $0x0, v1  }
0x187: {  	v1 =	vadd.f32 v1, v44;
	_ =	sdelay $0x1  }
0x188: {  	[tilespmem:$0x11080] =	vst v1  }
0x189: {  	v3 =	vld.idx.msk [tilespmem:v9+s12+$0x0], $0xffff;
	_ =	sdelay $0x3  }
0x18a: {  	v1 =	vmul.f32 v1, v18  }
0x18b: {  	v3 =	vsel vm2, $0x0, v3  }
0x18c: {  	v1 =	vadd.f32 v1, v3;
	_ =	sdelay $0x1  }
0x18d: {  	[tilespmem:$0x11080] =	vst v1  }
0x18e: {  	v3 =	vld.idx.msk [tilespmem:v9+s12+$0x0], $0xffff;
	_ =	sdelay $0x3  }
0x18f: {  	v1 =	vmul.f32 v1, v15  }
0x190: {  	v3 =	vsel vm2, $0x0, v3  }
0x191: {  	v1 =	vadd.f32 v1, v3;
	_ =	sdelay $0x1  }
0x192: {  	[tilespmem:$0x11080] =	vst v1  }
0x193: {  	v3 =	vld.idx.msk [tilespmem:v9+s12+$0x0], $0xffff;
	_ =	sdelay $0x3  }
0x194: {  	v1 =	vmul.f32 v1, v14  }
0x195: {  	v3 =	vsel vm2, $0x0, v3  }
0x196: {  	v1 =	vadd.f32 v1, v3;
	_ =	sdelay $0x1  }
0x197: {  	[tilespmem:$0x11080] =	vst v1  }
0x198: {  	v3 =	vld.idx.msk [tilespmem:v9+s12+$0x0], $0xffff;
	_ =	sdelay $0x3  }
0x199: {  	v1 =	vmul.f32 v1, v16  }
0x19a: {  	v3 =	vsel vm2, $0x0, v3  }
0x19b: {  	v1 =	vadd.f32 v1, v3;
	_ =	sdelay $0x1  }
0x19c: {  	[tilespmem:$0x11080] =	vst v1  }
0x19d: {  	v3 =	vld.idx.msk [tilespmem:v9+s12+$0x0], $0xffff;
	_ =	sdelay $0x3  }
0x19e: {  	v1 =	vmul.f32 v1, v19  }
0x19f: {  	v3 =	vsel vm2, $0x0, v3  }
0x1a0: {  	v1 =	vadd.f32 v1, v3;
	_ =	sdelay $0x1  }
0x1a1: {  	[tilespmem:$0x11080] =	vst v1  }
0x1a2: {  	v3 =	vld.idx.msk [tilespmem:v9+s12+$0x0], $0xffff;
	_ =	sdelay $0x3  }
0x1a3: {  	v1 =	vmul.f32 v1, v21  }
0x1a4: {  	v3 =	vsel vm2, $0x0, v3  }
0x1a5: {  	v1 =	vadd.f32 v1, v3;
	_ =	sdelay $0x1  }
0x1a6: {  	[tilespmem:$0x11080] =	vst v1  }
0x1a7: {  	v3 =	vld.idx.msk [tilespmem:v9+s12+$0x0], $0xffff;
	_ =	sdelay $0x3  }
0x1a8: {  	v1 =	vmul.f32 v1, v13  }
0x1a9: {  	v3 =	vsel vm2, $0x0, v3  }
0x1aa: {  	v1 =	vadd.f32 v1, v3;
	_ =	sdelay $0x1  }
0x1ab: {  	[tilespmem:$0x11110] =	vst v1  }
0x1ac: {  	[tilespmem:$0x1FF00] =	vst v0;
	v0 =	vld.idx.msk [tilespmem:v37+s13+$0x0], $0xffff  }
0x1ad: {  	v62 =	vld.idx.msk [tilespmem:v40+s13+$0x0], $0xffff  }
0x1ae: {  	v60 =	vld.idx.msk [tilespmem:v38+s13+$0x0], $0xffff  }
0x1af: {  	v58 =	vld.idx.msk [tilespmem:v36+s13+$0x0], $0xffff  }
0x1b0: {  	v51 =	vld.idx.msk [tilespmem:v34+s13+$0x0], $0xffff  }
0x1b1: {  	v53 =	vld.idx.msk [tilespmem:v33+s13+$0x0], $0xffff  }
0x1b2: {  	v35 =	vld.idx.msk [tilespmem:v31+s13+$0x0], $0xffff  }
0x1b3: {  	v27 =	vld.idx.msk [tilespmem:v30+s13+$0x0], $0xffff  }
0x1b4: {  	v55 =	vld.idx.msk [tilespmem:v24+s13+$0x0], $0xffff;
	[tilespmem:$0x11080] =	vst v43  }
0x1b5: {  	v3 =	vld.idx.msk [tilespmem:v9+s12+$0x0], $0xffff;
	_ =	sdelay $0x4  }
0x1b6: {  	v3 =	vsel vm2, $0x0, v3  }
0x1b7: {  	v3 =	vadd.f32 v3, v44;
	_ =	sdelay $0x1  }
0x1b8: {  	[tilespmem:$0x11080] =	vst v3  }
0x1b9: {  	v5 =	vld.idx.msk [tilespmem:v9+s12+$0x0], $0xffff;
	_ =	sdelay $0x3  }
0x1ba: {  	v3 =	vmul.f32 v3, v18  }
0x1bb: {  	v5 =	vsel vm2, $0x0, v5  }
0x1bc: {  	v3 =	vadd.f32 v3, v5;
	_ =	sdelay $0x1  }
0x1bd: {  	[tilespmem:$0x11080] =	vst v3  }
0x1be: {  	v5 =	vld.idx.msk [tilespmem:v9+s12+$0x0], $0xffff;
	_ =	sdelay $0x3  }
0x1bf: {  	v3 =	vmul.f32 v3, v15  }
0x1c0: {  	v5 =	vsel vm2, $0x0, v5  }
0x1c1: {  	v3 =	vadd.f32 v3, v5;
	_ =	sdelay $0x1  }
0x1c2: {  	[tilespmem:$0x11080] =	vst v3  }
0x1c3: {  	v5 =	vld.idx.msk [tilespmem:v9+s12+$0x0], $0xffff;
	_ =	sdelay $0x3  }
0x1c4: {  	v3 =	vmul.f32 v3, v14  }
0x1c5: {  	v5 =	vsel vm2, $0x0, v5  }
0x1c6: {  	v3 =	vadd.f32 v3, v5;
	_ =	sdelay $0x1  }
0x1c7: {  	[tilespmem:$0x11080] =	vst v3  }
0x1c8: {  	v5 =	vld.idx.msk [tilespmem:v9+s12+$0x0], $0xffff;
	_ =	sdelay $0x3  }
0x1c9: {  	v3 =	vmul.f32 v3, v16  }
0x1ca: {  	v5 =	vsel vm2, $0x0, v5  }
0x1cb: {  	v3 =	vadd.f32 v3, v5;
	_ =	sdelay $0x1  }
0x1cc: {  	[tilespmem:$0x11080] =	vst v3  }
0x1cd: {  	v5 =	vld.idx.msk [tilespmem:v9+s12+$0x0], $0xffff;
	_ =	sdelay $0x3  }
0x1ce: {  	v3 =	vmul.f32 v3, v19  }
0x1cf: {  	v5 =	vsel vm2, $0x0, v5  }
0x1d0: {  	v3 =	vadd.f32 v3, v5;
	_ =	sdelay $0x1  }
0x1d1: {  	[tilespmem:$0x11080] =	vst v3  }
0x1d2: {  	v5 =	vld.idx.msk [tilespmem:v9+s12+$0x0], $0xffff;
	_ =	sdelay $0x3  }
0x1d3: {  	v3 =	vmul.f32 v3, v20  }
0x1d4: {  	v5 =	vsel vm2, $0x0, v5  }
0x1d5: {  	v3 =	vadd.f32 v3, v5;
	_ =	sdelay $0x1  }
0x1d6: {  	[tilespmem:$0x11080] =	vst v3  }
0x1d7: {  	v5 =	vld.idx.msk [tilespmem:v9+s12+$0x0], $0xffff;
	_ =	sdelay $0x3  }
0x1d8: {  	v3 =	vmul.f32 v3, v13  }
0x1d9: {  	v5 =	vsel vm2, $0x0, v5  }
0x1da: {  	v3 =	vadd.f32 v3, v5;
	_ =	sdelay $0x1  }
0x1db: {  	[tilespmem:$0x11110] =	vst v3  }
0x1dc: {  	v41 =	vld.idx.msk [tilespmem:v37+s13+$0x0], $0xffff  }
0x1dd: {  	v42 =	vld.idx.msk [tilespmem:v40+s13+$0x0], $0xffff  }
0x1de: {  	v47 =	vld.idx.msk [tilespmem:v38+s13+$0x0], $0xffff  }
0x1df: {  	v49 =	vld.idx.msk [tilespmem:v36+s13+$0x0], $0xffff  }
0x1e0: {  	v28 =	vld.idx.msk [tilespmem:v34+s13+$0x0], $0xffff  }
0x1e1: {  	v26 =	vld.idx.msk [tilespmem:v33+s13+$0x0], $0xffff  }
0x1e2: {  	v25 =	vld.idx.msk [tilespmem:v31+s13+$0x0], $0xffff  }
0x1e3: {  	v54 =	vld.idx.msk [tilespmem:v30+s13+$0x0], $0xffff  }
0x1e4: {  	v23 =	vld.idx.msk [tilespmem:v24+s13+$0x0], $0xffff;
	[tilespmem:$0x11080] =	vst v43  }
0x1e5: {  	v6 =	vld.idx.msk [tilespmem:v9+s12+$0x0], $0xffff;
	_ =	sdelay $0x4  }
0x1e6: {  	v6 =	vsel vm2, $0x0, v6  }
0x1e7: {  	v6 =	vadd.f32 v6, v44;
	_ =	sdelay $0x1  }
0x1e8: {  	[tilespmem:$0x11080] =	vst v6  }
0x1e9: {  	v8 =	vld.idx.msk [tilespmem:v9+s12+$0x0], $0xffff;
	_ =	sdelay $0x3  }
0x1ea: {  	v6 =	vmul.f32 v6, v18  }
0x1eb: {  	v8 =	vsel vm2, $0x0, v8  }
0x1ec: {  	v6 =	vadd.f32 v6, v8;
	_ =	sdelay $0x1  }
0x1ed: {  	[tilespmem:$0x11080] =	vst v6  }
0x1ee: {  	v8 =	vld.idx.msk [tilespmem:v9+s12+$0x0], $0xffff;
	_ =	sdelay $0x3  }
0x1ef: {  	v6 =	vmul.f32 v6, v15  }
0x1f0: {  	v8 =	vsel vm2, $0x0, v8  }
0x1f1: {  	v6 =	vadd.f32 v6, v8;
	_ =	sdelay $0x1  }
0x1f2: {  	[tilespmem:$0x11080] =	vst v6  }
0x1f3: {  	v8 =	vld.idx.msk [tilespmem:v9+s12+$0x0], $0xffff;
	_ =	sdelay $0x3  }
0x1f4: {  	v6 =	vmul.f32 v6, v14  }
0x1f5: {  	v8 =	vsel vm2, $0x0, v8  }
0x1f6: {  	v6 =	vadd.f32 v6, v8;
	_ =	sdelay $0x1  }
0x1f7: {  	[tilespmem:$0x11080] =	vst v6  }
0x1f8: {  	v8 =	vld.idx.msk [tilespmem:v9+s12+$0x0], $0xffff;
	_ =	sdelay $0x3  }
0x1f9: {  	v6 =	vmul.f32 v6, v16  }
0x1fa: {  	v8 =	vsel vm2, $0x0, v8  }
0x1fb: {  	v6 =	vadd.f32 v6, v8;
	_ =	sdelay $0x1  }
0x1fc: {  	v2 =	vld [tilespmem:$0x10180];
	[tilespmem:$0x11080] =	vst v6  }
0x1fd: {  	v44 =	vld.idx.msk [tilespmem:v9+s12+$0x0], $0xffff  }
0x1fe: {  	v1 =	vld [tilespmem:$0x10100]  }
0x1ff: {  	v43 =	vld [tilespmem:$0x10080]  }
0x200: {  	v8 =	vld [tilespmem:$0x10000]  }
0x201: {  	[tilespmem:$0x1FFF0] =	vst v0;
	v0 =	vld [tilespmem:$0x10580];
	v6 =	vmul.f32 v6, v19  }
0x202: {  	v44 =	vsel vm2, $0x0, v44  }
0x203: {  	v6 =	vadd.f32 v6, v44  }
0x204: {  	v22 =	vld [tilespmem:$0x10480];
	v44 =	vsub.f32 v43, v1;
	v1 =	vsub.f32 v1, v2  }
0x205: {  	v5 =	vld [tilespmem:$0x10200];
	v8 =	vsub.f32 v8, v43  }
0x206: {  	v7 =	vmul.f32 v1, v0;
	v1 =	vld [tilespmem:$0x1FCD0]  }
0x207: {  	v8 =	vmul.f32 v8, v0  }
0x208: {  	[tilespmem:$0x11080] =	vst v6  }
0x209: {  	v43 =	vmul.f32 v8, v17;
	v8 =	vmul.f32 v22, v0;
	v10 =	vld.idx.msk [tilespmem:v9+s12+$0x0], $0xffff  }
0x20a: {  	v4 =	vld [tilespmem:$0x10280];
	v44 =	vmul.f32 v44, v0  }
0x20b: {  	v2 =	vsub.f32 v2, v5;
	v3 =	vmul.f32 v1, v8;
	v1 =	vmul.f32 v56, v43  }
0x20c: {  	v56 =	vmul.f32 v44, v18;
	v44 =	vld [tilespmem:$0x10300]  }
0x20d: {  	v6 =	vmul.f32 v6, v20;
	v2 =	vmul.f32 v2, v0;
	v3 =	vadd.f32 v1, v3  }
0x20e: {  	v1 =	vmul.f32 v7, v15;
	v7 =	vsel vm2, $0x0, v10;
	v10 =	vmul.f32 v11, v56  }
0x20f: {  	v5 =	vsub.f32 v5, v4;
	v11 =	vld [tilespmem:$0x10380];
	v7 =	vadd.f32 v6, v7  }
0x210: {  	v6 =	vmul.f32 v2, v14;
	v3 =	vadd.f32 v10, v3;
	v2 =	vmul.f32 v29, v1;
	v10 =	vld [tilespmem:$0x10400]  }
0x211: {  	v5 =	vmul.f32 v5, v0;
	v4 =	vsub.f32 v4, v44  }
0x212: {  	v2 =	vadd.f32 v2, v3;
	v3 =	vmul.f32 v39, v6  }
0x213: {  	v39 =	vmul.f32 v5, v16;
	v4 =	vmul.f32 v4, v0  }
0x214: {  	v29 =	vsub.f32 v44, v11;
	v2 =	vadd.f32 v3, v2  }
0x215: {  	v3 =	vmul.f32 v4, v19;
	v4 =	vsub.f32 v11, v10;
	v11 =	vmul.f32 v50, v39  }
0x216: {  	v10 =	vsub.f32 v10, v22;
	v22 =	vmul.f32 v29, v0;
	v29 =	vld [tilespmem:$0x1FCF0]  }
0x217: {  	[tilespmem:$0x11080] =	vst v7;
	v2 =	vadd.f32 v11, v2;
	v11 =	vld [tilespmem:$0x1FCE0]  }
0x218: {  	v5 =	vld.idx.msk [tilespmem:v9+s12+$0x0], $0xffff;
	_ =	sdelay $0x2  }
0x219: {  	v7 =	vmul.f32 v7, v21  }
0x21a: {  	v50 =	vmul.f32 v29, v43;
	v11 =	vmul.f32 v11, v8  }
0x21b: {  	v5 =	vsel vm2, $0x0, v5  }
0x21c: {  	v5 =	vadd.f32 v7, v5;
	v7 =	vadd.f32 v50, v11;
	v11 =	vld [tilespmem:$0x1FD00];
	_ =	sdelay $0x1  }
0x21d: {  	v29 =	vmul.f32 v22, v20;
	v22 =	vmul.f32 v32, v3;
	_ =	sdelay $0x1  }
0x21e: {  	v2 =	vadd.f32 v22, v2;
	v22 =	vmul.f32 v55, v29  }
0x21f: {  	v11 =	vmul.f32 v11, v56  }
0x220: {  	v4 =	vmul.f32 v4, v0;
	v0 =	vmul.f32 v10, v0;
	v10 =	vadd.f32 v22, v2;
	v2 =	vld [tilespmem:$0x1FD20]  }
0x221: {  	[tilespmem:$0x11110] =	vst v5;
	v5 =	vadd.f32 v11, v7;
	v7 =	vld [tilespmem:$0x1FD10]  }
0x222: {  	v11 =	vld [tilespmem:$0x1FD30];
	_ =	sdelay $0x3  }
0x223: {  	v2 =	vmul.f32 v2, v8  }
0x224: {  	v7 =	vmul.f32 v7, v1;
	v11 =	vmul.f32 v11, v43;
	_ =	sdelay $0x1  }
0x225: {  	v5 =	vadd.f32 v7, v5;
	v7 =	vadd.f32 v11, v2;
	v2 =	vmul.f32 v0, v13;
	v0 =	vld [tilespmem:$0x1FD40];
	_ =	sdelay $0x2  }
0x226: {  	v22 =	vld.idx.msk [tilespmem:v24+s13+$0x0], $0xffff  }
0x227: {  	v24 =	vmul.f32 v4, v21;
	v4 =	vmul.f32 v63, v6  }
0x228: {  	v0 =	vmul.f32 v0, v56  }
0x229: {  	v11 =	vmul.f32 v45, v39;
	v4 =	vadd.f32 v4, v5;
	v5 =	vmul.f32 v23, v24  }
0x22a: {  	v0 =	vadd.f32 v0, v7;
	v7 =	vld [tilespmem:$0x1FD50]  }
0x22b: {  	v5 =	vadd.f32 v5, v10;
	v4 =	vadd.f32 v11, v4;
	v10 =	vmul.f32 v22, v2;
	v11 =	vld [tilespmem:$0x1FD60]  }
0x22c: {  	v22 =	vld [tilespmem:$0x1FD80]  }
0x22d: {  	v5 =	vadd.f32 v10, v5;
	v10 =	vld [tilespmem:$0x1FD70];
	_ =	sdelay $0x1  }
0x22e: {  	v7 =	vmul.f32 v7, v1;
	_ =	sdelay $0x1  }
0x22f: {  	v11 =	vmul.f32 v11, v6;
	v0 =	vadd.f32 v7, v0;
	v7 =	vmul.f32 v52, v3  }
0x230: {  	v22 =	vmul.f32 v22, v43;
	v10 =	vmul.f32 v10, v8  }
0x231: {  	v23 =	vld [tilespmem:$0x1FDB0];
	v4 =	vadd.f32 v7, v4;
	v0 =	vadd.f32 v11, v0;
	v7 =	vmul.f32 v59, v39  }
0x232: {  	v10 =	vadd.f32 v22, v10;
	v22 =	vld [tilespmem:$0x1FD90]  }
0x233: {  	v11 =	vmul.f32 v27, v29;
	v0 =	vadd.f32 v7, v0;
	v7 =	vld [tilespmem:$0x1FDA0]  }
0x234: {  	v27 =	vld [tilespmem:$0x1FDC0]  }
0x235: {  	v4 =	vadd.f32 v11, v4;
	v11 =	vld [tilespmem:$0x1FDD0];
	_ =	sdelay $0x1  }
0x236: {  	v22 =	vmul.f32 v22, v56  }
0x237: {  	v23 =	vmul.f32 v23, v43;
	v7 =	vmul.f32 v7, v8  }
0x238: {  	v10 =	vadd.f32 v22, v10  }
0x239: {  	v27 =	vmul.f32 v27, v1;
	v11 =	vmul.f32 v11, v56;
	v7 =	vadd.f32 v23, v7  }
0x23a: {  	v22 =	vmul.f32 v48, v3  }
0x23b: {  	v10 =	vadd.f32 v27, v10;
	v27 =	vld [tilespmem:$0x1FDF0];
	v7 =	vadd.f32 v11, v7;
	v11 =	vmul.f32 v54, v24  }
0x23c: {  	v0 =	vadd.f32 v22, v0;
	v22 =	vld [tilespmem:$0x1FDE0]  }
0x23d: {  	v4 =	vadd.f32 v11, v4;
	v11 =	vld [tilespmem:$0x1FE00];
	_ =	sdelay $0x1  }
0x23e: {  	v23 =	vld.idx.msk [tilespmem:v30+s13+$0x0], $0xffff  }
0x23f: {  	v27 =	vmul.f32 v27, v1  }
0x240: {  	v22 =	vmul.f32 v22, v6  }
0x241: {  	v7 =	vadd.f32 v27, v7;
	v11 =	vmul.f32 v11, v6  }
0x242: {  	v30 =	vmul.f32 v61, v39;
	v10 =	vadd.f32 v22, v10  }
0x243: {  	v22 =	vmul.f32 v35, v29;
	v7 =	vadd.f32 v11, v7;
	v11 =	vmul.f32 v23, v2;
	v23 =	vld [tilespmem:$0x1FE10]  }
0x244: {  	v27 =	vld.idx.msk [tilespmem:v31+s13+$0x0], $0xffff  }
0x245: {  	v0 =	vadd.f32 v22, v0;
	v10 =	vadd.f32 v30, v10;
	v22 =	vmul.f32 v46, v3;
	_ =	sdelay $0x1  }
0x246: {  	v10 =	vadd.f32 v22, v10;
	v22 =	vmul.f32 v25, v24  }
0x247: {  	v23 =	vmul.f32 v23, v39  }
0x248: {  	v25 =	vmul.f32 v53, v29;
	v0 =	vadd.f32 v22, v0;
	v22 =	vmul.f32 v27, v2  }
0x249: {  	v4 =	vadd.f32 v11, v4;
	v11 =	vmul.f32 v57, v3;
	v7 =	vadd.f32 v23, v7  }
0x24a: {  	v10 =	vadd.f32 v25, v10;
	v27 =	vld [tilespmem:$0x1FE30]  }
0x24b: {  	v25 =	vmul.f32 v51, v29;
	v0 =	vadd.f32 v22, v0;
	v22 =	vld [tilespmem:$0x1FE20];
	v7 =	vadd.f32 v11, v7;
	_ =	sdelay $0x1  }
0x24c: {  	v7 =	vadd.f32 v25, v7;
	v25 =	vld [tilespmem:$0x1FE40];
	_ =	sdelay $0x1  }
0x24d: {  	v11 =	vmul.f32 v26, v24;
	v26 =	vld.idx.msk [tilespmem:v34+s13+$0x0], $0xffff  }
0x24e: {  	v27 =	vmul.f32 v27, v43;
	v22 =	vmul.f32 v22, v8;
	_ =	sdelay $0x1  }
0x24f: {  	v23 =	vld.idx.msk [tilespmem:v33+s13+$0x0], $0xffff;
	v22 =	vadd.f32 v27, v22;
	v25 =	vmul.f32 v25, v56;
	_ =	sdelay $0x1  }
0x250: {  	v22 =	vadd.f32 v25, v22;
	v25 =	vmul.f32 v26, v2;
	v26 =	vld [tilespmem:$0x1FE70]  }
0x251: {  	v10 =	vadd.f32 v11, v10;
	v11 =	vmul.f32 v28, v24  }
0x252: {  	v27 =	vld [tilespmem:$0x1FE60]  }
0x253: {  	v23 =	vmul.f32 v23, v2;
	v7 =	vadd.f32 v11, v7;
	v11 =	vld [tilespmem:$0x1FE50];
	_ =	sdelay $0x1  }
0x254: {  	v10 =	vadd.f32 v23, v10;
	v23 =	vld [tilespmem:$0x1FE80];
	v26 =	vmul.f32 v26, v1;
	_ =	sdelay $0x1  }
0x255: {  	v22 =	vadd.f32 v26, v22;
	v26 =	vld [tilespmem:$0x1FEB0]  }
0x256: {  	v27 =	vmul.f32 v27, v43;
	v11 =	vmul.f32 v11, v8;
	_ =	sdelay $0x1  }
0x257: {  	v23 =	vmul.f32 v23, v56;
	v11 =	vadd.f32 v27, v11;
	_ =	sdelay $0x1  }
0x258: {  	v27 =	vld [tilespmem:$0x1FED0];
	v11 =	vadd.f32 v23, v11;
	v26 =	vmul.f32 v26, v1  }
0x259: {  	v23 =	vld [tilespmem:$0x1FEA0]  }
0x25a: {  	v11 =	vadd.f32 v26, v11;
	v26 =	vld [tilespmem:$0x1FEE0];
	_ =	sdelay $0x3  }
0x25b: {  	v7 =	vadd.f32 v25, v7;
	v25 =	vld [tilespmem:$0x1FE90];
	v27 =	vmul.f32 v27, v8  }
0x25c: {  	v23 =	vmul.f32 v23, v8;
	v8 =	vmul.f32 v26, v8;
	v26 =	vld [tilespmem:$0x1FEF0];
	_ =	sdelay $0x3  }
0x25d: {  	v25 =	vmul.f32 v25, v6  }
0x25e: {  	v26 =	vmul.f32 v26, v6  }
0x25f: {  	v22 =	vadd.f32 v25, v22;
	v25 =	vld [tilespmem:$0x1FEC0]  }
0x260: {  	v11 =	vadd.f32 v26, v11;
	v26 =	vld [tilespmem:$0x1FF20];
	_ =	sdelay $0x3  }
0x261: {  	v25 =	vmul.f32 v25, v39  }
0x262: {  	v28 =	vld [tilespmem:$0x1FF10];
	v26 =	vmul.f32 v26, v43  }
0x263: {  	v22 =	vadd.f32 v25, v22;
	v25 =	vld [tilespmem:$0x1FF00]  }
0x264: {  	v8 =	vadd.f32 v26, v8;
	v26 =	vld [tilespmem:$0x1FF50];
	_ =	sdelay $0x3  }
0x265: {  	v28 =	vmul.f32 v28, v43;
	v25 =	vmul.f32 v25, v3  }
0x266: {  	v26 =	vmul.f32 v26, v56  }
0x267: {  	v22 =	vadd.f32 v25, v22;
	v25 =	vadd.f32 v28, v27;
	v28 =	vld [tilespmem:$0x1FF60]  }
0x268: {  	v8 =	vadd.f32 v26, v8;
	v26 =	vld [tilespmem:$0x1FF70]  }
0x269: {  	v27 =	vld [tilespmem:$0x1FF40];
	_ =	sdelay $0x1  }
0x26a: {  	v30 =	vld [tilespmem:$0x1FF30];
	_ =	sdelay $0x1  }
0x26b: {  	v28 =	vmul.f32 v28, v1;
	v1 =	vmul.f32 v26, v1;
	v26 =	vld [tilespmem:$0x1FF80]  }
0x26c: {  	v27 =	vmul.f32 v27, v56;
	_ =	sdelay $0x1  }
0x26d: {  	v30 =	vmul.f32 v30, v39;
	v25 =	vadd.f32 v27, v25;
	v27 =	vmul.f32 v58, v29;
	_ =	sdelay $0x1  }
0x26e: {  	v11 =	vadd.f32 v30, v11;
	v22 =	vadd.f32 v27, v22;
	v27 =	vld [tilespmem:$0x1FF90];
	v26 =	vmul.f32 v26, v3  }
0x26f: {  	v1 =	vadd.f32 v1, v8;
	v8 =	vld [tilespmem:$0x1FFA0]  }
0x270: {  	v11 =	vadd.f32 v26, v11;
	v26 =	vmul.f32 v49, v24  }
0x271: {  	v30 =	vld [tilespmem:$0x1FFC0];
	v25 =	vadd.f32 v28, v25;
	v28 =	vmul.f32 v60, v29  }
0x272: {  	v22 =	vadd.f32 v26, v22;
	v26 =	vld [tilespmem:$0x1FFD0]  }
0x273: {  	v27 =	vmul.f32 v27, v6;
	v11 =	vadd.f32 v28, v11;
	v28 =	vld [tilespmem:$0x1FFE0]  }
0x274: {  	v6 =	vmul.f32 v8, v6  }
0x275: {  	v8 =	vadd.f32 v27, v25;
	v27 =	vld [tilespmem:$0x1FFB0]  }
0x276: {  	v30 =	vmul.f32 v30, v39;
	v1 =	vadd.f32 v6, v1;
	_ =	sdelay $0x1  }
0x277: {  	v1 =	vadd.f32 v30, v1;
	v26 =	vmul.f32 v26, v3;
	v3 =	vmul.f32 v28, v3  }
0x278: {  	v25 =	vld.idx.msk [tilespmem:v36+s13+$0x0], $0xffff  }
0x279: {  	v27 =	vmul.f32 v27, v39;
	v1 =	vadd.f32 v3, v1;
	v3 =	vld [tilespmem:$0x1FFF0]  }
0x27a: {  	v31 =	vld.idx.msk [tilespmem:v38+s13+$0x0], $0xffff  }
0x27b: {  	v6 =	vld.idx.msk [tilespmem:v37+s13+$0x0], $0xffff;
	v8 =	vadd.f32 v27, v8  }
0x27c: {  	v27 =	vld.idx.msk [tilespmem:v40+s13+$0x0], $0xffff  }
0x27d: {  	[tilespmem:$0x10800] =	vst v23;
	v23 =	vmul.f32 v47, v24;
	v8 =	vadd.f32 v26, v8;
	v26 =	vmul.f32 v62, v29  }
0x27e: {  	[tilespmem:$0x10880] =	vst v5;
	v5 =	vmul.f32 v25, v2;
	v3 =	vmul.f32 v3, v29  }
0x27f: {  	[tilespmem:$0x10900] =	vst v4;
	v4 =	vadd.f32 v23, v11;
	v11 =	vmul.f32 v42, v24;
	v8 =	vadd.f32 v26, v8  }
0x280: {  	[tilespmem:$0x10980] =	vst v0;
	v0 =	vmul.f32 v31, v2;
	v1 =	vadd.f32 v3, v1;
	v3 =	vmul.f32 v41, v24  }
0x281: {  	[tilespmem:$0x10A00] =	vst v10;
	v5 =	vadd.f32 v5, v22;
	v10 =	vmul.f32 v27, v2;
	v8 =	vadd.f32 v11, v8  }
0x282: {  	[tilespmem:$0x10A80] =	vst v7;
	v0 =	vadd.f32 v0, v4;
	v2 =	vmul.f32 v6, v2;
	v1 =	vadd.f32 v3, v1  }
0x283: {  	[tilespmem:$0x10B00] =	vst v5;
	v3 =	vadd.f32 v10, v8  }
0x284: {  	[tilespmem:$0x10B80] =	vst v0;
	v0 =	vadd.f32 v2, v1  }
0x285: {  	[tilespmem:$0x10C00] =	vst v3  }
0x286: {  	[tilespmem:$0x10C80] =	vst v0  }
0x287: {  	_ =	swait.ge [sflag:s14], $0x8000  }
0x288: {  	[sflag:s14] =	ssyncset.done $0x0  }
0x289: {  	[sflag:s14] =	ssyncadd.s32 $0xFFFF8000  }
0x28a: {  	_ =	swait.ge [sflag:s15], $0x8000  }
0x28b: {  	[sflag:s15] =	ssyncset.done $0x0  }
0x28c: {  	s29 =	simm.s32 $0x10;
	[sflag:s15] =	ssyncadd.s32 $0xFFFF8000  }
0x28d: {  	v0 =	vld [tilespmem:s29+$0x0]  }
0x28e: {  	v1 =	vld [tilespmem:s29+$0xFFFFFFF0];
	_ =	sdelay $0x3  }
0x28f: {  	s29 =	simm.s32 $0x8010;
	v0 =	vmul.f32 $1.442695020e+00, v0  }
0x290: {  	v2 =	vld [tilespmem:s29+$0xFFFFFFF0];
	v1 =	vmul.f32 $1.442695020e+00, v1  }
0x291: {  	(erf) = vpow2.f32 v0  }
0x292: {  	(erf) = vpow2.f32 v1  }
0x293: {  	v1 =	vld [tilespmem:s29+$0x0];
	_ =	sdelay $0x2  }
0x294: {  	s29 =	simm.s32 $0x30  }
0x295: {  	v48 =	vld [tilespmem:s29+$0x0]  }
0x296: {  	v0 =	vld.idx.msk [tilespmem:v2+s16+$0x0], $0xffff  }
0x297: {  	v4 =	vld.idx.msk [tilespmem:v2+s17+$0x0], $0xffff  }
0x298: {  	v6 =	vld.idx.msk [tilespmem:v2+s18+$0x0], $0xffff;
	v3 =	vpop (erf)  }
0x299: {  	v7 =	vld.idx.msk [tilespmem:v1+s17+$0x0], $0xffff;
	v5 =	vpop (erf)  }
0x29a: {  	v32 =	vmul.f32 $1.442695020e+00, v48;
	v23 =	vld.idx.msk [tilespmem:v1+s19+$0x0], $0xffff;
	v3 =	vmin.f32 v3, $1.000000000e+04;
	v5 =	vmin.f32 v5, $1.000000000e+04  }
0x29b: {  	v28 =	vld.idx.msk [tilespmem:v1+s16+$0x0], $0xffff;
	v8 =	vmul.f32 v5, v5;
	v11 =	vadd.f32 v5, v17;
	v24 =	vadd.f32 v5, v18  }
0x29c: {  	v31 =	vld.idx.msk [tilespmem:v1+s18+$0x0], $0xffff;
	v26 =	vmul.f32 v3, v3;
	v27 =	vadd.f32 v3, v17;
	v30 =	vadd.f32 v3, v19  }
0x29d: {  	v44 =	vadd.f32 v3, v21;
	v0 =	vmul.f32 v8, v0;
	v11 =	vmul.f32 v24, v11;
	v24 =	vld.idx.msk [tilespmem:v2+s19+$0x0], $0xffff  }
0x29e: {  	(erf) = vpow2.f32 v32;
	v25 =	vadd.f32 v5, v14;
	v29 =	vadd.f32 v5, v20  }
0x29f: {  	v46 =	vld.idx.msk [tilespmem:v2+s22+$0x0], $0xffff;
	v43 =	vadd.f32 v5, v21;
	v7 =	vmul.f32 v26, v7;
	v0 =	vadd.f32 v0, v6  }
0x2a0: {  	v50 =	vld [tilespmem:s29+$0xFFFFFFF0];
	v45 =	vadd.f32 v5, v19;
	v4 =	vmul.f32 v8, v4;
	v28 =	vmul.f32 v26, v28  }
0x2a1: {  	v6 =	vadd.f32 v3, v20;
	v47 =	vmul.f32 v0, v8;
	v0 =	vadd.f32 v23, v7;
	v23 =	vld.idx.msk [tilespmem:v2+s21+$0x0], $0xffff  }
0x2a2: {  	v10 =	vld.idx.msk [tilespmem:v1+s20+$0x0], $0xffff;
	v28 =	vadd.f32 v28, v31;
	v7 =	vmul.f32 v43, v29;
	v4 =	vadd.f32 v24, v4  }
0x2a3: {  	v52 =	vld.idx.msk [tilespmem:v2+s20+$0x0], $0xffff;
	v29 =	vadd.f32 v3, v18;
	v6 =	vmul.f32 v44, v6;
	v24 =	vadd.f32 v3, v16  }
0x2a4: {  	v51 =	vld.idx.msk [tilespmem:v1+s21+$0x0], $0xffff;
	v49 =	vadd.f32 v5, v16;
	v28 =	vmul.f32 v28, v26;
	v4 =	vmul.f32 v4, v8  }
0x2a5: {  	v54 =	vld.idx.msk [tilespmem:v1+s23+$0x0], $0xffff;
	v53 =	vadd.f32 v5, v15;
	v27 =	vmul.f32 v29, v27;
	v24 =	vmul.f32 v30, v24  }
0x2a6: {  	v29 =	vmul.f32 v45, v49;
	v30 =	vmul.f32 v0, v26;
	v4 =	vadd.f32 v23, v4;
	v23 =	vld.idx.msk [tilespmem:v1+s22+$0x0], $0xffff  }
0x2a7: {  	s29 =	simm.s32 $0x8030;
	v10 =	vadd.f32 v28, v10;
	v28 =	vld.idx.msk [tilespmem:v2+s23+$0x0], $0xffff;
	v6 =	vmul.f32 v6, v24;
	v24 =	vmul.f32 $1.442695020e+00, v50  }
0x2a8: {  	v25 =	vmul.f32 v25, v53;
	v31 =	vadd.f32 v3, v15;
	v0 =	vld [tilespmem:s29+$0xFFFFFFF0];
	v7 =	vmul.f32 v7, v29  }
0x2a9: {  	v55 =	vmul.f32 v10, v26;
	v29 =	vadd.f32 v51, v30;
	(erf) = vpow2.f32 v24;
	v24 =	vld.idx.msk [tilespmem:v1+s25+$0x0], $0xffff  }
0x2aa: {  	v11 =	vmul.f32 v25, v11;
	v56 =	vadd.f32 v47, v52;
	v30 =	vadd.f32 v3, v14;
	v1 =	vld.idx.msk [tilespmem:v1+s24+$0x0], $0xffff  }
0x2ab: {  	v4 =	vmul.f32 v4, v8;
	v29 =	vmul.f32 v29, v26;
	v23 =	vadd.f32 v55, v23  }
0x2ac: {  	v58 =	vld.idx.msk [tilespmem:v2+s24+$0x0], $0xffff;
	v30 =	vmul.f32 v30, v31;
	v31 =	vmul.f32 v56, v8  }
0x2ad: {  	v25 =	vld.idx.msk [tilespmem:v2+s25+$0x0], $0xffff;
	v7 =	vmul.f32 v7, v11;
	v2 =	vadd.f32 v28, v4;
	v23 =	vmul.f32 v23, v26  }
0x2ae: {  	v10 =	vld [tilespmem:s29+$0x0];
	v29 =	vadd.f32 v54, v29;
	v4 =	vmul.f32 v30, v27;
	v11 =	vadd.f32 v31, v46  }
0x2af: {  	v22 =	vadd.f32 v5, v13;
	v2 =	vmul.f32 v2, v8;
	v1 =	vadd.f32 v23, v1  }
0x2b0: {  	v4 =	vmul.f32 v6, v4;
	v26 =	vmul.f32 v29, v26  }
0x2b1: {  	v57 =	vadd.f32 v3, v13;
	v6 =	vmul.f32 v7, v22;
	v7 =	vmul.f32 v11, v8  }
0x2b2: {  	v11 =	vpop (erf);
	v2 =	vadd.f32 v25, v2;
	v8 =	vadd.f32 v24, v26;
	v26 =	vld.idx.msk [tilespmem:v0+s16+$0x0], $0xffff  }
0x2b3: {  	v4 =	vmul.f32 v4, v57;
	v7 =	vadd.f32 v7, v58;
	v3 =	vmul.f32 v1, v3;
	v1 =	vpop (erf)  }
0x2b4: {  	v25 =	vld.idx.msk [tilespmem:v0+s18+$0x0], $0xffff;
	v11 =	vmin.f32 v11, $1.000000000e+04;
	(erf) = vrcp.f32 v6;
	v22 =	vmin.f32 v1, $1.000000000e+04  }
0x2b5: {  	v34 =	vld.idx.msk [tilespmem:v0+s19+$0x0], $0xffff;
	v28 =	vadd.f32 v11, v17;
	(erf) = vrcp.f32 v4;
	v24 =	vmul.f32 v22, v22  }
0x2b6: {  	v60 =	vadd.f32 v11, v20;
	v63 =	vadd.f32 v11, v21;
	v6 =	vld.idx.msk [tilespmem:v10+s17+$0x0], $0xffff  }
0x2b7: {  	v29 =	vld.idx.msk [tilespmem:v0+s17+$0x0], $0xffff;
	v38 =	vadd.f32 v11, v18;
	v3 =	vadd.f32 v3, v8;
	v26 =	vmul.f32 v24, v26  }
0x2b8: {  	v30 =	vld.idx.msk [tilespmem:v10+s19+$0x0], $0xffff;
	v23 =	vmul.f32 v11, v11;
	v27 =	vadd.f32 v22, v17;
	v1 =	vadd.f32 v22, v13  }
0x2b9: {  	v32 =	vld.idx.msk [tilespmem:v10+s16+$0x0], $0xffff;
	v33 =	vmul.f32 v63, v60;
	v31 =	vadd.f32 v22, v18;
	v25 =	vadd.f32 v26, v25  }
0x2ba: {  	v4 =	vmul.f32 v7, v5;
	v5 =	vld.idx.msk [tilespmem:v10+s20+$0x0], $0xffff;
	v8 =	vadd.f32 v22, v14;
	v59 =	vadd.f32 v22, v20  }
0x2bb: {  	v62 =	vadd.f32 v22, v21;
	v7 =	vmul.f32 v31, v27;
	v31 =	vld.idx.msk [tilespmem:v10+s18+$0x0], $0xffff;
	v61 =	vmul.f32 v23, v6  }
0x2bc: {  	v35 =	vadd.f32 v22, v19;
	v27 =	vadd.f32 v11, v19;
	v37 =	vmul.f32 v24, v29;
	v29 =	vld.idx.msk [tilespmem:v0+s21+$0x0], $0xffff  }
0x2bd: {  	s30 =	simm.s32 $0x2;
	s31 =	simm.s32 $0x50;
	v6 =	vld.idx.msk [tilespmem:v0+s22+$0x0], $0xffff;
	v36 =	vadd.f32 v30, v61;
	v30 =	vmul.f32 v62, v59;
	v26 =	vmul.f32 v25, v24;
	v25 =	vpop (erf)  }
.LBB2_2:
0x2be: {  	v39 =	vld [tilespmem:s31+$0x0];
	s30 =	sadd.s32 $0x2, s30;
	v40 =	vadd.f32 v22, v16;
	v41 =	vadd.f32 v11, v15;
	v32 =	vmul.f32 v23, v32;
	v42 =	vpop (erf)  }
0x2bf: {  	v34 =	vadd.f32 v34, v37;
	v37 =	vadd.f32 v11, v16;
	v43 =	vld [tilespmem:s31+$0xFFFFFFF0];
	p0 =	slt.u32 s30, $0x7FE;
	v28 =	vmul.f32 v38, v28  }
0x2c0: {  	v35 =	vmul.f32 v35, v40;
	v38 =	vld.idx.msk [tilespmem:v10+s21+$0x0], $0xffff;
	v31 =	vadd.f32 v32, v31;
	v32 =	vmul.f32 v36, v23  }
0x2c1: {  	v36 =	vadd.f32 v22, v15;
	v34 =	vmul.f32 v34, v24;
	v27 =	vmul.f32 v27, v37;
	v40 =	vld.idx.msk [tilespmem:v0+s20+$0x0], $0xffff  }
0x2c2: {  	v2 =	vadd.f32 v4, v2;
	v3 =	vmul.f32 v3, v42;
	v37 =	vld.idx.msk [tilespmem:v10+s23+$0x0], $0xffff;
	v31 =	vmul.f32 v31, v23  }
0x2c3: {  	s29 =	sadd.s32 $0x20, s29;
	v29 =	vadd.f32 v29, v34;
	v27 =	vmul.f32 v33, v27;
	v4 =	vmul.f32 $1.442695020e+00, v39;
	v33 =	vld.idx.msk [tilespmem:v10+s22+$0x0], $0xffff  }
0x2c4: {  	v30 =	vmul.f32 v30, v35;
	v34 =	vld [tilespmem:s29+$0xFFFFFFF0];
	v39 =	vmul.f32 $1.442695020e+00, v43;
	v5 =	vadd.f32 v31, v5  }
0x2c5: {  	v29 =	vmul.f32 v29, v24;
	v31 =	vadd.f32 v11, v14;
	(erf) = vpow2.f32 v4;
	v4 =	vld.idx.msk [tilespmem:v0+s23+$0x0], $0xffff  }
0x2c6: {  	v2 =	vmul.f32 v2, v25;
	v32 =	vadd.f32 v38, v32;
	(erf) = vpow2.f32 v39;
	v35 =	vld.idx.msk [tilespmem:v10+s25+$0x0], $0xffff  }
0x2c7: {  	v25 =	vadd.f32 v11, v13;
	v8 =	vmul.f32 v8, v36;
	v5 =	vmul.f32 v5, v23;
	v36 =	vld.idx.msk [tilespmem:v10+s24+$0x0], $0xffff  }
0x2c8: {  	v2 =	vadd.f32 v2, v12;
	v26 =	vadd.f32 v26, v40;
	v32 =	vmul.f32 v32, v23;
	v10 =	vld [tilespmem:s29+$0x0]  }
0x2c9: {  	v7 =	vmul.f32 v8, v7;
	v31 =	vmul.f32 v31, v41;
	v5 =	vadd.f32 v5, v33;
	v8 =	vld.idx.msk [tilespmem:v0+s25+$0x0], $0xffff  }
0x2ca: {  	v12 =	vadd.f32 v3, v2;
	v26 =	vmul.f32 v26, v24;
	v32 =	vadd.f32 v37, v32;
	v33 =	vld.idx.msk [tilespmem:v0+s24+$0x0], $0xffff  }
0x2cb: {  	v3 =	vmul.f32 v31, v28;
	v2 =	vadd.f32 v4, v29;
	v4 =	vmul.f32 v5, v23;
	v0 =	vmovc v34  }
0x2cc: {  	v5 =	vmul.f32 v30, v7;
	v6 =	vadd.f32 v26, v6;
	v30 =	vmul.f32 v32, v23;
	v28 =	vld.idx.msk [tilespmem:v34+s16+$0x0], $0xffff  }
0x2cd: {  	v3 =	vmul.f32 v27, v3;
	v2 =	vmul.f32 v2, v24;
	v4 =	vadd.f32 v4, v36  }
0x2ce: {  	v1 =	vmul.f32 v5, v1;
	v5 =	vmul.f32 v6, v24;
	v6 =	vadd.f32 v35, v30;
	v26 =	vld.idx.msk [tilespmem:v34+s17+$0x0], $0xffff;
	v23 =	vpop (erf)  }
0x2cf: {  	v3 =	vmul.f32 v3, v25;
	v2 =	vadd.f32 v8, v2;
	v8 =	vmul.f32 v4, v11;
	v29 =	vld.idx.msk [tilespmem:v34+s18+$0x0], $0xffff;
	v7 =	vpop (erf)  }
0x2d0: {  	v11 =	vmin.f32 v23, $1.000000000e+04;
	v4 =	vadd.f32 v5, v33;
	v25 =	vld.idx.msk [tilespmem:v10+s17+$0x0], $0xffff;
	(erf) = vrcp.f32 v1  }
0x2d1: {  	v7 =	vmin.f32 v7, $1.000000000e+04;
	v23 =	vmul.f32 v11, v11;
	v5 =	vld.idx.msk [tilespmem:v10+s20+$0x0], $0xffff;
	(erf) = vrcp.f32 v3  }
0x2d2: {  	v27 =	vadd.f32 v7, v17;
	v1 =	vadd.f32 v7, v13;
	v24 =	vmul.f32 v7, v7;
	v30 =	vld.idx.msk [tilespmem:v10+s19+$0x0], $0xffff  }
0x2d3: {  	v31 =	vadd.f32 v7, v18;
	v4 =	vmul.f32 v4, v22;
	v3 =	vadd.f32 v8, v6;
	v22 =	vmovc v7  }
0x2d4: {  	v8 =	vadd.f32 v22, v14;
	v6 =	vmul.f32 v24, v28;
	v28 =	vadd.f32 v11, v17;
	v32 =	vld.idx.msk [tilespmem:v10+s16+$0x0], $0xffff  }
.Ltmp0:
0x2d5: {  	v33 =	vadd.f32 v22, v20;
	v7 =	vmul.f32 v31, v27;
	v27 =	vadd.f32 v11, v19;
	v34 =	vld.idx.msk [tilespmem:v34+s19+$0x0], $0xffff;
	(pc) =	sbr.rel @p0 .LBB2_2-.Ltmp0, $4  }
0x2d6: {  	v39 =	vadd.f32 v11, v20;
	v29 =	vadd.f32 v6, v29;
	v41 =	vmul.f32 v23, v25;
	v31 =	vld.idx.msk [tilespmem:v10+s18+$0x0], $0xffff  }
0x2d7: {  	v40 =	vadd.f32 v11, v21;
	v38 =	vadd.f32 v22, v21;
	v37 =	vmul.f32 v24, v26  }
0x2d8: {  	v35 =	vadd.f32 v22, v19;
	v26 =	vmul.f32 v29, v24;
	v36 =	vadd.f32 v30, v41;
	v6 =	vld.idx.msk [tilespmem:v0+s22+$0x0], $0xffff  }
0x2d9: {  	s31 =	sadd.s32 $0x20, s31;
	v30 =	vmul.f32 v38, v33;
	v38 =	vadd.f32 v11, v18;
	v33 =	vmul.f32 v40, v39;
	v29 =	vld.idx.msk [tilespmem:v0+s21+$0x0], $0xffff;
	v25 =	vpop (erf)  }
0x2da: {  	_ =	sdelay $0x2  }
0x2db: {  	v17 =	vadd.f32 v22, v16;
	v18 =	vadd.f32 v11, v15;
	v19 =	vmul.f32 v23, v32  }
0x2dc: {  	v20 =	vadd.f32 v34, v37;
	v41 =	vadd.f32 v22, v15;
	v42 =	vld.idx.msk [tilespmem:v0+s20+$0x0], $0xffff;
	v44 =	vmul.f32 v36, v23  }
0x2dd: {  	v43 =	vadd.f32 v11, v16;
	v21 =	vmul.f32 v38, v28;
	v17 =	vmul.f32 v35, v17  }
0x2de: {  	v14 =	vadd.f32 v11, v14;
	v20 =	vmul.f32 v20, v24;
	v8 =	vmul.f32 v8, v41  }
0x2df: {  	v45 =	vadd.f32 v19, v31;
	v16 =	vmul.f32 v27, v43;
	v17 =	vmul.f32 v30, v17  }
0x2e0: {  	v46 =	vld.idx.msk [tilespmem:v10+s21+$0x0], $0xffff;
	v7 =	vmul.f32 v8, v7;
	v8 =	vmul.f32 v14, v18  }
0x2e1: {  	v47 =	vmul.f32 v45, v23;
	v48 =	vmul.f32 v33, v16;
	v49 =	vadd.f32 v26, v42  }
0x2e2: {  	v52 =	vld.idx.msk [tilespmem:v0+s23+$0x0], $0xffff;
	v8 =	vmul.f32 v8, v21;
	v7 =	vmul.f32 v17, v7  }
0x2e3: {  	v50 =	vld.idx.msk [tilespmem:v10+s22+$0x0], $0xffff;
	v51 =	vadd.f32 v29, v20;
	v5 =	vadd.f32 v47, v5;
	v16 =	vmul.f32 v49, v24  }
0x2e4: {  	v53 =	vld.idx.msk [tilespmem:v10+s23+$0x0], $0xffff;
	v13 =	vadd.f32 v11, v13;
	v8 =	vmul.f32 v48, v8;
	v1 =	vmul.f32 v7, v1  }
0x2e5: {  	v56 =	vld.idx.msk [tilespmem:v0+s24+$0x0], $0xffff;
	v55 =	vadd.f32 v46, v44;
	v54 =	vmul.f32 v51, v24;
	v5 =	vmul.f32 v5, v23  }
0x2e6: {  	v57 =	vld.idx.msk [tilespmem:v10+s24+$0x0], $0xffff;
	v6 =	vadd.f32 v16, v6;
	v8 =	vmul.f32 v8, v13;
	(erf) = vrcp.f32 v1  }
0x2e7: {  	v59 =	vld.idx.msk [tilespmem:v0+s25+$0x0], $0xffff;
	v58 =	vmul.f32 v55, v23;
	v7 =	vadd.f32 v52, v54  }
0x2e8: {  	v60 =	vld.idx.msk [tilespmem:v10+s25+$0x0], $0xffff;
	v5 =	vadd.f32 v5, v50;
	v6 =	vmul.f32 v6, v24;
	(erf) = vrcp.f32 v8  }
0x2e9: {  	v2 =	vadd.f32 v4, v2;
	v1 =	vadd.f32 v53, v58  }
0x2ea: {  	v7 =	vmul.f32 v7, v24;
	v5 =	vmul.f32 v5, v23;
	v6 =	vadd.f32 v6, v56  }
0x2eb: {  	v2 =	vmul.f32 v2, v25;
	v1 =	vmul.f32 v1, v23  }
0x2ec: {  	v0 =	vadd.f32 v59, v7;
	v5 =	vadd.f32 v5, v57;
	v6 =	vmul.f32 v6, v22  }
0x2ed: {  	v2 =	vadd.f32 v2, v12;
	v8 =	vpop (erf);
	v1 =	vadd.f32 v60, v1  }
0x2ee: {  	v3 =	vmul.f32 v3, v8;
	v61 =	vmul.f32 v5, v11;
	v0 =	vadd.f32 v6, v0  }
0x2ef: {  	v62 =	vpop (erf)  }
0x2f0: {  	v2 =	vadd.f32 v3, v2;
	v1 =	vadd.f32 v61, v1;
	v0 =	vmul.f32 v0, v62  }
0x2f1: {  	v63 =	vpop (erf)  }
0x2f2: {  	v1 =	vmul.f32 v1, v63;
	v0 =	vadd.f32 v0, v2;
	_ =	sdelay $0x1  }
0x2f3: {  	s28 =	sadd.s32 $0x1, s28;
	v0 =	vadd.f32 v1, v0  }
0x2f4: {  	p0 =	sne.s32 s28, s7  }
.Ltmp1:
0x2f5: {  	[tilespmem:$0x11180] =	vst v0;
	(pc) =	sbr.rel @p0 .LBB2_1-.Ltmp1, $4  }
0x2f6: {  	[hbm4b:s6+s3] =	stream.linear.scatter [tilespmem:s26], [sflag:$0x3], $0x10, $0x38;
	[tilespmem:$0x11200] =	vst v63  }
0x2f7: {  	_ =	swait.ge [sflag:s10], $0x10  }
0x2f8: {  	[sflag:s10] =	ssyncset.done $0x0  }
0x2f9: {  	[sflag:s10] =	ssyncadd.s32 $0xFFFFFFF0  }
0x2fa: {  	_ =	sfence.sel $0x180000  }
0x2fb: {  	[bflag:$0x0] =	sbarrier.arrive $0xFFFF  }
0x2fc: {  	p0 =	sne.s32 s2, $0x0;
	_ =	strace $0x90000047  }
0x2fd: {  	s0 =	sadd.s32 @!p0 $0x100000, s0;
	[bflag:$0x2] =	sbarrier.arrive $0xFFFF  }
0x2fe: {  	[sflag:s0] =	ssyncadd.tile.s32 @!p0 $0x1;
	_ =	shalt  }
.Lfunc_end2:
_tile_overlayer_lowered:
.L_overlay_start_2:
0x2ff: {  	(tag) =	ssettag $0x2  }
0x300: {  	s0 =	rddreg [dreg:$0x0];
	s2 =	stileid.u32  }
0x301: {  	s1 =	rddreg [dreg:$0x1];
	p0 =	sne.s32 s2, $0x0  }
0x302: {  	s3 =	rddreg [dreg:$0x2];
	[bflag:$0x3] =	sbarrier.arrive $0xFFFF;
	s2 =	simm.s32 @!p0 $0x1C03  }
0x303: {  	[timem:s3], [sflag:s2] =	dma.local @!p0 [hbm:s0], s1  }
0x304: {  	s0 =	simm.s32 @!p0 $0x3  }
0x305: {  	_ =	swait.ge @!p0 [sflag:s0], s1  }
0x306: {  	s1 =	ssub.s32 @!p0 $0x0, s1;
	[sflag:s0] =	ssyncset.done @!p0 $0x0  }
0x307: {  	[sflag:s0] =	ssyncadd.s32 @!p0 s1  }
0x308: {  	[bflag:$0x3] =	sbarrier.arrive $0xFFFF  }
0x309: {  	_ =	shalt  }

</sc_bundles>
